<compile_context>
chip_gen: v7x
topology: tpu7x:2x2x1
jax: 0.10.2.dev20260603
libtpu: 0.0.44.dev20260713+nightly
codegen_flags: <defaults>
</compile_context>

<pallas_src>
import jax
import jax.numpy as jnp
from jax import lax
from jax.experimental import pallas as pl
from jax.experimental.pallas import tpu as pltpu
from jax.experimental.pallas import tpu_sc as plsc

B, L, C, M = 8, 512, 256, 1536
NC, NS = 2, 16
NW = NC * NS
RPW = (B * M) // NW
QPB = M // RPW
GCH = 128
NCH = RPW // GCH


ZR = 16


def _expand_body(tgt_hbm, x_hbm, out_hbm, tgt_v, cum_v, idx_v, rows_v, zbuf,
                 sem_g, sem_w):
    wid = lax.axis_index("s") * NC + lax.axis_index("c")
    bi = wid // QPB
    q = wid % QPB
    mbase = q * RPW
    obase = bi * M + mbase
    iota = lax.iota(jnp.int32, 16)
    zeros16f = jnp.zeros((16,), jnp.float32)

    pltpu.sync_copy(tgt_hbm.at[pl.ds(bi * L, L)], tgt_v)

    def cum_body(k, carry):
        v = tgt_v[pl.ds(k * 16, 16)]
        cum_v[pl.ds(k * 16, 16)] = plsc.cumsum(v) + carry
        return carry + jnp.sum(v)

    total = lax.fori_loop(0, L // 16, cum_body, jnp.int32(0))
    n_valid = jnp.clip(total - mbase, 0, RPW)

    def search_body(k, u):
        m_vec = mbase + k * 16 + iota
        lo = jnp.zeros((16,), jnp.int32)
        step = L // 2
        while step >= 1:
            cand = lo + (step - 1)
            val = plsc.load_gather(cum_v, [cand])
            lo = jnp.where(val <= m_vec, lo + step, lo)
            step //= 2
        g = bi * L + jnp.where(m_vec < total, lo, 0)
        idx_v[pl.ds(k * 16, 16)] = g
        return u

    lax.fori_loop(0, RPW // 16, search_body, 0)

    for c in range(NCH):
        @pl.when(c * GCH < n_valid)
        def _():
            pltpu.async_copy(x_hbm.at[idx_v.at[pl.ds(c * GCH, GCH)]],
                             rows_v.at[pl.ds(c * GCH, GCH)], sem_g)

    def zero_zrow(r, u):
        for j in range(C // 16):
            zbuf[r, pl.ds(j * 16, 16)] = zeros16f
        return u

    lax.fori_loop(0, ZR, zero_zrow, 0)
    for c in range(NCH):
        @pl.when(c * GCH >= n_valid)
        def _():
            for s in range(GCH // ZR):
                pltpu.async_copy(
                    zbuf, out_hbm.at[pl.ds(obase + c * GCH + s * ZR, ZR)],
                    sem_w)

    def zero_row(r, u):
        for j in range(C // 16):
            rows_v[r, pl.ds(j * 16, 16)] = zeros16f
        return u

    for c in range(NCH):
        @pl.when(c * GCH < n_valid)
        def _():
            pltpu.make_async_copy(x_hbm.at[idx_v.at[pl.ds(c * GCH, GCH)]],
                                  rows_v.at[pl.ds(c * GCH, GCH)], sem_g).wait()
            lo = jnp.clip(n_valid - c * GCH, 0, GCH)
            lax.fori_loop(c * GCH + lo, (c + 1) * GCH, zero_row, 0)
            pltpu.async_copy(rows_v.at[pl.ds(c * GCH, GCH)],
                             out_hbm.at[pl.ds(obase + c * GCH, GCH)], sem_w)

    for c in range(NCH):
        @pl.when(c * GCH >= n_valid)
        def _():
            for s in range(GCH // ZR):
                pltpu.make_async_copy(
                    zbuf, out_hbm.at[pl.ds(obase + c * GCH + s * ZR, ZR)],
                    sem_w).wait()

        @pl.when(c * GCH < n_valid)
        def _():
            pltpu.make_async_copy(rows_v.at[pl.ds(c * GCH, GCH)],
                                  out_hbm.at[pl.ds(obase + c * GCH, GCH)],
                                  sem_w).wait()


def _expand(target_flat, x_flat):
    f = pl.kernel(
        _expand_body,
        out_type=jax.ShapeDtypeStruct((B * M, C), jnp.float32),
        mesh=plsc.VectorSubcoreMesh(core_axis_name="c", subcore_axis_name="s"),
        compiler_params=pltpu.CompilerParams(needs_layout_passes=False),
        scratch_types=[
            pltpu.VMEM((L,), jnp.int32),
            pltpu.VMEM((L,), jnp.int32),
            pltpu.VMEM((RPW,), jnp.int32),
            pltpu.VMEM((RPW, C), jnp.float32),
            pltpu.VMEM((ZR, C), jnp.float32),
            pltpu.SemaphoreType.DMA,
            pltpu.SemaphoreType.DMA,
        ],
    )
    return f(target_flat, x_flat)


def _ln_relu(h, g, b):
    m = jnp.mean(h, axis=-1, keepdims=True)
    v = jnp.mean((h - m) ** 2, axis=-1, keepdims=True)
    return jnp.maximum((h - m) * (lax.rsqrt(v + 1e-5) * g) + b, 0.0)


def _dp_body(x_ref, w1_ref, b1_ref, g1_ref, bb1_ref, w2_ref, b2_ref, g2_ref,
             bb2_ref, lw_ref, lb_ref, o_ref):
    f32 = jnp.float32
    xb = x_ref[0]
    zrow = jnp.zeros((1, C), f32)
    xprev = jnp.concatenate([zrow, xb[:-1]], axis=0)
    xnext = jnp.concatenate([xb[1:], zrow], axis=0)
    x3 = jnp.concatenate([xprev, xb, xnext], axis=1)
    h = jnp.dot(x3, w1_ref[...], preferred_element_type=f32)
    h = _ln_relu(h + b1_ref[...], g1_ref[...], bb1_ref[...])
    hprev = jnp.concatenate([zrow, h[:-1]], axis=0)
    hnext = jnp.concatenate([h[1:], zrow], axis=0)
    h3 = jnp.concatenate([hprev, h, hnext], axis=1)
    h2 = jnp.dot(h3, w2_ref[...], preferred_element_type=f32)
    h2 = _ln_relu(h2 + b2_ref[...], g2_ref[...], bb2_ref[...])
    d = jnp.sum(h2 * lw_ref[...], axis=-1) + lb_ref[0, 0]
    o_ref[0, 0, :] = jnp.maximum(d, 0.0)


def _dp(x, w1t, b1, g1, bb1, w2t, b2, g2, bb2, lw, lb):
    vec = pl.BlockSpec((1, C), lambda i: (0, 0))
    return pl.pallas_call(
        _dp_body,
        grid=(B,),
        in_specs=[
            pl.BlockSpec((1, L, C), lambda i: (i, 0, 0)),
            pl.BlockSpec((3 * C, C), lambda i: (0, 0)),
            vec, vec, vec,
            pl.BlockSpec((3 * C, C), lambda i: (0, 0)),
            vec, vec, vec,
            vec,
            pl.BlockSpec((1, 1), lambda i: (0, 0)),
        ],
        out_specs=pl.BlockSpec((1, 1, L), lambda i: (i, 0, 0)),
        out_shape=jax.ShapeDtypeStruct((B, 1, L), jnp.float32),
    )(x, w1t, b1, g1, bb1, w2t, b2, g2, bb2, lw, lb)


def kernel(x, target, mel_max_length, conv1_w, conv1_b, ln1_g, ln1_b,
           conv2_w, conv2_b, ln2_g, ln2_b, lin_w, lin_b):
    out = _expand(target.reshape(B * L), x.reshape(B * L, C)).reshape(B, M, C)
    w1t = jnp.transpose(conv1_w, (2, 1, 0)).reshape(3 * C, C)
    w2t = jnp.transpose(conv2_w, (2, 1, 0)).reshape(3 * C, C)
    dpo = _dp(x, w1t, conv1_b.reshape(1, C), ln1_g.reshape(1, C),
              ln1_b.reshape(1, C), w2t, conv2_b.reshape(1, C),
              ln2_g.reshape(1, C), ln2_b.reshape(1, C),
              lin_w, lin_b.reshape(1, 1)).reshape(B, L)
    return (out, dpo)

# --- scband reference (transcript-rebuilt; emitter-appended) ---
"""Pipeline reference for scband-length-regulator-4234837753892 (READ-ONLY COPY).

The authoritative reference and input builder live on the scoring server;
editing this copy changes nothing except your own understanding.
"""

import jax, jax.numpy as jnp
import numpy as np
from jax import lax


def layer_norm(x, g, b, eps=1e-5):
    m = x.mean(-1, keepdims=True)
    v = ((x - m) ** 2).mean(-1, keepdims=True)
    return (x - m) / jnp.sqrt(v + eps) * g + b


def setup_inputs(seed: int = 0) -> dict:
    key = jax.random.key(seed)
    ks = jax.random.split(key, 8)
    B, L, C, F = 8, 512, 256, 256
    x = jax.random.normal(ks[0], (B, L, C), dtype=jnp.float32)
    target = jax.random.randint(ks[1], (B, L), 0, 4, dtype=jnp.int32)
    conv1_w = 0.05 * jax.random.normal(ks[2], (F, C, 3), dtype=jnp.float32)
    conv1_b = jnp.zeros((F,), jnp.float32)
    ln1_g = jnp.ones((F,), jnp.float32)
    ln1_b = jnp.zeros((F,), jnp.float32)
    conv2_w = 0.05 * jax.random.normal(ks[3], (F, F, 3), dtype=jnp.float32)
    conv2_b = jnp.zeros((F,), jnp.float32)
    ln2_g = jnp.ones((F,), jnp.float32)
    ln2_b = jnp.zeros((F,), jnp.float32)
    lin_w = 0.05 * jax.random.normal(ks[4], (1, F), dtype=jnp.float32)
    lin_b = jnp.zeros((1,), jnp.float32)
    return {"x": x, "target": target, "mel_max_length": 1536,
            "conv1_w": conv1_w, "conv1_b": conv1_b, "ln1_g": ln1_g, "ln1_b": ln1_b,
            "conv2_w": conv2_w, "conv2_b": conv2_b, "ln2_g": ln2_g, "ln2_b": ln2_b,
            "lin_w": lin_w, "lin_b": lin_b}


def _duration_predictor(x, conv1_w, conv1_b, ln1_g, ln1_b, conv2_w, conv2_b, ln2_g, ln2_b, lin_w, lin_b):
    # Transpose(-1,-2) -> Conv1d(k=3, pad=1) -> Transpose -> LayerNorm -> ReLU -> (Dropout eval=identity)
    h = jnp.transpose(x, (0, 2, 1))
    h = lax.conv_general_dilated(h, conv1_w, (1,), [(1, 1)],
                                 dimension_numbers=("NCH", "OIH", "NCH"))
    h = h + conv1_b[None, :, None]
    h = jnp.transpose(h, (0, 2, 1))
    h = jax.nn.relu(layer_norm(h, ln1_g, ln1_b))
    h2 = jnp.transpose(h, (0, 2, 1))
    h2 = lax.conv_general_dilated(h2, conv2_w, (1,), [(1, 1)],
                                  dimension_numbers=("NCH", "OIH", "NCH"))
    h2 = h2 + conv2_b[None, :, None]
    h2 = jnp.transpose(h2, (0, 2, 1))
    h2 = jax.nn.relu(layer_norm(h2, ln2_g, ln2_b))
    out = h2 @ lin_w.T + lin_b
    out = jax.nn.relu(out)[..., 0]
    return out


def _create_alignment(target_np, expand_max_len):
    N, L = target_np.shape
    base = np.zeros((N, expand_max_len, L), dtype=np.float32)
    for i in range(N):
        count = 0
        for j in range(L):
            d = int(target_np[i, j])
            if d > 0:
                base[i, count:count + d, j] = 1.0
            count += d
    return base


def reference(x, target, mel_max_length, conv1_w, conv1_b, ln1_g, ln1_b,
              conv2_w, conv2_b, ln2_g, ln2_b, lin_w, lin_b):
    dpo = _duration_predictor(x, conv1_w, conv1_b, ln1_g, ln1_b,
                              conv2_w, conv2_b, ln2_g, ln2_b, lin_w, lin_b)
    # target is provided -> regulate length with ground-truth durations
    M = 1536  # known constant value of mel_max_length from setup_inputs
    cum_end = jnp.cumsum(target, axis=-1)
    cum_start = cum_end - target
    rows = jnp.arange(M, dtype=target.dtype)[None, :, None]
    alignment = ((rows >= cum_start[:, None, :]) &
                 (rows < cum_end[:, None, :])).astype(jnp.float32)
    alignment = alignment * (rows < mel_max_length).astype(jnp.float32)
    output = alignment @ x  # [B, M, C]; rows past the expanded length are zero, matching jnp.pad
    return (output, dpo)

if __name__ == "__main__":
    import jax
    _d = setup_inputs()
    print(jax.jit(kernel)(*tuple(_d.values())))

</pallas_src>

<mosaic_0001>
#map = affine_map<(d0, d1) -> (0)>
#map1 = affine_map<(d0, d1) -> (0, 0)>
module attributes {stable_mosaic.version = 14 : i64} {
  func.func @_expand_body(%arg0: i32, %arg1: i32, %arg2: memref<4096xi32, #tpu.memory_space<hbm>>, %arg3: memref<4096x256xf32, #tpu.memory_space<hbm>>, %arg4: memref<12288x256xf32, #tpu.memory_space<hbm>>, %arg5: memref<512xi32, #tpu.memory_space<vmem>>, %arg6: memref<512xi32, #tpu.memory_space<vmem>>, %arg7: memref<384xi32, #tpu.memory_space<vmem>>, %arg8: memref<384x256xf32, #tpu.memory_space<vmem>>, %arg9: memref<16x256xf32, #tpu.memory_space<vmem>>, %arg10: memref<!tpu.dma_semaphore, #tpu.memory_space<semaphore_mem>>, %arg11: memref<!tpu.dma_semaphore, #tpu.memory_space<semaphore_mem>>) attributes {dimension_semantics = [#tpu.dimension_semantics<core_parallel>, #tpu.dimension_semantics<subcore_parallel>], iteration_bounds = array<i64: 2, 16>, scalar_prefetch = 0 : i64, scratch_operands = 7 : i64, tpu.core_type = #tpu.core_type<sc_vector_subcore>, window_params = [{transform_indices = #map}, {transform_indices = #map1}, {transform_indices = #map1}]} {
    %mul3A = arith.constant 2 : i32
    %mul3A_0 = arith.muli %arg1, %mul3A : i32
    %add3A = arith.addi %mul3A_0, %arg0 : i32
    %jit3A = arith.constant 4 : i32
    %div3A = arith.divsi %add3A, %jit3A : i32
    %sign3A = arith.constant 0 : i32
    %sign3A_1 = arith.cmpi sgt, %add3A, %sign3A : i32
    %sign3A_2 = arith.extui %sign3A_1 : i1 to i32
    %sign3A_3 = arith.constant 0 : i32
    %sign3A_4 = arith.cmpi slt, %add3A, %sign3A_3 : i32
    %sign3A_5 = arith.extui %sign3A_4 : i1 to i32
    %sign3A_6 = arith.subi %sign3A_2, %sign3A_5 : i32
    %sign3A_7 = arith.constant 0 : i32
    %sign3A_8 = arith.cmpi sgt, %jit3A, %sign3A_7 : i32
    %sign3A_9 = arith.extui %sign3A_8 : i1 to i32
    %sign3A_10 = arith.constant 0 : i32
    %sign3A_11 = arith.cmpi slt, %jit3A, %sign3A_10 : i32
    %sign3A_12 = arith.extui %sign3A_11 : i1 to i32
    %sign3A_13 = arith.subi %sign3A_9, %sign3A_12 : i32
    %ne3A = arith.cmpi ne, %sign3A_6, %sign3A_13 : i32
    %rem3A = arith.remsi %add3A, %jit3A : i32
    %ne3A_14 = arith.constant 0 : i32
    %ne3A_15 = arith.cmpi ne, %rem3A, %ne3A_14 : i32
    %and3A = arith.andi %ne3A, %ne3A_15 : i1
    %sub3A = arith.constant 1 : i32
    %sub3A_16 = arith.subi %div3A, %sub3A : i32
    %select_n3A = arith.select %and3A, %sub3A_16, %div3A : i32
    %jit3A_17 = arith.constant 4 : i32
    %eq3A = arith.constant 0 : i32
    %eq3A_18 = arith.cmpi eq, %jit3A_17, %eq3A : i32
    %jit3A_19 = arith.constant 1 : i32
    %select_n3A_20 = arith.select %eq3A_18, %jit3A_19, %jit3A_17 : i32
    %rem3A_21 = arith.remsi %add3A, %select_n3A_20 : i32
    %ne3A_22 = arith.constant 0 : i32
    %ne3A_23 = arith.cmpi ne, %rem3A_21, %ne3A_22 : i32
    %lt3A = arith.constant 0 : i32
    %lt3A_24 = arith.cmpi slt, %rem3A_21, %lt3A : i32
    %lt3A_25 = arith.constant 0 : i32
    %lt3A_26 = arith.cmpi slt, %select_n3A_20, %lt3A_25 : i32
    %ne3A_27 = arith.xori %lt3A_24, %lt3A_26 : i1
    %and3A_28 = arith.andi %ne3A_27, %ne3A_23 : i1
    %add3A_29 = arith.addi %rem3A_21, %select_n3A_20 : i32
    %select_n3A_30 = arith.select %and3A_28, %add3A_29, %rem3A_21 : i32
    %mul3A_31 = arith.constant 384 : i32
    %mul3A_32 = arith.muli %select_n3A_30, %mul3A_31 : i32
    %mul3A_33 = arith.constant 1536 : i32
    %mul3A_34 = arith.muli %select_n3A, %mul3A_33 : i32
    %add3A_35 = arith.addi %mul3A_34, %mul3A_32 : i32
    %iota3A = tpu.iota {dimensions = array<i32: 0>} : vector<16xi32>
    %broadcast_in_dim3A = arith.constant 0.000000e+00 : f32
    %broadcast_in_dim3A_36 = vector.broadcast %broadcast_in_dim3A : f32 to vector<16xf32>
    %mul3A_37 = arith.constant 512 : i32
    %mul3A_38 = arith.muli %select_n3A, %mul3A_37 : i32
    "tpu.region"() ({
      %run_scoped3A = tpu.sem_alloc : memref<!tpu.dma_semaphore, #tpu.memory_space<semaphore_mem>>
      %dma_start3A = tpu.memref_slice %arg2[%mul3A_38] : memref<4096xi32, #tpu.memory_space<hbm>> -> memref<512xi32, #tpu.memory_space<hbm>>
      %dma_start3A_131 = tpu.memref_slice %arg2[%mul3A_38] : memref<4096xi32, #tpu.memory_space<hbm>> -> memref<512xi32, #tpu.memory_space<hbm>>
      tpu.enqueue_dma source(%dma_start3A_131 : memref<512xi32, #tpu.memory_space<hbm>>) target(%arg5 : memref<512xi32, #tpu.memory_space<vmem>>) target_semaphore(%run_scoped3A : memref<!tpu.dma_semaphore, #tpu.memory_space<semaphore_mem>>)
      %dma_wait3A = tpu.memref_slice %arg2[%mul3A_38] : memref<4096xi32, #tpu.memory_space<hbm>> -> memref<512xi32, #tpu.memory_space<hbm>>
      %dma_wait3A_132 = tpu.memref_slice %arg2[%mul3A_38] : memref<4096xi32, #tpu.memory_space<hbm>> -> memref<512xi32, #tpu.memory_space<hbm>>
      tpu.wait_dma2 semaphore(%run_scoped3A : memref<!tpu.dma_semaphore, #tpu.memory_space<semaphore_mem>>) src(%dma_wait3A_132 : memref<512xi32, #tpu.memory_space<hbm>>) dst(%arg5 : memref<512xi32, #tpu.memory_space<vmem>>)
      tpu.yield
    }) : () -> ()
    %scan3A = arith.constant 0 : i32
    %scan3A_39 = arith.constant 0 : i32
    %scan3A_40 = arith.constant 32 : i32
    %scan3A_41 = arith.addi %scan3A_39, %scan3A_40 : i32
    %scan3A_42 = arith.constant 1 : i32
    %scan3A_43 = scf.for %scan3A_131 = %scan3A_39 to %scan3A_41 step %scan3A_42 iter_args(%scan3A_132 = %scan3A) -> (i32)  : i32 {
      %mul3A_133 = arith.constant 16 : i32
      %mul3A_134 = arith.muli %scan3A_131, %mul3A_133 : i32
      %get3A = arith.index_cast %mul3A_134 : i32 to index
      %get3A_135 = tpu.vector_load %arg5[%get3A] {strides = array<i32>} : memref<512xi32, #tpu.memory_space<vmem>>, vector<16xi32>,
      %broadcast_in_dim3A_136 = arith.constant true
      %broadcast_in_dim3A_137 = vector.broadcast %broadcast_in_dim3A_136 : i1 to vector<16xi1>
      %masked_cumsum3A = tpu.scan <sum>, %get3A_135 masked %broadcast_in_dim3A_137 : vector<16xi32>, vector<16xi1> -> vector<16xi32>
      %add3A_138 = vector.broadcast %scan3A_132 : i32 to vector<16xi32>
      %add3A_139 = arith.addi %masked_cumsum3A, %add3A_138 : vector<16xi32>
      %mul3A_140 = arith.constant 16 : i32
      %mul3A_141 = arith.muli %scan3A_131, %mul3A_140 : i32
      %swap3A = arith.index_cast %mul3A_141 : i32 to index
      %swap3A_142 = tpu.vector_load %arg6[%swap3A] {strides = array<i32>} : memref<512xi32, #tpu.memory_space<vmem>>, vector<16xi32>,
      tpu.vector_store %arg6[%swap3A], %add3A_139 {strides = array<i32>} : memref<512xi32, #tpu.memory_space<vmem>>, vector<16xi32>,
      %reduce_sum3A = arith.constant true
      %reduce_sum3A_143 = vector.broadcast %reduce_sum3A : i1 to vector<16xi1>
      %reduce_sum3A_144 = tpu.scan <sum>, %get3A_135 masked %reduce_sum3A_143 : vector<16xi32>, vector<16xi1> -> vector<16xi32>
      %reduce_sum3A_145 = vector.extract %reduce_sum3A_144[15] : i32 from vector<16xi32>
      %add3A_146 = arith.addi %scan3A_132, %reduce_sum3A_145 : i32
      scf.yield %add3A_146 : i32
    }
    %scan3A_44 = arith.constant 32 : i32
    %sub3A_45 = arith.subi %scan3A_43, %mul3A_32 : i32
    %jit3A_46 = arith.constant 0 : i32
    %jit3A_47 = arith.constant 384 : i32
    %max3A = arith.maxsi %jit3A_46, %sub3A_45 : i32
    %min3A = arith.minsi %jit3A_47, %max3A : i32
    %scan3A_48 = arith.constant 0 : i32
    %scan3A_49 = arith.constant 0 : i32
    %scan3A_50 = arith.constant 24 : i32
    %scan3A_51 = arith.addi %scan3A_49, %scan3A_50 : i32
    %scan3A_52 = arith.constant 1 : i32
    scf.for %scan3A_131 = %scan3A_49 to %scan3A_51 step %scan3A_52  : i32 {
      %mul3A_132 = arith.constant 16 : i32
      %mul3A_133 = arith.muli %scan3A_131, %mul3A_132 : i32
      %add3A_134 = arith.addi %mul3A_32, %mul3A_133 : i32
      %add3A_135 = vector.broadcast %add3A_134 : i32 to vector<16xi32>
      %add3A_136 = arith.addi %add3A_135, %iota3A : vector<16xi32>
      %broadcast_in_dim3A_137 = arith.constant 0 : i32
      %broadcast_in_dim3A_138 = vector.broadcast %broadcast_in_dim3A_137 : i32 to vector<16xi32>
      %add3A_139 = arith.constant 255 : i32
      %add3A_140 = vector.broadcast %add3A_139 : i32 to vector<16xi32>
      %add3A_141 = arith.addi %broadcast_in_dim3A_138, %add3A_140 : vector<16xi32>
      %gather3A = tpu.vector_load_idx %arg6[%add3A_141] : memref<512xi32, #tpu.memory_space<vmem>>[vector<16xi32>], vector<16xi32>,
      %le3A_142 = arith.cmpi sle, %gather3A, %add3A_136 : vector<16xi32>
      %add3A_143 = arith.constant 256 : i32
      %add3A_144 = vector.broadcast %add3A_143 : i32 to vector<16xi32>
      %add3A_145 = arith.addi %broadcast_in_dim3A_138, %add3A_144 : vector<16xi32>
      %select_n3A_146 = arith.select %le3A_142, %add3A_145, %broadcast_in_dim3A_138 : vector<16xi1>, vector<16xi32>
      %add3A_147 = arith.constant 127 : i32
      %add3A_148 = vector.broadcast %add3A_147 : i32 to vector<16xi32>
      %add3A_149 = arith.addi %select_n3A_146, %add3A_148 : vector<16xi32>
      %gather3A_150 = tpu.vector_load_idx %arg6[%add3A_149] : memref<512xi32, #tpu.memory_space<vmem>>[vector<16xi32>], vector<16xi32>,
      %le3A_151 = arith.cmpi sle, %gather3A_150, %add3A_136 : vector<16xi32>
      %add3A_152 = arith.constant 128 : i32
      %add3A_153 = vector.broadcast %add3A_152 : i32 to vector<16xi32>
      %add3A_154 = arith.addi %select_n3A_146, %add3A_153 : vector<16xi32>
      %select_n3A_155 = arith.select %le3A_151, %add3A_154, %select_n3A_146 : vector<16xi1>, vector<16xi32>
      %add3A_156 = arith.constant 63 : i32
      %add3A_157 = vector.broadcast %add3A_156 : i32 to vector<16xi32>
      %add3A_158 = arith.addi %select_n3A_155, %add3A_157 : vector<16xi32>
      %gather3A_159 = tpu.vector_load_idx %arg6[%add3A_158] : memref<512xi32, #tpu.memory_space<vmem>>[vector<16xi32>], vector<16xi32>,
      %le3A_160 = arith.cmpi sle, %gather3A_159, %add3A_136 : vector<16xi32>
      %add3A_161 = arith.constant 64 : i32
      %add3A_162 = vector.broadcast %add3A_161 : i32 to vector<16xi32>
      %add3A_163 = arith.addi %select_n3A_155, %add3A_162 : vector<16xi32>
      %select_n3A_164 = arith.select %le3A_160, %add3A_163, %select_n3A_155 : vector<16xi1>, vector<16xi32>
      %add3A_165 = arith.constant 31 : i32
      %add3A_166 = vector.broadcast %add3A_165 : i32 to vector<16xi32>
      %add3A_167 = arith.addi %select_n3A_164, %add3A_166 : vector<16xi32>
      %gather3A_168 = tpu.vector_load_idx %arg6[%add3A_167] : memref<512xi32, #tpu.memory_space<vmem>>[vector<16xi32>], vector<16xi32>,
      %le3A_169 = arith.cmpi sle, %gather3A_168, %add3A_136 : vector<16xi32>
      %add3A_170 = arith.constant 32 : i32
      %add3A_171 = vector.broadcast %add3A_170 : i32 to vector<16xi32>
      %add3A_172 = arith.addi %select_n3A_164, %add3A_171 : vector<16xi32>
      %select_n3A_173 = arith.select %le3A_169, %add3A_172, %select_n3A_164 : vector<16xi1>, vector<16xi32>
      %add3A_174 = arith.constant 15 : i32
      %add3A_175 = vector.broadcast %add3A_174 : i32 to vector<16xi32>
      %add3A_176 = arith.addi %select_n3A_173, %add3A_175 : vector<16xi32>
      %gather3A_177 = tpu.vector_load_idx %arg6[%add3A_176] : memref<512xi32, #tpu.memory_space<vmem>>[vector<16xi32>], vector<16xi32>,
      %le3A_178 = arith.cmpi sle, %gather3A_177, %add3A_136 : vector<16xi32>
      %add3A_179 = arith.constant 16 : i32
      %add3A_180 = vector.broadcast %add3A_179 : i32 to vector<16xi32>
      %add3A_181 = arith.addi %select_n3A_173, %add3A_180 : vector<16xi32>
      %select_n3A_182 = arith.select %le3A_178, %add3A_181, %select_n3A_173 : vector<16xi1>, vector<16xi32>
      %add3A_183 = arith.constant 7 : i32
      %add3A_184 = vector.broadcast %add3A_183 : i32 to vector<16xi32>
      %add3A_185 = arith.addi %select_n3A_182, %add3A_184 : vector<16xi32>
      %gather3A_186 = tpu.vector_load_idx %arg6[%add3A_185] : memref<512xi32, #tpu.memory_space<vmem>>[vector<16xi32>], vector<16xi32>,
      %le3A_187 = arith.cmpi sle, %gather3A_186, %add3A_136 : vector<16xi32>
      %add3A_188 = arith.constant 8 : i32
      %add3A_189 = vector.broadcast %add3A_188 : i32 to vector<16xi32>
      %add3A_190 = arith.addi %select_n3A_182, %add3A_189 : vector<16xi32>
      %select_n3A_191 = arith.select %le3A_187, %add3A_190, %select_n3A_182 : vector<16xi1>, vector<16xi32>
      %add3A_192 = arith.constant 3 : i32
      %add3A_193 = vector.broadcast %add3A_192 : i32 to vector<16xi32>
      %add3A_194 = arith.addi %select_n3A_191, %add3A_193 : vector<16xi32>
      %gather3A_195 = tpu.vector_load_idx %arg6[%add3A_194] : memref<512xi32, #tpu.memory_space<vmem>>[vector<16xi32>], vector<16xi32>,
      %le3A_196 = arith.cmpi sle, %gather3A_195, %add3A_136 : vector<16xi32>
      %add3A_197 = arith.constant 4 : i32
      %add3A_198 = vector.broadcast %add3A_197 : i32 to vector<16xi32>
      %add3A_199 = arith.addi %select_n3A_191, %add3A_198 : vector<16xi32>
      %select_n3A_200 = arith.select %le3A_196, %add3A_199, %select_n3A_191 : vector<16xi1>, vector<16xi32>
      %add3A_201 = arith.constant 1 : i32
      %add3A_202 = vector.broadcast %add3A_201 : i32 to vector<16xi32>
      %add3A_203 = arith.addi %select_n3A_200, %add3A_202 : vector<16xi32>
      %gather3A_204 = tpu.vector_load_idx %arg6[%add3A_203] : memref<512xi32, #tpu.memory_space<vmem>>[vector<16xi32>], vector<16xi32>,
      %le3A_205 = arith.cmpi sle, %gather3A_204, %add3A_136 : vector<16xi32>
      %add3A_206 = arith.constant 2 : i32
      %add3A_207 = vector.broadcast %add3A_206 : i32 to vector<16xi32>
      %add3A_208 = arith.addi %select_n3A_200, %add3A_207 : vector<16xi32>
      %select_n3A_209 = arith.select %le3A_205, %add3A_208, %select_n3A_200 : vector<16xi1>, vector<16xi32>
      %add3A_210 = arith.constant 0 : i32
      %add3A_211 = vector.broadcast %add3A_210 : i32 to vector<16xi32>
      %add3A_212 = arith.addi %select_n3A_209, %add3A_211 : vector<16xi32>
      %gather3A_213 = tpu.vector_load_idx %arg6[%add3A_212] : memref<512xi32, #tpu.memory_space<vmem>>[vector<16xi32>], vector<16xi32>,
      %le3A_214 = arith.cmpi sle, %gather3A_213, %add3A_136 : vector<16xi32>
      %add3A_215 = arith.constant 1 : i32
      %add3A_216 = vector.broadcast %add3A_215 : i32 to vector<16xi32>
      %add3A_217 = arith.addi %select_n3A_209, %add3A_216 : vector<16xi32>
      %select_n3A_218 = arith.select %le3A_214, %add3A_217, %select_n3A_209 : vector<16xi1>, vector<16xi32>
      %mul3A_219 = arith.constant 512 : i32
      %mul3A_220 = arith.muli %select_n3A, %mul3A_219 : i32
      %lt3A_221 = vector.broadcast %scan3A_43 : i32 to vector<16xi32>
      %lt3A_222 = arith.cmpi slt, %add3A_136, %lt3A_221 : vector<16xi32>
      %jit3A_223 = arith.constant 0 : i32
      %broadcast_in_dim3A_224 = vector.broadcast %jit3A_223 : i32 to vector<16xi32>
      %select_n3A_225 = arith.select %lt3A_222, %select_n3A_218, %broadcast_in_dim3A_224 : vector<16xi1>, vector<16xi32>
      %add3A_226 = vector.broadcast %mul3A_220 : i32 to vector<16xi32>
      %add3A_227 = arith.addi %add3A_226, %select_n3A_225 : vector<16xi32>
      %mul3A_228 = arith.constant 16 : i32
      %mul3A_229 = arith.muli %scan3A_131, %mul3A_228 : i32
      %swap3A = arith.index_cast %mul3A_229 : i32 to index
      %swap3A_230 = tpu.vector_load %arg7[%swap3A] {strides = array<i32>} : memref<384xi32, #tpu.memory_space<vmem>>, vector<16xi32>,
      tpu.vector_store %arg7[%swap3A], %add3A_227 {strides = array<i32>} : memref<384xi32, #tpu.memory_space<vmem>>, vector<16xi32>,
    }
    %scan3A_53 = arith.constant 24 : i32
    %gt3A = arith.constant 0 : i32
    %gt3A_54 = arith.cmpi sgt, %min3A, %gt3A : i32
    %convert_element_type3A = arith.extui %gt3A_54 : i1 to i32
    %cond3A = arith.constant 0 : i32
    %cond3A_55 = arith.cmpi ne, %convert_element_type3A, %cond3A : i32
    scf.if %cond3A_55 {
      %dma_start3A = arith.constant 0 : i32
      %dma_start3A_131 = arith.constant 0 : i32
      %dma_start3A_132 = tpu.memref_slice %arg8[%dma_start3A, %dma_start3A_131] : memref<384x256xf32, #tpu.memory_space<vmem>> -> memref<128x256xf32, #tpu.memory_space<vmem>>
      %dma_start3A_133 = arith.constant 0 : i32
      %dma_start3A_134 = tpu.memref_slice %arg7[%dma_start3A_133] : memref<384xi32, #tpu.memory_space<vmem>> -> memref<128xi32, #tpu.memory_space<vmem>>
      %dma_start3A_135 = arith.constant 0 : i32
      %dma_start3A_136 = arith.constant 0 : i32
      %dma_start3A_137 = tpu.memref_slice %arg3[%dma_start3A_135, %dma_start3A_136] : memref<4096x256xf32, #tpu.memory_space<hbm>> -> memref<4096x256xf32, #tpu.memory_space<hbm>>
      tpu.enqueue_indirect_dma source(%dma_start3A_137 : memref<4096x256xf32, #tpu.memory_space<hbm>>) target(%dma_start3A_132 : memref<128x256xf32, #tpu.memory_space<vmem>>) offsets(%dma_start3A_134 : memref<128xi32, #tpu.memory_space<vmem>>) semaphore(%arg10 : memref<!tpu.dma_semaphore, #tpu.memory_space<semaphore_mem>>)
    } else {
    }
    %gt3A_56 = arith.constant 128 : i32
    %gt3A_57 = arith.cmpi sgt, %min3A, %gt3A_56 : i32
    %convert_element_type3A_58 = arith.extui %gt3A_57 : i1 to i32
    %cond3A_59 = arith.constant 0 : i32
    %cond3A_60 = arith.cmpi ne, %convert_element_type3A_58, %cond3A_59 : i32
    scf.if %cond3A_60 {
      %dma_start3A = arith.constant 128 : i32
      %dma_start3A_131 = arith.constant 0 : i32
      %dma_start3A_132 = tpu.memref_slice %arg8[%dma_start3A, %dma_start3A_131] : memref<384x256xf32, #tpu.memory_space<vmem>> -> memref<128x256xf32, #tpu.memory_space<vmem>>
      %dma_start3A_133 = arith.constant 128 : i32
      %dma_start3A_134 = tpu.memref_slice %arg7[%dma_start3A_133] : memref<384xi32, #tpu.memory_space<vmem>> -> memref<128xi32, #tpu.memory_space<vmem>>
      %dma_start3A_135 = arith.constant 0 : i32
      %dma_start3A_136 = arith.constant 0 : i32
      %dma_start3A_137 = tpu.memref_slice %arg3[%dma_start3A_135, %dma_start3A_136] : memref<4096x256xf32, #tpu.memory_space<hbm>> -> memref<4096x256xf32, #tpu.memory_space<hbm>>
      tpu.enqueue_indirect_dma source(%dma_start3A_137 : memref<4096x256xf32, #tpu.memory_space<hbm>>) target(%dma_start3A_132 : memref<128x256xf32, #tpu.memory_space<vmem>>) offsets(%dma_start3A_134 : memref<128xi32, #tpu.memory_space<vmem>>) semaphore(%arg10 : memref<!tpu.dma_semaphore, #tpu.memory_space<semaphore_mem>>)
    } else {
    }
    %gt3A_61 = arith.constant 256 : i32
    %gt3A_62 = arith.cmpi sgt, %min3A, %gt3A_61 : i32
    %convert_element_type3A_63 = arith.extui %gt3A_62 : i1 to i32
    %cond3A_64 = arith.constant 0 : i32
    %cond3A_65 = arith.cmpi ne, %convert_element_type3A_63, %cond3A_64 : i32
    scf.if %cond3A_65 {
      %dma_start3A = arith.constant 256 : i32
      %dma_start3A_131 = arith.constant 0 : i32
      %dma_start3A_132 = tpu.memref_slice %arg8[%dma_start3A, %dma_start3A_131] : memref<384x256xf32, #tpu.memory_space<vmem>> -> memref<128x256xf32, #tpu.memory_space<vmem>>
      %dma_start3A_133 = arith.constant 256 : i32
      %dma_start3A_134 = tpu.memref_slice %arg7[%dma_start3A_133] : memref<384xi32, #tpu.memory_space<vmem>> -> memref<128xi32, #tpu.memory_space<vmem>>
      %dma_start3A_135 = arith.constant 0 : i32
      %dma_start3A_136 = arith.constant 0 : i32
      %dma_start3A_137 = tpu.memref_slice %arg3[%dma_start3A_135, %dma_start3A_136] : memref<4096x256xf32, #tpu.memory_space<hbm>> -> memref<4096x256xf32, #tpu.memory_space<hbm>>
      tpu.enqueue_indirect_dma source(%dma_start3A_137 : memref<4096x256xf32, #tpu.memory_space<hbm>>) target(%dma_start3A_132 : memref<128x256xf32, #tpu.memory_space<vmem>>) offsets(%dma_start3A_134 : memref<128xi32, #tpu.memory_space<vmem>>) semaphore(%arg10 : memref<!tpu.dma_semaphore, #tpu.memory_space<semaphore_mem>>)
    } else {
    }
    %scan3A_66 = arith.constant 0 : i32
    %scan3A_67 = arith.constant 0 : i32
    %scan3A_68 = arith.constant 16 : i32
    %scan3A_69 = arith.addi %scan3A_67, %scan3A_68 : i32
    %scan3A_70 = arith.constant 1 : i32
    scf.for %scan3A_131 = %scan3A_67 to %scan3A_69 step %scan3A_70  : i32 {
      %swap3A = arith.index_cast %scan3A_131 : i32 to index
      %swap3A_132 = arith.constant 0 : index
      %swap3A_133 = tpu.vector_load %arg9[%swap3A, %swap3A_132] {strides = array<i32>} : memref<16x256xf32, #tpu.memory_space<vmem>>, vector<16xf32>,
      tpu.vector_store %arg9[%swap3A, %swap3A_132], %broadcast_in_dim3A_36 {strides = array<i32>} : memref<16x256xf32, #tpu.memory_space<vmem>>, vector<16xf32>,
      %swap3A_134 = arith.index_cast %scan3A_131 : i32 to index
      %swap3A_135 = arith.constant 16 : index
      %swap3A_136 = tpu.vector_load %arg9[%swap3A_134, %swap3A_135] {strides = array<i32>} : memref<16x256xf32, #tpu.memory_space<vmem>>, vector<16xf32>,
      tpu.vector_store %arg9[%swap3A_134, %swap3A_135], %broadcast_in_dim3A_36 {strides = array<i32>} : memref<16x256xf32, #tpu.memory_space<vmem>>, vector<16xf32>,
      %swap3A_137 = arith.index_cast %scan3A_131 : i32 to index
      %swap3A_138 = arith.constant 32 : index
      %swap3A_139 = tpu.vector_load %arg9[%swap3A_137, %swap3A_138] {strides = array<i32>} : memref<16x256xf32, #tpu.memory_space<vmem>>, vector<16xf32>,
      tpu.vector_store %arg9[%swap3A_137, %swap3A_138], %broadcast_in_dim3A_36 {strides = array<i32>} : memref<16x256xf32, #tpu.memory_space<vmem>>, vector<16xf32>,
      %swap3A_140 = arith.index_cast %scan3A_131 : i32 to index
      %swap3A_141 = arith.constant 48 : index
      %swap3A_142 = tpu.vector_load %arg9[%swap3A_140, %swap3A_141] {strides = array<i32>} : memref<16x256xf32, #tpu.memory_space<vmem>>, vector<16xf32>,
      tpu.vector_store %arg9[%swap3A_140, %swap3A_141], %broadcast_in_dim3A_36 {strides = array<i32>} : memref<16x256xf32, #tpu.memory_space<vmem>>, vector<16xf32>,
      %swap3A_143 = arith.index_cast %scan3A_131 : i32 to index
      %swap3A_144 = arith.constant 64 : index
      %swap3A_145 = tpu.vector_load %arg9[%swap3A_143, %swap3A_144] {strides = array<i32>} : memref<16x256xf32, #tpu.memory_space<vmem>>, vector<16xf32>,
      tpu.vector_store %arg9[%swap3A_143, %swap3A_144], %broadcast_in_dim3A_36 {strides = array<i32>} : memref<16x256xf32, #tpu.memory_space<vmem>>, vector<16xf32>,
      %swap3A_146 = arith.index_cast %scan3A_131 : i32 to index
      %swap3A_147 = arith.constant 80 : index
      %swap3A_148 = tpu.vector_load %arg9[%swap3A_146, %swap3A_147] {strides = array<i32>} : memref<16x256xf32, #tpu.memory_space<vmem>>, vector<16xf32>,
      tpu.vector_store %arg9[%swap3A_146, %swap3A_147], %broadcast_in_dim3A_36 {strides = array<i32>} : memref<16x256xf32, #tpu.memory_space<vmem>>, vector<16xf32>,
      %swap3A_149 = arith.index_cast %scan3A_131 : i32 to index
      %swap3A_150 = arith.constant 96 : index
      %swap3A_151 = tpu.vector_load %arg9[%swap3A_149, %swap3A_150] {strides = array<i32>} : memref<16x256xf32, #tpu.memory_space<vmem>>, vector<16xf32>,
      tpu.vector_store %arg9[%swap3A_149, %swap3A_150], %broadcast_in_dim3A_36 {strides = array<i32>} : memref<16x256xf32, #tpu.memory_space<vmem>>, vector<16xf32>,
      %swap3A_152 = arith.index_cast %scan3A_131 : i32 to index
      %swap3A_153 = arith.constant 112 : index
      %swap3A_154 = tpu.vector_load %arg9[%swap3A_152, %swap3A_153] {strides = array<i32>} : memref<16x256xf32, #tpu.memory_space<vmem>>, vector<16xf32>,
      tpu.vector_store %arg9[%swap3A_152, %swap3A_153], %broadcast_in_dim3A_36 {strides = array<i32>} : memref<16x256xf32, #tpu.memory_space<vmem>>, vector<16xf32>,
      %swap3A_155 = arith.index_cast %scan3A_131 : i32 to index
      %swap3A_156 = arith.constant 128 : index
      %swap3A_157 = tpu.vector_load %arg9[%swap3A_155, %swap3A_156] {strides = array<i32>} : memref<16x256xf32, #tpu.memory_space<vmem>>, vector<16xf32>,
      tpu.vector_store %arg9[%swap3A_155, %swap3A_156], %broadcast_in_dim3A_36 {strides = array<i32>} : memref<16x256xf32, #tpu.memory_space<vmem>>, vector<16xf32>,
      %swap3A_158 = arith.index_cast %scan3A_131 : i32 to index
      %swap3A_159 = arith.constant 144 : index
      %swap3A_160 = tpu.vector_load %arg9[%swap3A_158, %swap3A_159] {strides = array<i32>} : memref<16x256xf32, #tpu.memory_space<vmem>>, vector<16xf32>,
      tpu.vector_store %arg9[%swap3A_158, %swap3A_159], %broadcast_in_dim3A_36 {strides = array<i32>} : memref<16x256xf32, #tpu.memory_space<vmem>>, vector<16xf32>,
      %swap3A_161 = arith.index_cast %scan3A_131 : i32 to index
      %swap3A_162 = arith.constant 160 : index
      %swap3A_163 = tpu.vector_load %arg9[%swap3A_161, %swap3A_162] {strides = array<i32>} : memref<16x256xf32, #tpu.memory_space<vmem>>, vector<16xf32>,
      tpu.vector_store %arg9[%swap3A_161, %swap3A_162], %broadcast_in_dim3A_36 {strides = array<i32>} : memref<16x256xf32, #tpu.memory_space<vmem>>, vector<16xf32>,
      %swap3A_164 = arith.index_cast %scan3A_131 : i32 to index
      %swap3A_165 = arith.constant 176 : index
      %swap3A_166 = tpu.vector_load %arg9[%swap3A_164, %swap3A_165] {strides = array<i32>} : memref<16x256xf32, #tpu.memory_space<vmem>>, vector<16xf32>,
      tpu.vector_store %arg9[%swap3A_164, %swap3A_165], %broadcast_in_dim3A_36 {strides = array<i32>} : memref<16x256xf32, #tpu.memory_space<vmem>>, vector<16xf32>,
      %swap3A_167 = arith.index_cast %scan3A_131 : i32 to index
      %swap3A_168 = arith.constant 192 : index
      %swap3A_169 = tpu.vector_load %arg9[%swap3A_167, %swap3A_168] {strides = array<i32>} : memref<16x256xf32, #tpu.memory_space<vmem>>, vector<16xf32>,
      tpu.vector_store %arg9[%swap3A_167, %swap3A_168], %broadcast_in_dim3A_36 {strides = array<i32>} : memref<16x256xf32, #tpu.memory_space<vmem>>, vector<16xf32>,
      %swap3A_170 = arith.index_cast %scan3A_131 : i32 to index
      %swap3A_171 = arith.constant 208 : index
      %swap3A_172 = tpu.vector_load %arg9[%swap3A_170, %swap3A_171] {strides = array<i32>} : memref<16x256xf32, #tpu.memory_space<vmem>>, vector<16xf32>,
      tpu.vector_store %arg9[%swap3A_170, %swap3A_171], %broadcast_in_dim3A_36 {strides = array<i32>} : memref<16x256xf32, #tpu.memory_space<vmem>>, vector<16xf32>,
      %swap3A_173 = arith.index_cast %scan3A_131 : i32 to index
      %swap3A_174 = arith.constant 224 : index
      %swap3A_175 = tpu.vector_load %arg9[%swap3A_173, %swap3A_174] {strides = array<i32>} : memref<16x256xf32, #tpu.memory_space<vmem>>, vector<16xf32>,
      tpu.vector_store %arg9[%swap3A_173, %swap3A_174], %broadcast_in_dim3A_36 {strides = array<i32>} : memref<16x256xf32, #tpu.memory_space<vmem>>, vector<16xf32>,
      %swap3A_176 = arith.index_cast %scan3A_131 : i32 to index
      %swap3A_177 = arith.constant 240 : index
      %swap3A_178 = tpu.vector_load %arg9[%swap3A_176, %swap3A_177] {strides = array<i32>} : memref<16x256xf32, #tpu.memory_space<vmem>>, vector<16xf32>,
      tpu.vector_store %arg9[%swap3A_176, %swap3A_177], %broadcast_in_dim3A_36 {strides = array<i32>} : memref<16x256xf32, #tpu.memory_space<vmem>>, vector<16xf32>,
    }
    %scan3A_71 = arith.constant 16 : i32
    %le3A = arith.constant 0 : i32
    %le3A_72 = arith.cmpi sle, %min3A, %le3A : i32
    %convert_element_type3A_73 = arith.extui %le3A_72 : i1 to i32
    %cond3A_74 = arith.constant 0 : i32
    %cond3A_75 = arith.cmpi ne, %convert_element_type3A_73, %cond3A_74 : i32
    scf.if %cond3A_75 {
      %add3A_131 = arith.constant 0 : i32
      %add3A_132 = arith.addi %add3A_35, %add3A_131 : i32
      %add3A_133 = arith.constant 0 : i32
      %add3A_134 = arith.addi %add3A_132, %add3A_133 : i32
      %dma_start3A = arith.constant 0 : i32
      %dma_start3A_135 = tpu.memref_slice %arg4[%add3A_134, %dma_start3A] : memref<12288x256xf32, #tpu.memory_space<hbm>> -> memref<16x256xf32, #tpu.memory_space<hbm>>
      %dma_start3A_136 = arith.constant 0 : i32
      %dma_start3A_137 = tpu.memref_slice %arg4[%add3A_134, %dma_start3A_136] : memref<12288x256xf32, #tpu.memory_space<hbm>> -> memref<16x256xf32, #tpu.memory_space<hbm>>
      tpu.enqueue_dma source(%arg9 : memref<16x256xf32, #tpu.memory_space<vmem>>) target(%dma_start3A_137 : memref<16x256xf32, #tpu.memory_space<hbm>>) target_semaphore(%arg11 : memref<!tpu.dma_semaphore, #tpu.memory_space<semaphore_mem>>)
      %add3A_138 = arith.constant 0 : i32
      %add3A_139 = arith.addi %add3A_35, %add3A_138 : i32
      %add3A_140 = arith.constant 16 : i32
      %add3A_141 = arith.addi %add3A_139, %add3A_140 : i32
      %dma_start3A_142 = arith.constant 0 : i32
      %dma_start3A_143 = tpu.memref_slice %arg4[%add3A_141, %dma_start3A_142] : memref<12288x256xf32, #tpu.memory_space<hbm>> -> memref<16x256xf32, #tpu.memory_space<hbm>>
      %dma_start3A_144 = arith.constant 0 : i32
      %dma_start3A_145 = tpu.memref_slice %arg4[%add3A_141, %dma_start3A_144] : memref<12288x256xf32, #tpu.memory_space<hbm>> -> memref<16x256xf32, #tpu.memory_space<hbm>>
      tpu.enqueue_dma source(%arg9 : memref<16x256xf32, #tpu.memory_space<vmem>>) target(%dma_start3A_145 : memref<16x256xf32, #tpu.memory_space<hbm>>) target_semaphore(%arg11 : memref<!tpu.dma_semaphore, #tpu.memory_space<semaphore_mem>>)
      %add3A_146 = arith.constant 0 : i32
      %add3A_147 = arith.addi %add3A_35, %add3A_146 : i32
      %add3A_148 = arith.constant 32 : i32
      %add3A_149 = arith.addi %add3A_147, %add3A_148 : i32
      %dma_start3A_150 = arith.constant 0 : i32
      %dma_start3A_151 = tpu.memref_slice %arg4[%add3A_149, %dma_start3A_150] : memref<12288x256xf32, #tpu.memory_space<hbm>> -> memref<16x256xf32, #tpu.memory_space<hbm>>
      %dma_start3A_152 = arith.constant 0 : i32
      %dma_start3A_153 = tpu.memref_slice %arg4[%add3A_149, %dma_start3A_152] : memref<12288x256xf32, #tpu.memory_space<hbm>> -> memref<16x256xf32, #tpu.memory_space<hbm>>
      tpu.enqueue_dma source(%arg9 : memref<16x256xf32, #tpu.memory_space<vmem>>) target(%dma_start3A_153 : memref<16x256xf32, #tpu.memory_space<hbm>>) target_semaphore(%arg11 : memref<!tpu.dma_semaphore, #tpu.memory_space<semaphore_mem>>)
      %add3A_154 = arith.constant 0 : i32
      %add3A_155 = arith.addi %add3A_35, %add3A_154 : i32
      %add3A_156 = arith.constant 48 : i32
      %add3A_157 = arith.addi %add3A_155, %add3A_156 : i32
      %dma_start3A_158 = arith.constant 0 : i32
      %dma_start3A_159 = tpu.memref_slice %arg4[%add3A_157, %dma_start3A_158] : memref<12288x256xf32, #tpu.memory_space<hbm>> -> memref<16x256xf32, #tpu.memory_space<hbm>>
      %dma_start3A_160 = arith.constant 0 : i32
      %dma_start3A_161 = tpu.memref_slice %arg4[%add3A_157, %dma_start3A_160] : memref<12288x256xf32, #tpu.memory_space<hbm>> -> memref<16x256xf32, #tpu.memory_space<hbm>>
      tpu.enqueue_dma source(%arg9 : memref<16x256xf32, #tpu.memory_space<vmem>>) target(%dma_start3A_161 : memref<16x256xf32, #tpu.memory_space<hbm>>) target_semaphore(%arg11 : memref<!tpu.dma_semaphore, #tpu.memory_space<semaphore_mem>>)
      %add3A_162 = arith.constant 0 : i32
      %add3A_163 = arith.addi %add3A_35, %add3A_162 : i32
      %add3A_164 = arith.constant 64 : i32
      %add3A_165 = arith.addi %add3A_163, %add3A_164 : i32
      %dma_start3A_166 = arith.constant 0 : i32
      %dma_start3A_167 = tpu.memref_slice %arg4[%add3A_165, %dma_start3A_166] : memref<12288x256xf32, #tpu.memory_space<hbm>> -> memref<16x256xf32, #tpu.memory_space<hbm>>
      %dma_start3A_168 = arith.constant 0 : i32
      %dma_start3A_169 = tpu.memref_slice %arg4[%add3A_165, %dma_start3A_168] : memref<12288x256xf32, #tpu.memory_space<hbm>> -> memref<16x256xf32, #tpu.memory_space<hbm>>
      tpu.enqueue_dma source(%arg9 : memref<16x256xf32, #tpu.memory_space<vmem>>) target(%dma_start3A_169 : memref<16x256xf32, #tpu.memory_space<hbm>>) target_semaphore(%arg11 : memref<!tpu.dma_semaphore, #tpu.memory_space<semaphore_mem>>)
      %add3A_170 = arith.constant 0 : i32
      %add3A_171 = arith.addi %add3A_35, %add3A_170 : i32
      %add3A_172 = arith.constant 80 : i32
      %add3A_173 = arith.addi %add3A_171, %add3A_172 : i32
      %dma_start3A_174 = arith.constant 0 : i32
      %dma_start3A_175 = tpu.memref_slice %arg4[%add3A_173, %dma_start3A_174] : memref<12288x256xf32, #tpu.memory_space<hbm>> -> memref<16x256xf32, #tpu.memory_space<hbm>>
      %dma_start3A_176 = arith.constant 0 : i32
      %dma_start3A_177 = tpu.memref_slice %arg4[%add3A_173, %dma_start3A_176] : memref<12288x256xf32, #tpu.memory_space<hbm>> -> memref<16x256xf32, #tpu.memory_space<hbm>>
      tpu.enqueue_dma source(%arg9 : memref<16x256xf32, #tpu.memory_space<vmem>>) target(%dma_start3A_177 : memref<16x256xf32, #tpu.memory_space<hbm>>) target_semaphore(%arg11 : memref<!tpu.dma_semaphore, #tpu.memory_space<semaphore_mem>>)
      %add3A_178 = arith.constant 0 : i32
      %add3A_179 = arith.addi %add3A_35, %add3A_178 : i32
      %add3A_180 = arith.constant 96 : i32
      %add3A_181 = arith.addi %add3A_179, %add3A_180 : i32
      %dma_start3A_182 = arith.constant 0 : i32
      %dma_start3A_183 = tpu.memref_slice %arg4[%add3A_181, %dma_start3A_182] : memref<12288x256xf32, #tpu.memory_space<hbm>> -> memref<16x256xf32, #tpu.memory_space<hbm>>
      %dma_start3A_184 = arith.constant 0 : i32
      %dma_start3A_185 = tpu.memref_slice %arg4[%add3A_181, %dma_start3A_184] : memref<12288x256xf32, #tpu.memory_space<hbm>> -> memref<16x256xf32, #tpu.memory_space<hbm>>
      tpu.enqueue_dma source(%arg9 : memref<16x256xf32, #tpu.memory_space<vmem>>) target(%dma_start3A_185 : memref<16x256xf32, #tpu.memory_space<hbm>>) target_semaphore(%arg11 : memref<!tpu.dma_semaphore, #tpu.memory_space<semaphore_mem>>)
      %add3A_186 = arith.constant 0 : i32
      %add3A_187 = arith.addi %add3A_35, %add3A_186 : i32
      %add3A_188 = arith.constant 112 : i32
      %add3A_189 = arith.addi %add3A_187, %add3A_188 : i32
      %dma_start3A_190 = arith.constant 0 : i32
      %dma_start3A_191 = tpu.memref_slice %arg4[%add3A_189, %dma_start3A_190] : memref<12288x256xf32, #tpu.memory_space<hbm>> -> memref<16x256xf32, #tpu.memory_space<hbm>>
      %dma_start3A_192 = arith.constant 0 : i32
      %dma_start3A_193 = tpu.memref_slice %arg4[%add3A_189, %dma_start3A_192] : memref<12288x256xf32, #tpu.memory_space<hbm>> -> memref<16x256xf32, #tpu.memory_space<hbm>>
      tpu.enqueue_dma source(%arg9 : memref<16x256xf32, #tpu.memory_space<vmem>>) target(%dma_start3A_193 : memref<16x256xf32, #tpu.memory_space<hbm>>) target_semaphore(%arg11 : memref<!tpu.dma_semaphore, #tpu.memory_space<semaphore_mem>>)
    } else {
    }
    %le3A_76 = arith.constant 128 : i32
    %le3A_77 = arith.cmpi sle, %min3A, %le3A_76 : i32
    %convert_element_type3A_78 = arith.extui %le3A_77 : i1 to i32
    %cond3A_79 = arith.constant 0 : i32
    %cond3A_80 = arith.cmpi ne, %convert_element_type3A_78, %cond3A_79 : i32
    scf.if %cond3A_80 {
      %add3A_131 = arith.constant 128 : i32
      %add3A_132 = arith.addi %add3A_35, %add3A_131 : i32
      %add3A_133 = arith.constant 0 : i32
      %add3A_134 = arith.addi %add3A_132, %add3A_133 : i32
      %dma_start3A = arith.constant 0 : i32
      %dma_start3A_135 = tpu.memref_slice %arg4[%add3A_134, %dma_start3A] : memref<12288x256xf32, #tpu.memory_space<hbm>> -> memref<16x256xf32, #tpu.memory_space<hbm>>
      %dma_start3A_136 = arith.constant 0 : i32
      %dma_start3A_137 = tpu.memref_slice %arg4[%add3A_134, %dma_start3A_136] : memref<12288x256xf32, #tpu.memory_space<hbm>> -> memref<16x256xf32, #tpu.memory_space<hbm>>
      tpu.enqueue_dma source(%arg9 : memref<16x256xf32, #tpu.memory_space<vmem>>) target(%dma_start3A_137 : memref<16x256xf32, #tpu.memory_space<hbm>>) target_semaphore(%arg11 : memref<!tpu.dma_semaphore, #tpu.memory_space<semaphore_mem>>)
      %add3A_138 = arith.constant 128 : i32
      %add3A_139 = arith.addi %add3A_35, %add3A_138 : i32
      %add3A_140 = arith.constant 16 : i32
      %add3A_141 = arith.addi %add3A_139, %add3A_140 : i32
      %dma_start3A_142 = arith.constant 0 : i32
      %dma_start3A_143 = tpu.memref_slice %arg4[%add3A_141, %dma_start3A_142] : memref<12288x256xf32, #tpu.memory_space<hbm>> -> memref<16x256xf32, #tpu.memory_space<hbm>>
      %dma_start3A_144 = arith.constant 0 : i32
      %dma_start3A_145 = tpu.memref_slice %arg4[%add3A_141, %dma_start3A_144] : memref<12288x256xf32, #tpu.memory_space<hbm>> -> memref<16x256xf32, #tpu.memory_space<hbm>>
      tpu.enqueue_dma source(%arg9 : memref<16x256xf32, #tpu.memory_space<vmem>>) target(%dma_start3A_145 : memref<16x256xf32, #tpu.memory_space<hbm>>) target_semaphore(%arg11 : memref<!tpu.dma_semaphore, #tpu.memory_space<semaphore_mem>>)
      %add3A_146 = arith.constant 128 : i32
      %add3A_147 = arith.addi %add3A_35, %add3A_146 : i32
      %add3A_148 = arith.constant 32 : i32
      %add3A_149 = arith.addi %add3A_147, %add3A_148 : i32
      %dma_start3A_150 = arith.constant 0 : i32
      %dma_start3A_151 = tpu.memref_slice %arg4[%add3A_149, %dma_start3A_150] : memref<12288x256xf32, #tpu.memory_space<hbm>> -> memref<16x256xf32, #tpu.memory_space<hbm>>
      %dma_start3A_152 = arith.constant 0 : i32
      %dma_start3A_153 = tpu.memref_slice %arg4[%add3A_149, %dma_start3A_152] : memref<12288x256xf32, #tpu.memory_space<hbm>> -> memref<16x256xf32, #tpu.memory_space<hbm>>
      tpu.enqueue_dma source(%arg9 : memref<16x256xf32, #tpu.memory_space<vmem>>) target(%dma_start3A_153 : memref<16x256xf32, #tpu.memory_space<hbm>>) target_semaphore(%arg11 : memref<!tpu.dma_semaphore, #tpu.memory_space<semaphore_mem>>)
      %add3A_154 = arith.constant 128 : i32
      %add3A_155 = arith.addi %add3A_35, %add3A_154 : i32
      %add3A_156 = arith.constant 48 : i32
      %add3A_157 = arith.addi %add3A_155, %add3A_156 : i32
      %dma_start3A_158 = arith.constant 0 : i32
      %dma_start3A_159 = tpu.memref_slice %arg4[%add3A_157, %dma_start3A_158] : memref<12288x256xf32, #tpu.memory_space<hbm>> -> memref<16x256xf32, #tpu.memory_space<hbm>>
      %dma_start3A_160 = arith.constant 0 : i32
      %dma_start3A_161 = tpu.memref_slice %arg4[%add3A_157, %dma_start3A_160] : memref<12288x256xf32, #tpu.memory_space<hbm>> -> memref<16x256xf32, #tpu.memory_space<hbm>>
      tpu.enqueue_dma source(%arg9 : memref<16x256xf32, #tpu.memory_space<vmem>>) target(%dma_start3A_161 : memref<16x256xf32, #tpu.memory_space<hbm>>) target_semaphore(%arg11 : memref<!tpu.dma_semaphore, #tpu.memory_space<semaphore_mem>>)
      %add3A_162 = arith.constant 128 : i32
      %add3A_163 = arith.addi %add3A_35, %add3A_162 : i32
      %add3A_164 = arith.constant 64 : i32
      %add3A_165 = arith.addi %add3A_163, %add3A_164 : i32
      %dma_start3A_166 = arith.constant 0 : i32
      %dma_start3A_167 = tpu.memref_slice %arg4[%add3A_165, %dma_start3A_166] : memref<12288x256xf32, #tpu.memory_space<hbm>> -> memref<16x256xf32, #tpu.memory_space<hbm>>
      %dma_start3A_168 = arith.constant 0 : i32
      %dma_start3A_169 = tpu.memref_slice %arg4[%add3A_165, %dma_start3A_168] : memref<12288x256xf32, #tpu.memory_space<hbm>> -> memref<16x256xf32, #tpu.memory_space<hbm>>
      tpu.enqueue_dma source(%arg9 : memref<16x256xf32, #tpu.memory_space<vmem>>) target(%dma_start3A_169 : memref<16x256xf32, #tpu.memory_space<hbm>>) target_semaphore(%arg11 : memref<!tpu.dma_semaphore, #tpu.memory_space<semaphore_mem>>)
      %add3A_170 = arith.constant 128 : i32
      %add3A_171 = arith.addi %add3A_35, %add3A_170 : i32
      %add3A_172 = arith.constant 80 : i32
      %add3A_173 = arith.addi %add3A_171, %add3A_172 : i32
      %dma_start3A_174 = arith.constant 0 : i32
      %dma_start3A_175 = tpu.memref_slice %arg4[%add3A_173, %dma_start3A_174] : memref<12288x256xf32, #tpu.memory_space<hbm>> -> memref<16x256xf32, #tpu.memory_space<hbm>>
      %dma_start3A_176 = arith.constant 0 : i32
      %dma_start3A_177 = tpu.memref_slice %arg4[%add3A_173, %dma_start3A_176] : memref<12288x256xf32, #tpu.memory_space<hbm>> -> memref<16x256xf32, #tpu.memory_space<hbm>>
      tpu.enqueue_dma source(%arg9 : memref<16x256xf32, #tpu.memory_space<vmem>>) target(%dma_start3A_177 : memref<16x256xf32, #tpu.memory_space<hbm>>) target_semaphore(%arg11 : memref<!tpu.dma_semaphore, #tpu.memory_space<semaphore_mem>>)
      %add3A_178 = arith.constant 128 : i32
      %add3A_179 = arith.addi %add3A_35, %add3A_178 : i32
      %add3A_180 = arith.constant 96 : i32
      %add3A_181 = arith.addi %add3A_179, %add3A_180 : i32
      %dma_start3A_182 = arith.constant 0 : i32
      %dma_start3A_183 = tpu.memref_slice %arg4[%add3A_181, %dma_start3A_182] : memref<12288x256xf32, #tpu.memory_space<hbm>> -> memref<16x256xf32, #tpu.memory_space<hbm>>
      %dma_start3A_184 = arith.constant 0 : i32
      %dma_start3A_185 = tpu.memref_slice %arg4[%add3A_181, %dma_start3A_184] : memref<12288x256xf32, #tpu.memory_space<hbm>> -> memref<16x256xf32, #tpu.memory_space<hbm>>
      tpu.enqueue_dma source(%arg9 : memref<16x256xf32, #tpu.memory_space<vmem>>) target(%dma_start3A_185 : memref<16x256xf32, #tpu.memory_space<hbm>>) target_semaphore(%arg11 : memref<!tpu.dma_semaphore, #tpu.memory_space<semaphore_mem>>)
      %add3A_186 = arith.constant 128 : i32
      %add3A_187 = arith.addi %add3A_35, %add3A_186 : i32
      %add3A_188 = arith.constant 112 : i32
      %add3A_189 = arith.addi %add3A_187, %add3A_188 : i32
      %dma_start3A_190 = arith.constant 0 : i32
      %dma_start3A_191 = tpu.memref_slice %arg4[%add3A_189, %dma_start3A_190] : memref<12288x256xf32, #tpu.memory_space<hbm>> -> memref<16x256xf32, #tpu.memory_space<hbm>>
      %dma_start3A_192 = arith.constant 0 : i32
      %dma_start3A_193 = tpu.memref_slice %arg4[%add3A_189, %dma_start3A_192] : memref<12288x256xf32, #tpu.memory_space<hbm>> -> memref<16x256xf32, #tpu.memory_space<hbm>>
      tpu.enqueue_dma source(%arg9 : memref<16x256xf32, #tpu.memory_space<vmem>>) target(%dma_start3A_193 : memref<16x256xf32, #tpu.memory_space<hbm>>) target_semaphore(%arg11 : memref<!tpu.dma_semaphore, #tpu.memory_space<semaphore_mem>>)
    } else {
    }
    %le3A_81 = arith.constant 256 : i32
    %le3A_82 = arith.cmpi sle, %min3A, %le3A_81 : i32
    %convert_element_type3A_83 = arith.extui %le3A_82 : i1 to i32
    %cond3A_84 = arith.constant 0 : i32
    %cond3A_85 = arith.cmpi ne, %convert_element_type3A_83, %cond3A_84 : i32
    scf.if %cond3A_85 {
      %add3A_131 = arith.constant 256 : i32
      %add3A_132 = arith.addi %add3A_35, %add3A_131 : i32
      %add3A_133 = arith.constant 0 : i32
      %add3A_134 = arith.addi %add3A_132, %add3A_133 : i32
      %dma_start3A = arith.constant 0 : i32
      %dma_start3A_135 = tpu.memref_slice %arg4[%add3A_134, %dma_start3A] : memref<12288x256xf32, #tpu.memory_space<hbm>> -> memref<16x256xf32, #tpu.memory_space<hbm>>
      %dma_start3A_136 = arith.constant 0 : i32
      %dma_start3A_137 = tpu.memref_slice %arg4[%add3A_134, %dma_start3A_136] : memref<12288x256xf32, #tpu.memory_space<hbm>> -> memref<16x256xf32, #tpu.memory_space<hbm>>
      tpu.enqueue_dma source(%arg9 : memref<16x256xf32, #tpu.memory_space<vmem>>) target(%dma_start3A_137 : memref<16x256xf32, #tpu.memory_space<hbm>>) target_semaphore(%arg11 : memref<!tpu.dma_semaphore, #tpu.memory_space<semaphore_mem>>)
      %add3A_138 = arith.constant 256 : i32
      %add3A_139 = arith.addi %add3A_35, %add3A_138 : i32
      %add3A_140 = arith.constant 16 : i32
      %add3A_141 = arith.addi %add3A_139, %add3A_140 : i32
      %dma_start3A_142 = arith.constant 0 : i32
      %dma_start3A_143 = tpu.memref_slice %arg4[%add3A_141, %dma_start3A_142] : memref<12288x256xf32, #tpu.memory_space<hbm>> -> memref<16x256xf32, #tpu.memory_space<hbm>>
      %dma_start3A_144 = arith.constant 0 : i32
      %dma_start3A_145 = tpu.memref_slice %arg4[%add3A_141, %dma_start3A_144] : memref<12288x256xf32, #tpu.memory_space<hbm>> -> memref<16x256xf32, #tpu.memory_space<hbm>>
      tpu.enqueue_dma source(%arg9 : memref<16x256xf32, #tpu.memory_space<vmem>>) target(%dma_start3A_145 : memref<16x256xf32, #tpu.memory_space<hbm>>) target_semaphore(%arg11 : memref<!tpu.dma_semaphore, #tpu.memory_space<semaphore_mem>>)
      %add3A_146 = arith.constant 256 : i32
      %add3A_147 = arith.addi %add3A_35, %add3A_146 : i32
      %add3A_148 = arith.constant 32 : i32
      %add3A_149 = arith.addi %add3A_147, %add3A_148 : i32
      %dma_start3A_150 = arith.constant 0 : i32
      %dma_start3A_151 = tpu.memref_slice %arg4[%add3A_149, %dma_start3A_150] : memref<12288x256xf32, #tpu.memory_space<hbm>> -> memref<16x256xf32, #tpu.memory_space<hbm>>
      %dma_start3A_152 = arith.constant 0 : i32
      %dma_start3A_153 = tpu.memref_slice %arg4[%add3A_149, %dma_start3A_152] : memref<12288x256xf32, #tpu.memory_space<hbm>> -> memref<16x256xf32, #tpu.memory_space<hbm>>
      tpu.enqueue_dma source(%arg9 : memref<16x256xf32, #tpu.memory_space<vmem>>) target(%dma_start3A_153 : memref<16x256xf32, #tpu.memory_space<hbm>>) target_semaphore(%arg11 : memref<!tpu.dma_semaphore, #tpu.memory_space<semaphore_mem>>)
      %add3A_154 = arith.constant 256 : i32
      %add3A_155 = arith.addi %add3A_35, %add3A_154 : i32
      %add3A_156 = arith.constant 48 : i32
      %add3A_157 = arith.addi %add3A_155, %add3A_156 : i32
      %dma_start3A_158 = arith.constant 0 : i32
      %dma_start3A_159 = tpu.memref_slice %arg4[%add3A_157, %dma_start3A_158] : memref<12288x256xf32, #tpu.memory_space<hbm>> -> memref<16x256xf32, #tpu.memory_space<hbm>>
      %dma_start3A_160 = arith.constant 0 : i32
      %dma_start3A_161 = tpu.memref_slice %arg4[%add3A_157, %dma_start3A_160] : memref<12288x256xf32, #tpu.memory_space<hbm>> -> memref<16x256xf32, #tpu.memory_space<hbm>>
      tpu.enqueue_dma source(%arg9 : memref<16x256xf32, #tpu.memory_space<vmem>>) target(%dma_start3A_161 : memref<16x256xf32, #tpu.memory_space<hbm>>) target_semaphore(%arg11 : memref<!tpu.dma_semaphore, #tpu.memory_space<semaphore_mem>>)
      %add3A_162 = arith.constant 256 : i32
      %add3A_163 = arith.addi %add3A_35, %add3A_162 : i32
      %add3A_164 = arith.constant 64 : i32
      %add3A_165 = arith.addi %add3A_163, %add3A_164 : i32
      %dma_start3A_166 = arith.constant 0 : i32
      %dma_start3A_167 = tpu.memref_slice %arg4[%add3A_165, %dma_start3A_166] : memref<12288x256xf32, #tpu.memory_space<hbm>> -> memref<16x256xf32, #tpu.memory_space<hbm>>
      %dma_start3A_168 = arith.constant 0 : i32
      %dma_start3A_169 = tpu.memref_slice %arg4[%add3A_165, %dma_start3A_168] : memref<12288x256xf32, #tpu.memory_space<hbm>> -> memref<16x256xf32, #tpu.memory_space<hbm>>
      tpu.enqueue_dma source(%arg9 : memref<16x256xf32, #tpu.memory_space<vmem>>) target(%dma_start3A_169 : memref<16x256xf32, #tpu.memory_space<hbm>>) target_semaphore(%arg11 : memref<!tpu.dma_semaphore, #tpu.memory_space<semaphore_mem>>)
      %add3A_170 = arith.constant 256 : i32
      %add3A_171 = arith.addi %add3A_35, %add3A_170 : i32
      %add3A_172 = arith.constant 80 : i32
      %add3A_173 = arith.addi %add3A_171, %add3A_172 : i32
      %dma_start3A_174 = arith.constant 0 : i32
      %dma_start3A_175 = tpu.memref_slice %arg4[%add3A_173, %dma_start3A_174] : memref<12288x256xf32, #tpu.memory_space<hbm>> -> memref<16x256xf32, #tpu.memory_space<hbm>>
      %dma_start3A_176 = arith.constant 0 : i32
      %dma_start3A_177 = tpu.memref_slice %arg4[%add3A_173, %dma_start3A_176] : memref<12288x256xf32, #tpu.memory_space<hbm>> -> memref<16x256xf32, #tpu.memory_space<hbm>>
      tpu.enqueue_dma source(%arg9 : memref<16x256xf32, #tpu.memory_space<vmem>>) target(%dma_start3A_177 : memref<16x256xf32, #tpu.memory_space<hbm>>) target_semaphore(%arg11 : memref<!tpu.dma_semaphore, #tpu.memory_space<semaphore_mem>>)
      %add3A_178 = arith.constant 256 : i32
      %add3A_179 = arith.addi %add3A_35, %add3A_178 : i32
      %add3A_180 = arith.constant 96 : i32
      %add3A_181 = arith.addi %add3A_179, %add3A_180 : i32
      %dma_start3A_182 = arith.constant 0 : i32
      %dma_start3A_183 = tpu.memref_slice %arg4[%add3A_181, %dma_start3A_182] : memref<12288x256xf32, #tpu.memory_space<hbm>> -> memref<16x256xf32, #tpu.memory_space<hbm>>
      %dma_start3A_184 = arith.constant 0 : i32
      %dma_start3A_185 = tpu.memref_slice %arg4[%add3A_181, %dma_start3A_184] : memref<12288x256xf32, #tpu.memory_space<hbm>> -> memref<16x256xf32, #tpu.memory_space<hbm>>
      tpu.enqueue_dma source(%arg9 : memref<16x256xf32, #tpu.memory_space<vmem>>) target(%dma_start3A_185 : memref<16x256xf32, #tpu.memory_space<hbm>>) target_semaphore(%arg11 : memref<!tpu.dma_semaphore, #tpu.memory_space<semaphore_mem>>)
      %add3A_186 = arith.constant 256 : i32
      %add3A_187 = arith.addi %add3A_35, %add3A_186 : i32
      %add3A_188 = arith.constant 112 : i32
      %add3A_189 = arith.addi %add3A_187, %add3A_188 : i32
      %dma_start3A_190 = arith.constant 0 : i32
      %dma_start3A_191 = tpu.memref_slice %arg4[%add3A_189, %dma_start3A_190] : memref<12288x256xf32, #tpu.memory_space<hbm>> -> memref<16x256xf32, #tpu.memory_space<hbm>>
      %dma_start3A_192 = arith.constant 0 : i32
      %dma_start3A_193 = tpu.memref_slice %arg4[%add3A_189, %dma_start3A_192] : memref<12288x256xf32, #tpu.memory_space<hbm>> -> memref<16x256xf32, #tpu.memory_space<hbm>>
      tpu.enqueue_dma source(%arg9 : memref<16x256xf32, #tpu.memory_space<vmem>>) target(%dma_start3A_193 : memref<16x256xf32, #tpu.memory_space<hbm>>) target_semaphore(%arg11 : memref<!tpu.dma_semaphore, #tpu.memory_space<semaphore_mem>>)
    } else {
    }
    %gt3A_86 = arith.constant 0 : i32
    %gt3A_87 = arith.cmpi sgt, %min3A, %gt3A_86 : i32
    %convert_element_type3A_88 = arith.extui %gt3A_87 : i1 to i32
    %cond3A_89 = arith.constant 0 : i32
    %cond3A_90 = arith.cmpi ne, %convert_element_type3A_88, %cond3A_89 : i32
    scf.if %cond3A_90 {
      %dma_wait3A = arith.constant 0 : i32
      %dma_wait3A_131 = arith.constant 0 : i32
      %dma_wait3A_132 = tpu.memref_slice %arg8[%dma_wait3A, %dma_wait3A_131] : memref<384x256xf32, #tpu.memory_space<vmem>> -> memref<128x256xf32, #tpu.memory_space<vmem>>
      %dma_wait3A_133 = arith.constant 0 : i32
      %dma_wait3A_134 = tpu.memref_slice %arg7[%dma_wait3A_133] : memref<384xi32, #tpu.memory_space<vmem>> -> memref<128xi32, #tpu.memory_space<vmem>>
      %dma_wait3A_135 = arith.constant 0 : i32
      %dma_wait3A_136 = arith.constant 0 : i32
      %dma_wait3A_137 = tpu.memref_slice %arg3[%dma_wait3A_135, %dma_wait3A_136] : memref<4096x256xf32, #tpu.memory_space<hbm>> -> memref<4096x256xf32, #tpu.memory_space<hbm>>
      tpu.wait_indirect_dma semaphore(%arg10 : memref<!tpu.dma_semaphore, #tpu.memory_space<semaphore_mem>>) src(%dma_wait3A_137 : memref<4096x256xf32, #tpu.memory_space<hbm>>) dst(%dma_wait3A_132 : memref<128x256xf32, #tpu.memory_space<vmem>>)
      %sub3A_138 = arith.constant 0 : i32
      %sub3A_139 = arith.subi %min3A, %sub3A_138 : i32
      %jit3A_140 = arith.constant 0 : i32
      %jit3A_141 = arith.constant 128 : i32
      %max3A_142 = arith.maxsi %jit3A_140, %sub3A_139 : i32
      %min3A_143 = arith.minsi %jit3A_141, %max3A_142 : i32
      %add3A_144 = arith.constant 0 : i32
      %add3A_145 = arith.addi %add3A_144, %min3A_143 : i32
      %while3A = arith.constant 0 : i32
      %while3A_146 = arith.constant 128 : i32
      %while3A_147 = arith.subi %while3A_146, %add3A_145 : i32
      %while3A_148 = arith.addi %add3A_145, %while3A_147 : i32
      %while3A_149 = arith.constant 1 : i32
      %while3A_150 = arith.divsi %while3A_147, %while3A_149 : i32
      %while3A_151 = arith.muli %while3A_150, %while3A_149 : i32
      %while3A_152 = arith.addi %add3A_145, %while3A_151 : i32
      %while3A_153 = arith.constant 1 : i32
      scf.for %while3A_166 = %add3A_145 to %while3A_152 step %while3A_153  : i32 {
        %swap3A = arith.index_cast %while3A_166 : i32 to index
        %swap3A_167 = arith.constant 0 : index
        %swap3A_168 = tpu.vector_load %arg8[%swap3A, %swap3A_167] {strides = array<i32>} : memref<384x256xf32, #tpu.memory_space<vmem>>, vector<16xf32>,
        tpu.vector_store %arg8[%swap3A, %swap3A_167], %broadcast_in_dim3A_36 {strides = array<i32>} : memref<384x256xf32, #tpu.memory_space<vmem>>, vector<16xf32>,
        %swap3A_169 = arith.index_cast %while3A_166 : i32 to index
        %swap3A_170 = arith.constant 16 : index
        %swap3A_171 = tpu.vector_load %arg8[%swap3A_169, %swap3A_170] {strides = array<i32>} : memref<384x256xf32, #tpu.memory_space<vmem>>, vector<16xf32>,
        tpu.vector_store %arg8[%swap3A_169, %swap3A_170], %broadcast_in_dim3A_36 {strides = array<i32>} : memref<384x256xf32, #tpu.memory_space<vmem>>, vector<16xf32>,
        %swap3A_172 = arith.index_cast %while3A_166 : i32 to index
        %swap3A_173 = arith.constant 32 : index
        %swap3A_174 = tpu.vector_load %arg8[%swap3A_172, %swap3A_173] {strides = array<i32>} : memref<384x256xf32, #tpu.memory_space<vmem>>, vector<16xf32>,
        tpu.vector_store %arg8[%swap3A_172, %swap3A_173], %broadcast_in_dim3A_36 {strides = array<i32>} : memref<384x256xf32, #tpu.memory_space<vmem>>, vector<16xf32>,
        %swap3A_175 = arith.index_cast %while3A_166 : i32 to index
        %swap3A_176 = arith.constant 48 : index
        %swap3A_177 = tpu.vector_load %arg8[%swap3A_175, %swap3A_176] {strides = array<i32>} : memref<384x256xf32, #tpu.memory_space<vmem>>, vector<16xf32>,
        tpu.vector_store %arg8[%swap3A_175, %swap3A_176], %broadcast_in_dim3A_36 {strides = array<i32>} : memref<384x256xf32, #tpu.memory_space<vmem>>, vector<16xf32>,
        %swap3A_178 = arith.index_cast %while3A_166 : i32 to index
        %swap3A_179 = arith.constant 64 : index
        %swap3A_180 = tpu.vector_load %arg8[%swap3A_178, %swap3A_179] {strides = array<i32>} : memref<384x256xf32, #tpu.memory_space<vmem>>, vector<16xf32>,
        tpu.vector_store %arg8[%swap3A_178, %swap3A_179], %broadcast_in_dim3A_36 {strides = array<i32>} : memref<384x256xf32, #tpu.memory_space<vmem>>, vector<16xf32>,
        %swap3A_181 = arith.index_cast %while3A_166 : i32 to index
        %swap3A_182 = arith.constant 80 : index
        %swap3A_183 = tpu.vector_load %arg8[%swap3A_181, %swap3A_182] {strides = array<i32>} : memref<384x256xf32, #tpu.memory_space<vmem>>, vector<16xf32>,
        tpu.vector_store %arg8[%swap3A_181, %swap3A_182], %broadcast_in_dim3A_36 {strides = array<i32>} : memref<384x256xf32, #tpu.memory_space<vmem>>, vector<16xf32>,
        %swap3A_184 = arith.index_cast %while3A_166 : i32 to index
        %swap3A_185 = arith.constant 96 : index
        %swap3A_186 = tpu.vector_load %arg8[%swap3A_184, %swap3A_185] {strides = array<i32>} : memref<384x256xf32, #tpu.memory_space<vmem>>, vector<16xf32>,
        tpu.vector_store %arg8[%swap3A_184, %swap3A_185], %broadcast_in_dim3A_36 {strides = array<i32>} : memref<384x256xf32, #tpu.memory_space<vmem>>, vector<16xf32>,
        %swap3A_187 = arith.index_cast %while3A_166 : i32 to index
        %swap3A_188 = arith.constant 112 : index
        %swap3A_189 = tpu.vector_load %arg8[%swap3A_187, %swap3A_188] {strides = array<i32>} : memref<384x256xf32, #tpu.memory_space<vmem>>, vector<16xf32>,
        tpu.vector_store %arg8[%swap3A_187, %swap3A_188], %broadcast_in_dim3A_36 {strides = array<i32>} : memref<384x256xf32, #tpu.memory_space<vmem>>, vector<16xf32>,
        %swap3A_190 = arith.index_cast %while3A_166 : i32 to index
        %swap3A_191 = arith.constant 128 : index
        %swap3A_192 = tpu.vector_load %arg8[%swap3A_190, %swap3A_191] {strides = array<i32>} : memref<384x256xf32, #tpu.memory_space<vmem>>, vector<16xf32>,
        tpu.vector_store %arg8[%swap3A_190, %swap3A_191], %broadcast_in_dim3A_36 {strides = array<i32>} : memref<384x256xf32, #tpu.memory_space<vmem>>, vector<16xf32>,
        %swap3A_193 = arith.index_cast %while3A_166 : i32 to index
        %swap3A_194 = arith.constant 144 : index
        %swap3A_195 = tpu.vector_load %arg8[%swap3A_193, %swap3A_194] {strides = array<i32>} : memref<384x256xf32, #tpu.memory_space<vmem>>, vector<16xf32>,
        tpu.vector_store %arg8[%swap3A_193, %swap3A_194], %broadcast_in_dim3A_36 {strides = array<i32>} : memref<384x256xf32, #tpu.memory_space<vmem>>, vector<16xf32>,
        %swap3A_196 = arith.index_cast %while3A_166 : i32 to index
        %swap3A_197 = arith.constant 160 : index
        %swap3A_198 = tpu.vector_load %arg8[%swap3A_196, %swap3A_197] {strides = array<i32>} : memref<384x256xf32, #tpu.memory_space<vmem>>, vector<16xf32>,
        tpu.vector_store %arg8[%swap3A_196, %swap3A_197], %broadcast_in_dim3A_36 {strides = array<i32>} : memref<384x256xf32, #tpu.memory_space<vmem>>, vector<16xf32>,
        %swap3A_199 = arith.index_cast %while3A_166 : i32 to index
        %swap3A_200 = arith.constant 176 : index
        %swap3A_201 = tpu.vector_load %arg8[%swap3A_199, %swap3A_200] {strides = array<i32>} : memref<384x256xf32, #tpu.memory_space<vmem>>, vector<16xf32>,
        tpu.vector_store %arg8[%swap3A_199, %swap3A_200], %broadcast_in_dim3A_36 {strides = array<i32>} : memref<384x256xf32, #tpu.memory_space<vmem>>, vector<16xf32>,
        %swap3A_202 = arith.index_cast %while3A_166 : i32 to index
        %swap3A_203 = arith.constant 192 : index
        %swap3A_204 = tpu.vector_load %arg8[%swap3A_202, %swap3A_203] {strides = array<i32>} : memref<384x256xf32, #tpu.memory_space<vmem>>, vector<16xf32>,
        tpu.vector_store %arg8[%swap3A_202, %swap3A_203], %broadcast_in_dim3A_36 {strides = array<i32>} : memref<384x256xf32, #tpu.memory_space<vmem>>, vector<16xf32>,
        %swap3A_205 = arith.index_cast %while3A_166 : i32 to index
        %swap3A_206 = arith.constant 208 : index
        %swap3A_207 = tpu.vector_load %arg8[%swap3A_205, %swap3A_206] {strides = array<i32>} : memref<384x256xf32, #tpu.memory_space<vmem>>, vector<16xf32>,
        tpu.vector_store %arg8[%swap3A_205, %swap3A_206], %broadcast_in_dim3A_36 {strides = array<i32>} : memref<384x256xf32, #tpu.memory_space<vmem>>, vector<16xf32>,
        %swap3A_208 = arith.index_cast %while3A_166 : i32 to index
        %swap3A_209 = arith.constant 224 : index
        %swap3A_210 = tpu.vector_load %arg8[%swap3A_208, %swap3A_209] {strides = array<i32>} : memref<384x256xf32, #tpu.memory_space<vmem>>, vector<16xf32>,
        tpu.vector_store %arg8[%swap3A_208, %swap3A_209], %broadcast_in_dim3A_36 {strides = array<i32>} : memref<384x256xf32, #tpu.memory_space<vmem>>, vector<16xf32>,
        %swap3A_211 = arith.index_cast %while3A_166 : i32 to index
        %swap3A_212 = arith.constant 240 : index
        %swap3A_213 = tpu.vector_load %arg8[%swap3A_211, %swap3A_212] {strides = array<i32>} : memref<384x256xf32, #tpu.memory_space<vmem>>, vector<16xf32>,
        tpu.vector_store %arg8[%swap3A_211, %swap3A_212], %broadcast_in_dim3A_36 {strides = array<i32>} : memref<384x256xf32, #tpu.memory_space<vmem>>, vector<16xf32>,
      }
      %while3A_154 = arith.constant 1 : i32
      scf.for %while3A_166 = %while3A_152 to %while3A_148 step %while3A_154  : i32 {
        %swap3A = arith.index_cast %while3A_166 : i32 to index
        %swap3A_167 = arith.constant 0 : index
        %swap3A_168 = tpu.vector_load %arg8[%swap3A, %swap3A_167] {strides = array<i32>} : memref<384x256xf32, #tpu.memory_space<vmem>>, vector<16xf32>,
        tpu.vector_store %arg8[%swap3A, %swap3A_167], %broadcast_in_dim3A_36 {strides = array<i32>} : memref<384x256xf32, #tpu.memory_space<vmem>>, vector<16xf32>,
        %swap3A_169 = arith.index_cast %while3A_166 : i32 to index
        %swap3A_170 = arith.constant 16 : index
        %swap3A_171 = tpu.vector_load %arg8[%swap3A_169, %swap3A_170] {strides = array<i32>} : memref<384x256xf32, #tpu.memory_space<vmem>>, vector<16xf32>,
        tpu.vector_store %arg8[%swap3A_169, %swap3A_170], %broadcast_in_dim3A_36 {strides = array<i32>} : memref<384x256xf32, #tpu.memory_space<vmem>>, vector<16xf32>,
        %swap3A_172 = arith.index_cast %while3A_166 : i32 to index
        %swap3A_173 = arith.constant 32 : index
        %swap3A_174 = tpu.vector_load %arg8[%swap3A_172, %swap3A_173] {strides = array<i32>} : memref<384x256xf32, #tpu.memory_space<vmem>>, vector<16xf32>,
        tpu.vector_store %arg8[%swap3A_172, %swap3A_173], %broadcast_in_dim3A_36 {strides = array<i32>} : memref<384x256xf32, #tpu.memory_space<vmem>>, vector<16xf32>,
        %swap3A_175 = arith.index_cast %while3A_166 : i32 to index
        %swap3A_176 = arith.constant 48 : index
        %swap3A_177 = tpu.vector_load %arg8[%swap3A_175, %swap3A_176] {strides = array<i32>} : memref<384x256xf32, #tpu.memory_space<vmem>>, vector<16xf32>,
        tpu.vector_store %arg8[%swap3A_175, %swap3A_176], %broadcast_in_dim3A_36 {strides = array<i32>} : memref<384x256xf32, #tpu.memory_space<vmem>>, vector<16xf32>,
        %swap3A_178 = arith.index_cast %while3A_166 : i32 to index
        %swap3A_179 = arith.constant 64 : index
        %swap3A_180 = tpu.vector_load %arg8[%swap3A_178, %swap3A_179] {strides = array<i32>} : memref<384x256xf32, #tpu.memory_space<vmem>>, vector<16xf32>,
        tpu.vector_store %arg8[%swap3A_178, %swap3A_179], %broadcast_in_dim3A_36 {strides = array<i32>} : memref<384x256xf32, #tpu.memory_space<vmem>>, vector<16xf32>,
        %swap3A_181 = arith.index_cast %while3A_166 : i32 to index
        %swap3A_182 = arith.constant 80 : index
        %swap3A_183 = tpu.vector_load %arg8[%swap3A_181, %swap3A_182] {strides = array<i32>} : memref<384x256xf32, #tpu.memory_space<vmem>>, vector<16xf32>,
        tpu.vector_store %arg8[%swap3A_181, %swap3A_182], %broadcast_in_dim3A_36 {strides = array<i32>} : memref<384x256xf32, #tpu.memory_space<vmem>>, vector<16xf32>,
        %swap3A_184 = arith.index_cast %while3A_166 : i32 to index
        %swap3A_185 = arith.constant 96 : index
        %swap3A_186 = tpu.vector_load %arg8[%swap3A_184, %swap3A_185] {strides = array<i32>} : memref<384x256xf32, #tpu.memory_space<vmem>>, vector<16xf32>,
        tpu.vector_store %arg8[%swap3A_184, %swap3A_185], %broadcast_in_dim3A_36 {strides = array<i32>} : memref<384x256xf32, #tpu.memory_space<vmem>>, vector<16xf32>,
        %swap3A_187 = arith.index_cast %while3A_166 : i32 to index
        %swap3A_188 = arith.constant 112 : index
        %swap3A_189 = tpu.vector_load %arg8[%swap3A_187, %swap3A_188] {strides = array<i32>} : memref<384x256xf32, #tpu.memory_space<vmem>>, vector<16xf32>,
        tpu.vector_store %arg8[%swap3A_187, %swap3A_188], %broadcast_in_dim3A_36 {strides = array<i32>} : memref<384x256xf32, #tpu.memory_space<vmem>>, vector<16xf32>,
        %swap3A_190 = arith.index_cast %while3A_166 : i32 to index
        %swap3A_191 = arith.constant 128 : index
        %swap3A_192 = tpu.vector_load %arg8[%swap3A_190, %swap3A_191] {strides = array<i32>} : memref<384x256xf32, #tpu.memory_space<vmem>>, vector<16xf32>,
        tpu.vector_store %arg8[%swap3A_190, %swap3A_191], %broadcast_in_dim3A_36 {strides = array<i32>} : memref<384x256xf32, #tpu.memory_space<vmem>>, vector<16xf32>,
        %swap3A_193 = arith.index_cast %while3A_166 : i32 to index
        %swap3A_194 = arith.constant 144 : index
        %swap3A_195 = tpu.vector_load %arg8[%swap3A_193, %swap3A_194] {strides = array<i32>} : memref<384x256xf32, #tpu.memory_space<vmem>>, vector<16xf32>,
        tpu.vector_store %arg8[%swap3A_193, %swap3A_194], %broadcast_in_dim3A_36 {strides = array<i32>} : memref<384x256xf32, #tpu.memory_space<vmem>>, vector<16xf32>,
        %swap3A_196 = arith.index_cast %while3A_166 : i32 to index
        %swap3A_197 = arith.constant 160 : index
        %swap3A_198 = tpu.vector_load %arg8[%swap3A_196, %swap3A_197] {strides = array<i32>} : memref<384x256xf32, #tpu.memory_space<vmem>>, vector<16xf32>,
        tpu.vector_store %arg8[%swap3A_196, %swap3A_197], %broadcast_in_dim3A_36 {strides = array<i32>} : memref<384x256xf32, #tpu.memory_space<vmem>>, vector<16xf32>,
        %swap3A_199 = arith.index_cast %while3A_166 : i32 to index
        %swap3A_200 = arith.constant 176 : index
        %swap3A_201 = tpu.vector_load %arg8[%swap3A_199, %swap3A_200] {strides = array<i32>} : memref<384x256xf32, #tpu.memory_space<vmem>>, vector<16xf32>,
        tpu.vector_store %arg8[%swap3A_199, %swap3A_200], %broadcast_in_dim3A_36 {strides = array<i32>} : memref<384x256xf32, #tpu.memory_space<vmem>>, vector<16xf32>,
        %swap3A_202 = arith.index_cast %while3A_166 : i32 to index
        %swap3A_203 = arith.constant 192 : index
        %swap3A_204 = tpu.vector_load %arg8[%swap3A_202, %swap3A_203] {strides = array<i32>} : memref<384x256xf32, #tpu.memory_space<vmem>>, vector<16xf32>,
        tpu.vector_store %arg8[%swap3A_202, %swap3A_203], %broadcast_in_dim3A_36 {strides = array<i32>} : memref<384x256xf32, #tpu.memory_space<vmem>>, vector<16xf32>,
        %swap3A_205 = arith.index_cast %while3A_166 : i32 to index
        %swap3A_206 = arith.constant 208 : index
        %swap3A_207 = tpu.vector_load %arg8[%swap3A_205, %swap3A_206] {strides = array<i32>} : memref<384x256xf32, #tpu.memory_space<vmem>>, vector<16xf32>,
        tpu.vector_store %arg8[%swap3A_205, %swap3A_206], %broadcast_in_dim3A_36 {strides = array<i32>} : memref<384x256xf32, #tpu.memory_space<vmem>>, vector<16xf32>,
        %swap3A_208 = arith.index_cast %while3A_166 : i32 to index
        %swap3A_209 = arith.constant 224 : index
        %swap3A_210 = tpu.vector_load %arg8[%swap3A_208, %swap3A_209] {strides = array<i32>} : memref<384x256xf32, #tpu.memory_space<vmem>>, vector<16xf32>,
        tpu.vector_store %arg8[%swap3A_208, %swap3A_209], %broadcast_in_dim3A_36 {strides = array<i32>} : memref<384x256xf32, #tpu.memory_space<vmem>>, vector<16xf32>,
        %swap3A_211 = arith.index_cast %while3A_166 : i32 to index
        %swap3A_212 = arith.constant 240 : index
        %swap3A_213 = tpu.vector_load %arg8[%swap3A_211, %swap3A_212] {strides = array<i32>} : memref<384x256xf32, #tpu.memory_space<vmem>>, vector<16xf32>,
        tpu.vector_store %arg8[%swap3A_211, %swap3A_212], %broadcast_in_dim3A_36 {strides = array<i32>} : memref<384x256xf32, #tpu.memory_space<vmem>>, vector<16xf32>,
      }
      %add3A_155 = arith.constant 0 : i32
      %add3A_156 = arith.addi %add3A_35, %add3A_155 : i32
      %dma_start3A = arith.constant 0 : i32
      %dma_start3A_157 = arith.constant 0 : i32
      %dma_start3A_158 = tpu.memref_slice %arg8[%dma_start3A, %dma_start3A_157] : memref<384x256xf32, #tpu.memory_space<vmem>> -> memref<128x256xf32, #tpu.memory_space<vmem>>
      %dma_start3A_159 = arith.constant 0 : i32
      %dma_start3A_160 = tpu.memref_slice %arg4[%add3A_156, %dma_start3A_159] : memref<12288x256xf32, #tpu.memory_space<hbm>> -> memref<128x256xf32, #tpu.memory_space<hbm>>
      %dma_start3A_161 = arith.constant 0 : i32
      %dma_start3A_162 = tpu.memref_slice %arg4[%add3A_156, %dma_start3A_161] : memref<12288x256xf32, #tpu.memory_space<hbm>> -> memref<128x256xf32, #tpu.memory_space<hbm>>
      %dma_start3A_163 = arith.constant 0 : i32
      %dma_start3A_164 = arith.constant 0 : i32
      %dma_start3A_165 = tpu.memref_slice %arg8[%dma_start3A_163, %dma_start3A_164] : memref<384x256xf32, #tpu.memory_space<vmem>> -> memref<128x256xf32, #tpu.memory_space<vmem>>
      tpu.enqueue_dma source(%dma_start3A_165 : memref<128x256xf32, #tpu.memory_space<vmem>>) target(%dma_start3A_162 : memref<128x256xf32, #tpu.memory_space<hbm>>) target_semaphore(%arg11 : memref<!tpu.dma_semaphore, #tpu.memory_space<semaphore_mem>>)
    } else {
    }
    %gt3A_91 = arith.constant 128 : i32
    %gt3A_92 = arith.cmpi sgt, %min3A, %gt3A_91 : i32
    %convert_element_type3A_93 = arith.extui %gt3A_92 : i1 to i32
    %cond3A_94 = arith.constant 0 : i32
    %cond3A_95 = arith.cmpi ne, %convert_element_type3A_93, %cond3A_94 : i32
    scf.if %cond3A_95 {
      %dma_wait3A = arith.constant 128 : i32
      %dma_wait3A_131 = arith.constant 0 : i32
      %dma_wait3A_132 = tpu.memref_slice %arg8[%dma_wait3A, %dma_wait3A_131] : memref<384x256xf32, #tpu.memory_space<vmem>> -> memref<128x256xf32, #tpu.memory_space<vmem>>
      %dma_wait3A_133 = arith.constant 128 : i32
      %dma_wait3A_134 = tpu.memref_slice %arg7[%dma_wait3A_133] : memref<384xi32, #tpu.memory_space<vmem>> -> memref<128xi32, #tpu.memory_space<vmem>>
      %dma_wait3A_135 = arith.constant 0 : i32
      %dma_wait3A_136 = arith.constant 0 : i32
      %dma_wait3A_137 = tpu.memref_slice %arg3[%dma_wait3A_135, %dma_wait3A_136] : memref<4096x256xf32, #tpu.memory_space<hbm>> -> memref<4096x256xf32, #tpu.memory_space<hbm>>
      tpu.wait_indirect_dma semaphore(%arg10 : memref<!tpu.dma_semaphore, #tpu.memory_space<semaphore_mem>>) src(%dma_wait3A_137 : memref<4096x256xf32, #tpu.memory_space<hbm>>) dst(%dma_wait3A_132 : memref<128x256xf32, #tpu.memory_space<vmem>>)
      %sub3A_138 = arith.constant 128 : i32
      %sub3A_139 = arith.subi %min3A, %sub3A_138 : i32
      %jit3A_140 = arith.constant 0 : i32
      %jit3A_141 = arith.constant 128 : i32
      %max3A_142 = arith.maxsi %jit3A_140, %sub3A_139 : i32
      %min3A_143 = arith.minsi %jit3A_141, %max3A_142 : i32
      %add3A_144 = arith.constant 128 : i32
      %add3A_145 = arith.addi %add3A_144, %min3A_143 : i32
      %while3A = arith.constant 0 : i32
      %while3A_146 = arith.constant 256 : i32
      %while3A_147 = arith.subi %while3A_146, %add3A_145 : i32
      %while3A_148 = arith.addi %add3A_145, %while3A_147 : i32
      %while3A_149 = arith.constant 1 : i32
      %while3A_150 = arith.divsi %while3A_147, %while3A_149 : i32
      %while3A_151 = arith.muli %while3A_150, %while3A_149 : i32
      %while3A_152 = arith.addi %add3A_145, %while3A_151 : i32
      %while3A_153 = arith.constant 1 : i32
      scf.for %while3A_166 = %add3A_145 to %while3A_152 step %while3A_153  : i32 {
        %swap3A = arith.index_cast %while3A_166 : i32 to index
        %swap3A_167 = arith.constant 0 : index
        %swap3A_168 = tpu.vector_load %arg8[%swap3A, %swap3A_167] {strides = array<i32>} : memref<384x256xf32, #tpu.memory_space<vmem>>, vector<16xf32>,
        tpu.vector_store %arg8[%swap3A, %swap3A_167], %broadcast_in_dim3A_36 {strides = array<i32>} : memref<384x256xf32, #tpu.memory_space<vmem>>, vector<16xf32>,
        %swap3A_169 = arith.index_cast %while3A_166 : i32 to index
        %swap3A_170 = arith.constant 16 : index
        %swap3A_171 = tpu.vector_load %arg8[%swap3A_169, %swap3A_170] {strides = array<i32>} : memref<384x256xf32, #tpu.memory_space<vmem>>, vector<16xf32>,
        tpu.vector_store %arg8[%swap3A_169, %swap3A_170], %broadcast_in_dim3A_36 {strides = array<i32>} : memref<384x256xf32, #tpu.memory_space<vmem>>, vector<16xf32>,
        %swap3A_172 = arith.index_cast %while3A_166 : i32 to index
        %swap3A_173 = arith.constant 32 : index
        %swap3A_174 = tpu.vector_load %arg8[%swap3A_172, %swap3A_173] {strides = array<i32>} : memref<384x256xf32, #tpu.memory_space<vmem>>, vector<16xf32>,
        tpu.vector_store %arg8[%swap3A_172, %swap3A_173], %broadcast_in_dim3A_36 {strides = array<i32>} : memref<384x256xf32, #tpu.memory_space<vmem>>, vector<16xf32>,
        %swap3A_175 = arith.index_cast %while3A_166 : i32 to index
        %swap3A_176 = arith.constant 48 : index
        %swap3A_177 = tpu.vector_load %arg8[%swap3A_175, %swap3A_176] {strides = array<i32>} : memref<384x256xf32, #tpu.memory_space<vmem>>, vector<16xf32>,
        tpu.vector_store %arg8[%swap3A_175, %swap3A_176], %broadcast_in_dim3A_36 {strides = array<i32>} : memref<384x256xf32, #tpu.memory_space<vmem>>, vector<16xf32>,
        %swap3A_178 = arith.index_cast %while3A_166 : i32 to index
        %swap3A_179 = arith.constant 64 : index
        %swap3A_180 = tpu.vector_load %arg8[%swap3A_178, %swap3A_179] {strides = array<i32>} : memref<384x256xf32, #tpu.memory_space<vmem>>, vector<16xf32>,
        tpu.vector_store %arg8[%swap3A_178, %swap3A_179], %broadcast_in_dim3A_36 {strides = array<i32>} : memref<384x256xf32, #tpu.memory_space<vmem>>, vector<16xf32>,
        %swap3A_181 = arith.index_cast %while3A_166 : i32 to index
        %swap3A_182 = arith.constant 80 : index
        %swap3A_183 = tpu.vector_load %arg8[%swap3A_181, %swap3A_182] {strides = array<i32>} : memref<384x256xf32, #tpu.memory_space<vmem>>, vector<16xf32>,
        tpu.vector_store %arg8[%swap3A_181, %swap3A_182], %broadcast_in_dim3A_36 {strides = array<i32>} : memref<384x256xf32, #tpu.memory_space<vmem>>, vector<16xf32>,
        %swap3A_184 = arith.index_cast %while3A_166 : i32 to index
        %swap3A_185 = arith.constant 96 : index
        %swap3A_186 = tpu.vector_load %arg8[%swap3A_184, %swap3A_185] {strides = array<i32>} : memref<384x256xf32, #tpu.memory_space<vmem>>, vector<16xf32>,
        tpu.vector_store %arg8[%swap3A_184, %swap3A_185], %broadcast_in_dim3A_36 {strides = array<i32>} : memref<384x256xf32, #tpu.memory_space<vmem>>, vector<16xf32>,
        %swap3A_187 = arith.index_cast %while3A_166 : i32 to index
        %swap3A_188 = arith.constant 112 : index
        %swap3A_189 = tpu.vector_load %arg8[%swap3A_187, %swap3A_188] {strides = array<i32>} : memref<384x256xf32, #tpu.memory_space<vmem>>, vector<16xf32>,
        tpu.vector_store %arg8[%swap3A_187, %swap3A_188], %broadcast_in_dim3A_36 {strides = array<i32>} : memref<384x256xf32, #tpu.memory_space<vmem>>, vector<16xf32>,
        %swap3A_190 = arith.index_cast %while3A_166 : i32 to index
        %swap3A_191 = arith.constant 128 : index
        %swap3A_192 = tpu.vector_load %arg8[%swap3A_190, %swap3A_191] {strides = array<i32>} : memref<384x256xf32, #tpu.memory_space<vmem>>, vector<16xf32>,
        tpu.vector_store %arg8[%swap3A_190, %swap3A_191], %broadcast_in_dim3A_36 {strides = array<i32>} : memref<384x256xf32, #tpu.memory_space<vmem>>, vector<16xf32>,
        %swap3A_193 = arith.index_cast %while3A_166 : i32 to index
        %swap3A_194 = arith.constant 144 : index
        %swap3A_195 = tpu.vector_load %arg8[%swap3A_193, %swap3A_194] {strides = array<i32>} : memref<384x256xf32, #tpu.memory_space<vmem>>, vector<16xf32>,
        tpu.vector_store %arg8[%swap3A_193, %swap3A_194], %broadcast_in_dim3A_36 {strides = array<i32>} : memref<384x256xf32, #tpu.memory_space<vmem>>, vector<16xf32>,
        %swap3A_196 = arith.index_cast %while3A_166 : i32 to index
        %swap3A_197 = arith.constant 160 : index
        %swap3A_198 = tpu.vector_load %arg8[%swap3A_196, %swap3A_197] {strides = array<i32>} : memref<384x256xf32, #tpu.memory_space<vmem>>, vector<16xf32>,
        tpu.vector_store %arg8[%swap3A_196, %swap3A_197], %broadcast_in_dim3A_36 {strides = array<i32>} : memref<384x256xf32, #tpu.memory_space<vmem>>, vector<16xf32>,
        %swap3A_199 = arith.index_cast %while3A_166 : i32 to index
        %swap3A_200 = arith.constant 176 : index
        %swap3A_201 = tpu.vector_load %arg8[%swap3A_199, %swap3A_200] {strides = array<i32>} : memref<384x256xf32, #tpu.memory_space<vmem>>, vector<16xf32>,
        tpu.vector_store %arg8[%swap3A_199, %swap3A_200], %broadcast_in_dim3A_36 {strides = array<i32>} : memref<384x256xf32, #tpu.memory_space<vmem>>, vector<16xf32>,
        %swap3A_202 = arith.index_cast %while3A_166 : i32 to index
        %swap3A_203 = arith.constant 192 : index
        %swap3A_204 = tpu.vector_load %arg8[%swap3A_202, %swap3A_203] {strides = array<i32>} : memref<384x256xf32, #tpu.memory_space<vmem>>, vector<16xf32>,
        tpu.vector_store %arg8[%swap3A_202, %swap3A_203], %broadcast_in_dim3A_36 {strides = array<i32>} : memref<384x256xf32, #tpu.memory_space<vmem>>, vector<16xf32>,
        %swap3A_205 = arith.index_cast %while3A_166 : i32 to index
        %swap3A_206 = arith.constant 208 : index
        %swap3A_207 = tpu.vector_load %arg8[%swap3A_205, %swap3A_206] {strides = array<i32>} : memref<384x256xf32, #tpu.memory_space<vmem>>, vector<16xf32>,
        tpu.vector_store %arg8[%swap3A_205, %swap3A_206], %broadcast_in_dim3A_36 {strides = array<i32>} : memref<384x256xf32, #tpu.memory_space<vmem>>, vector<16xf32>,
        %swap3A_208 = arith.index_cast %while3A_166 : i32 to index
        %swap3A_209 = arith.constant 224 : index
        %swap3A_210 = tpu.vector_load %arg8[%swap3A_208, %swap3A_209] {strides = array<i32>} : memref<384x256xf32, #tpu.memory_space<vmem>>, vector<16xf32>,
        tpu.vector_store %arg8[%swap3A_208, %swap3A_209], %broadcast_in_dim3A_36 {strides = array<i32>} : memref<384x256xf32, #tpu.memory_space<vmem>>, vector<16xf32>,
        %swap3A_211 = arith.index_cast %while3A_166 : i32 to index
        %swap3A_212 = arith.constant 240 : index
        %swap3A_213 = tpu.vector_load %arg8[%swap3A_211, %swap3A_212] {strides = array<i32>} : memref<384x256xf32, #tpu.memory_space<vmem>>, vector<16xf32>,
        tpu.vector_store %arg8[%swap3A_211, %swap3A_212], %broadcast_in_dim3A_36 {strides = array<i32>} : memref<384x256xf32, #tpu.memory_space<vmem>>, vector<16xf32>,
      }
      %while3A_154 = arith.constant 1 : i32
      scf.for %while3A_166 = %while3A_152 to %while3A_148 step %while3A_154  : i32 {
        %swap3A = arith.index_cast %while3A_166 : i32 to index
        %swap3A_167 = arith.constant 0 : index
        %swap3A_168 = tpu.vector_load %arg8[%swap3A, %swap3A_167] {strides = array<i32>} : memref<384x256xf32, #tpu.memory_space<vmem>>, vector<16xf32>,
        tpu.vector_store %arg8[%swap3A, %swap3A_167], %broadcast_in_dim3A_36 {strides = array<i32>} : memref<384x256xf32, #tpu.memory_space<vmem>>, vector<16xf32>,
        %swap3A_169 = arith.index_cast %while3A_166 : i32 to index
        %swap3A_170 = arith.constant 16 : index
        %swap3A_171 = tpu.vector_load %arg8[%swap3A_169, %swap3A_170] {strides = array<i32>} : memref<384x256xf32, #tpu.memory_space<vmem>>, vector<16xf32>,
        tpu.vector_store %arg8[%swap3A_169, %swap3A_170], %broadcast_in_dim3A_36 {strides = array<i32>} : memref<384x256xf32, #tpu.memory_space<vmem>>, vector<16xf32>,
        %swap3A_172 = arith.index_cast %while3A_166 : i32 to index
        %swap3A_173 = arith.constant 32 : index
        %swap3A_174 = tpu.vector_load %arg8[%swap3A_172, %swap3A_173] {strides = array<i32>} : memref<384x256xf32, #tpu.memory_space<vmem>>, vector<16xf32>,
        tpu.vector_store %arg8[%swap3A_172, %swap3A_173], %broadcast_in_dim3A_36 {strides = array<i32>} : memref<384x256xf32, #tpu.memory_space<vmem>>, vector<16xf32>,
        %swap3A_175 = arith.index_cast %while3A_166 : i32 to index
        %swap3A_176 = arith.constant 48 : index
        %swap3A_177 = tpu.vector_load %arg8[%swap3A_175, %swap3A_176] {strides = array<i32>} : memref<384x256xf32, #tpu.memory_space<vmem>>, vector<16xf32>,
        tpu.vector_store %arg8[%swap3A_175, %swap3A_176], %broadcast_in_dim3A_36 {strides = array<i32>} : memref<384x256xf32, #tpu.memory_space<vmem>>, vector<16xf32>,
        %swap3A_178 = arith.index_cast %while3A_166 : i32 to index
        %swap3A_179 = arith.constant 64 : index
        %swap3A_180 = tpu.vector_load %arg8[%swap3A_178, %swap3A_179] {strides = array<i32>} : memref<384x256xf32, #tpu.memory_space<vmem>>, vector<16xf32>,
        tpu.vector_store %arg8[%swap3A_178, %swap3A_179], %broadcast_in_dim3A_36 {strides = array<i32>} : memref<384x256xf32, #tpu.memory_space<vmem>>, vector<16xf32>,
        %swap3A_181 = arith.index_cast %while3A_166 : i32 to index
        %swap3A_182 = arith.constant 80 : index
        %swap3A_183 = tpu.vector_load %arg8[%swap3A_181, %swap3A_182] {strides = array<i32>} : memref<384x256xf32, #tpu.memory_space<vmem>>, vector<16xf32>,
        tpu.vector_store %arg8[%swap3A_181, %swap3A_182], %broadcast_in_dim3A_36 {strides = array<i32>} : memref<384x256xf32, #tpu.memory_space<vmem>>, vector<16xf32>,
        %swap3A_184 = arith.index_cast %while3A_166 : i32 to index
        %swap3A_185 = arith.constant 96 : index
        %swap3A_186 = tpu.vector_load %arg8[%swap3A_184, %swap3A_185] {strides = array<i32>} : memref<384x256xf32, #tpu.memory_space<vmem>>, vector<16xf32>,
        tpu.vector_store %arg8[%swap3A_184, %swap3A_185], %broadcast_in_dim3A_36 {strides = array<i32>} : memref<384x256xf32, #tpu.memory_space<vmem>>, vector<16xf32>,
        %swap3A_187 = arith.index_cast %while3A_166 : i32 to index
        %swap3A_188 = arith.constant 112 : index
        %swap3A_189 = tpu.vector_load %arg8[%swap3A_187, %swap3A_188] {strides = array<i32>} : memref<384x256xf32, #tpu.memory_space<vmem>>, vector<16xf32>,
        tpu.vector_store %arg8[%swap3A_187, %swap3A_188], %broadcast_in_dim3A_36 {strides = array<i32>} : memref<384x256xf32, #tpu.memory_space<vmem>>, vector<16xf32>,
        %swap3A_190 = arith.index_cast %while3A_166 : i32 to index
        %swap3A_191 = arith.constant 128 : index
        %swap3A_192 = tpu.vector_load %arg8[%swap3A_190, %swap3A_191] {strides = array<i32>} : memref<384x256xf32, #tpu.memory_space<vmem>>, vector<16xf32>,
        tpu.vector_store %arg8[%swap3A_190, %swap3A_191], %broadcast_in_dim3A_36 {strides = array<i32>} : memref<384x256xf32, #tpu.memory_space<vmem>>, vector<16xf32>,
        %swap3A_193 = arith.index_cast %while3A_166 : i32 to index
        %swap3A_194 = arith.constant 144 : index
        %swap3A_195 = tpu.vector_load %arg8[%swap3A_193, %swap3A_194] {strides = array<i32>} : memref<384x256xf32, #tpu.memory_space<vmem>>, vector<16xf32>,
        tpu.vector_store %arg8[%swap3A_193, %swap3A_194], %broadcast_in_dim3A_36 {strides = array<i32>} : memref<384x256xf32, #tpu.memory_space<vmem>>, vector<16xf32>,
        %swap3A_196 = arith.index_cast %while3A_166 : i32 to index
        %swap3A_197 = arith.constant 160 : index
        %swap3A_198 = tpu.vector_load %arg8[%swap3A_196, %swap3A_197] {strides = array<i32>} : memref<384x256xf32, #tpu.memory_space<vmem>>, vector<16xf32>,
        tpu.vector_store %arg8[%swap3A_196, %swap3A_197], %broadcast_in_dim3A_36 {strides = array<i32>} : memref<384x256xf32, #tpu.memory_space<vmem>>, vector<16xf32>,
        %swap3A_199 = arith.index_cast %while3A_166 : i32 to index
        %swap3A_200 = arith.constant 176 : index
        %swap3A_201 = tpu.vector_load %arg8[%swap3A_199, %swap3A_200] {strides = array<i32>} : memref<384x256xf32, #tpu.memory_space<vmem>>, vector<16xf32>,
        tpu.vector_store %arg8[%swap3A_199, %swap3A_200], %broadcast_in_dim3A_36 {strides = array<i32>} : memref<384x256xf32, #tpu.memory_space<vmem>>, vector<16xf32>,
        %swap3A_202 = arith.index_cast %while3A_166 : i32 to index
        %swap3A_203 = arith.constant 192 : index
        %swap3A_204 = tpu.vector_load %arg8[%swap3A_202, %swap3A_203] {strides = array<i32>} : memref<384x256xf32, #tpu.memory_space<vmem>>, vector<16xf32>,
        tpu.vector_store %arg8[%swap3A_202, %swap3A_203], %broadcast_in_dim3A_36 {strides = array<i32>} : memref<384x256xf32, #tpu.memory_space<vmem>>, vector<16xf32>,
        %swap3A_205 = arith.index_cast %while3A_166 : i32 to index
        %swap3A_206 = arith.constant 208 : index
        %swap3A_207 = tpu.vector_load %arg8[%swap3A_205, %swap3A_206] {strides = array<i32>} : memref<384x256xf32, #tpu.memory_space<vmem>>, vector<16xf32>,
        tpu.vector_store %arg8[%swap3A_205, %swap3A_206], %broadcast_in_dim3A_36 {strides = array<i32>} : memref<384x256xf32, #tpu.memory_space<vmem>>, vector<16xf32>,
        %swap3A_208 = arith.index_cast %while3A_166 : i32 to index
        %swap3A_209 = arith.constant 224 : index
        %swap3A_210 = tpu.vector_load %arg8[%swap3A_208, %swap3A_209] {strides = array<i32>} : memref<384x256xf32, #tpu.memory_space<vmem>>, vector<16xf32>,
        tpu.vector_store %arg8[%swap3A_208, %swap3A_209], %broadcast_in_dim3A_36 {strides = array<i32>} : memref<384x256xf32, #tpu.memory_space<vmem>>, vector<16xf32>,
        %swap3A_211 = arith.index_cast %while3A_166 : i32 to index
        %swap3A_212 = arith.constant 240 : index
        %swap3A_213 = tpu.vector_load %arg8[%swap3A_211, %swap3A_212] {strides = array<i32>} : memref<384x256xf32, #tpu.memory_space<vmem>>, vector<16xf32>,
        tpu.vector_store %arg8[%swap3A_211, %swap3A_212], %broadcast_in_dim3A_36 {strides = array<i32>} : memref<384x256xf32, #tpu.memory_space<vmem>>, vector<16xf32>,
      }
      %add3A_155 = arith.constant 128 : i32
      %add3A_156 = arith.addi %add3A_35, %add3A_155 : i32
      %dma_start3A = arith.constant 128 : i32
      %dma_start3A_157 = arith.constant 0 : i32
      %dma_start3A_158 = tpu.memref_slice %arg8[%dma_start3A, %dma_start3A_157] : memref<384x256xf32, #tpu.memory_space<vmem>> -> memref<128x256xf32, #tpu.memory_space<vmem>>
      %dma_start3A_159 = arith.constant 0 : i32
      %dma_start3A_160 = tpu.memref_slice %arg4[%add3A_156, %dma_start3A_159] : memref<12288x256xf32, #tpu.memory_space<hbm>> -> memref<128x256xf32, #tpu.memory_space<hbm>>
      %dma_start3A_161 = arith.constant 0 : i32
      %dma_start3A_162 = tpu.memref_slice %arg4[%add3A_156, %dma_start3A_161] : memref<12288x256xf32, #tpu.memory_space<hbm>> -> memref<128x256xf32, #tpu.memory_space<hbm>>
      %dma_start3A_163 = arith.constant 128 : i32
      %dma_start3A_164 = arith.constant 0 : i32
      %dma_start3A_165 = tpu.memref_slice %arg8[%dma_start3A_163, %dma_start3A_164] : memref<384x256xf32, #tpu.memory_space<vmem>> -> memref<128x256xf32, #tpu.memory_space<vmem>>
      tpu.enqueue_dma source(%dma_start3A_165 : memref<128x256xf32, #tpu.memory_space<vmem>>) target(%dma_start3A_162 : memref<128x256xf32, #tpu.memory_space<hbm>>) target_semaphore(%arg11 : memref<!tpu.dma_semaphore, #tpu.memory_space<semaphore_mem>>)
    } else {
    }
    %gt3A_96 = arith.constant 256 : i32
    %gt3A_97 = arith.cmpi sgt, %min3A, %gt3A_96 : i32
    %convert_element_type3A_98 = arith.extui %gt3A_97 : i1 to i32
    %cond3A_99 = arith.constant 0 : i32
    %cond3A_100 = arith.cmpi ne, %convert_element_type3A_98, %cond3A_99 : i32
    scf.if %cond3A_100 {
      %dma_wait3A = arith.constant 256 : i32
      %dma_wait3A_131 = arith.constant 0 : i32
      %dma_wait3A_132 = tpu.memref_slice %arg8[%dma_wait3A, %dma_wait3A_131] : memref<384x256xf32, #tpu.memory_space<vmem>> -> memref<128x256xf32, #tpu.memory_space<vmem>>
      %dma_wait3A_133 = arith.constant 256 : i32
      %dma_wait3A_134 = tpu.memref_slice %arg7[%dma_wait3A_133] : memref<384xi32, #tpu.memory_space<vmem>> -> memref<128xi32, #tpu.memory_space<vmem>>
      %dma_wait3A_135 = arith.constant 0 : i32
      %dma_wait3A_136 = arith.constant 0 : i32
      %dma_wait3A_137 = tpu.memref_slice %arg3[%dma_wait3A_135, %dma_wait3A_136] : memref<4096x256xf32, #tpu.memory_space<hbm>> -> memref<4096x256xf32, #tpu.memory_space<hbm>>
      tpu.wait_indirect_dma semaphore(%arg10 : memref<!tpu.dma_semaphore, #tpu.memory_space<semaphore_mem>>) src(%dma_wait3A_137 : memref<4096x256xf32, #tpu.memory_space<hbm>>) dst(%dma_wait3A_132 : memref<128x256xf32, #tpu.memory_space<vmem>>)
      %sub3A_138 = arith.constant 256 : i32
      %sub3A_139 = arith.subi %min3A, %sub3A_138 : i32
      %jit3A_140 = arith.constant 0 : i32
      %jit3A_141 = arith.constant 128 : i32
      %max3A_142 = arith.maxsi %jit3A_140, %sub3A_139 : i32
      %min3A_143 = arith.minsi %jit3A_141, %max3A_142 : i32
      %add3A_144 = arith.constant 256 : i32
      %add3A_145 = arith.addi %add3A_144, %min3A_143 : i32
      %while3A = arith.constant 0 : i32
      %while3A_146 = arith.constant 384 : i32
      %while3A_147 = arith.subi %while3A_146, %add3A_145 : i32
      %while3A_148 = arith.addi %add3A_145, %while3A_147 : i32
      %while3A_149 = arith.constant 1 : i32
      %while3A_150 = arith.divsi %while3A_147, %while3A_149 : i32
      %while3A_151 = arith.muli %while3A_150, %while3A_149 : i32
      %while3A_152 = arith.addi %add3A_145, %while3A_151 : i32
      %while3A_153 = arith.constant 1 : i32
      scf.for %while3A_166 = %add3A_145 to %while3A_152 step %while3A_153  : i32 {
        %swap3A = arith.index_cast %while3A_166 : i32 to index
        %swap3A_167 = arith.constant 0 : index
        %swap3A_168 = tpu.vector_load %arg8[%swap3A, %swap3A_167] {strides = array<i32>} : memref<384x256xf32, #tpu.memory_space<vmem>>, vector<16xf32>,
        tpu.vector_store %arg8[%swap3A, %swap3A_167], %broadcast_in_dim3A_36 {strides = array<i32>} : memref<384x256xf32, #tpu.memory_space<vmem>>, vector<16xf32>,
        %swap3A_169 = arith.index_cast %while3A_166 : i32 to index
        %swap3A_170 = arith.constant 16 : index
        %swap3A_171 = tpu.vector_load %arg8[%swap3A_169, %swap3A_170] {strides = array<i32>} : memref<384x256xf32, #tpu.memory_space<vmem>>, vector<16xf32>,
        tpu.vector_store %arg8[%swap3A_169, %swap3A_170], %broadcast_in_dim3A_36 {strides = array<i32>} : memref<384x256xf32, #tpu.memory_space<vmem>>, vector<16xf32>,
        %swap3A_172 = arith.index_cast %while3A_166 : i32 to index
        %swap3A_173 = arith.constant 32 : index
        %swap3A_174 = tpu.vector_load %arg8[%swap3A_172, %swap3A_173] {strides = array<i32>} : memref<384x256xf32, #tpu.memory_space<vmem>>, vector<16xf32>,
        tpu.vector_store %arg8[%swap3A_172, %swap3A_173], %broadcast_in_dim3A_36 {strides = array<i32>} : memref<384x256xf32, #tpu.memory_space<vmem>>, vector<16xf32>,
        %swap3A_175 = arith.index_cast %while3A_166 : i32 to index
        %swap3A_176 = arith.constant 48 : index
        %swap3A_177 = tpu.vector_load %arg8[%swap3A_175, %swap3A_176] {strides = array<i32>} : memref<384x256xf32, #tpu.memory_space<vmem>>, vector<16xf32>,
        tpu.vector_store %arg8[%swap3A_175, %swap3A_176], %broadcast_in_dim3A_36 {strides = array<i32>} : memref<384x256xf32, #tpu.memory_space<vmem>>, vector<16xf32>,
        %swap3A_178 = arith.index_cast %while3A_166 : i32 to index
        %swap3A_179 = arith.constant 64 : index
        %swap3A_180 = tpu.vector_load %arg8[%swap3A_178, %swap3A_179] {strides = array<i32>} : memref<384x256xf32, #tpu.memory_space<vmem>>, vector<16xf32>,
        tpu.vector_store %arg8[%swap3A_178, %swap3A_179], %broadcast_in_dim3A_36 {strides = array<i32>} : memref<384x256xf32, #tpu.memory_space<vmem>>, vector<16xf32>,
        %swap3A_181 = arith.index_cast %while3A_166 : i32 to index
        %swap3A_182 = arith.constant 80 : index
        %swap3A_183 = tpu.vector_load %arg8[%swap3A_181, %swap3A_182] {strides = array<i32>} : memref<384x256xf32, #tpu.memory_space<vmem>>, vector<16xf32>,
        tpu.vector_store %arg8[%swap3A_181, %swap3A_182], %broadcast_in_dim3A_36 {strides = array<i32>} : memref<384x256xf32, #tpu.memory_space<vmem>>, vector<16xf32>,
        %swap3A_184 = arith.index_cast %while3A_166 : i32 to index
        %swap3A_185 = arith.constant 96 : index
        %swap3A_186 = tpu.vector_load %arg8[%swap3A_184, %swap3A_185] {strides = array<i32>} : memref<384x256xf32, #tpu.memory_space<vmem>>, vector<16xf32>,
        tpu.vector_store %arg8[%swap3A_184, %swap3A_185], %broadcast_in_dim3A_36 {strides = array<i32>} : memref<384x256xf32, #tpu.memory_space<vmem>>, vector<16xf32>,
        %swap3A_187 = arith.index_cast %while3A_166 : i32 to index
        %swap3A_188 = arith.constant 112 : index
        %swap3A_189 = tpu.vector_load %arg8[%swap3A_187, %swap3A_188] {strides = array<i32>} : memref<384x256xf32, #tpu.memory_space<vmem>>, vector<16xf32>,
        tpu.vector_store %arg8[%swap3A_187, %swap3A_188], %broadcast_in_dim3A_36 {strides = array<i32>} : memref<384x256xf32, #tpu.memory_space<vmem>>, vector<16xf32>,
        %swap3A_190 = arith.index_cast %while3A_166 : i32 to index
        %swap3A_191 = arith.constant 128 : index
        %swap3A_192 = tpu.vector_load %arg8[%swap3A_190, %swap3A_191] {strides = array<i32>} : memref<384x256xf32, #tpu.memory_space<vmem>>, vector<16xf32>,
        tpu.vector_store %arg8[%swap3A_190, %swap3A_191], %broadcast_in_dim3A_36 {strides = array<i32>} : memref<384x256xf32, #tpu.memory_space<vmem>>, vector<16xf32>,
        %swap3A_193 = arith.index_cast %while3A_166 : i32 to index
        %swap3A_194 = arith.constant 144 : index
        %swap3A_195 = tpu.vector_load %arg8[%swap3A_193, %swap3A_194] {strides = array<i32>} : memref<384x256xf32, #tpu.memory_space<vmem>>, vector<16xf32>,
        tpu.vector_store %arg8[%swap3A_193, %swap3A_194], %broadcast_in_dim3A_36 {strides = array<i32>} : memref<384x256xf32, #tpu.memory_space<vmem>>, vector<16xf32>,
        %swap3A_196 = arith.index_cast %while3A_166 : i32 to index
        %swap3A_197 = arith.constant 160 : index
        %swap3A_198 = tpu.vector_load %arg8[%swap3A_196, %swap3A_197] {strides = array<i32>} : memref<384x256xf32, #tpu.memory_space<vmem>>, vector<16xf32>,
        tpu.vector_store %arg8[%swap3A_196, %swap3A_197], %broadcast_in_dim3A_36 {strides = array<i32>} : memref<384x256xf32, #tpu.memory_space<vmem>>, vector<16xf32>,
        %swap3A_199 = arith.index_cast %while3A_166 : i32 to index
        %swap3A_200 = arith.constant 176 : index
        %swap3A_201 = tpu.vector_load %arg8[%swap3A_199, %swap3A_200] {strides = array<i32>} : memref<384x256xf32, #tpu.memory_space<vmem>>, vector<16xf32>,
        tpu.vector_store %arg8[%swap3A_199, %swap3A_200], %broadcast_in_dim3A_36 {strides = array<i32>} : memref<384x256xf32, #tpu.memory_space<vmem>>, vector<16xf32>,
        %swap3A_202 = arith.index_cast %while3A_166 : i32 to index
        %swap3A_203 = arith.constant 192 : index
        %swap3A_204 = tpu.vector_load %arg8[%swap3A_202, %swap3A_203] {strides = array<i32>} : memref<384x256xf32, #tpu.memory_space<vmem>>, vector<16xf32>,
        tpu.vector_store %arg8[%swap3A_202, %swap3A_203], %broadcast_in_dim3A_36 {strides = array<i32>} : memref<384x256xf32, #tpu.memory_space<vmem>>, vector<16xf32>,
        %swap3A_205 = arith.index_cast %while3A_166 : i32 to index
        %swap3A_206 = arith.constant 208 : index
        %swap3A_207 = tpu.vector_load %arg8[%swap3A_205, %swap3A_206] {strides = array<i32>} : memref<384x256xf32, #tpu.memory_space<vmem>>, vector<16xf32>,
        tpu.vector_store %arg8[%swap3A_205, %swap3A_206], %broadcast_in_dim3A_36 {strides = array<i32>} : memref<384x256xf32, #tpu.memory_space<vmem>>, vector<16xf32>,
        %swap3A_208 = arith.index_cast %while3A_166 : i32 to index
        %swap3A_209 = arith.constant 224 : index
        %swap3A_210 = tpu.vector_load %arg8[%swap3A_208, %swap3A_209] {strides = array<i32>} : memref<384x256xf32, #tpu.memory_space<vmem>>, vector<16xf32>,
        tpu.vector_store %arg8[%swap3A_208, %swap3A_209], %broadcast_in_dim3A_36 {strides = array<i32>} : memref<384x256xf32, #tpu.memory_space<vmem>>, vector<16xf32>,
        %swap3A_211 = arith.index_cast %while3A_166 : i32 to index
        %swap3A_212 = arith.constant 240 : index
        %swap3A_213 = tpu.vector_load %arg8[%swap3A_211, %swap3A_212] {strides = array<i32>} : memref<384x256xf32, #tpu.memory_space<vmem>>, vector<16xf32>,
        tpu.vector_store %arg8[%swap3A_211, %swap3A_212], %broadcast_in_dim3A_36 {strides = array<i32>} : memref<384x256xf32, #tpu.memory_space<vmem>>, vector<16xf32>,
      }
      %while3A_154 = arith.constant 1 : i32
      scf.for %while3A_166 = %while3A_152 to %while3A_148 step %while3A_154  : i32 {
        %swap3A = arith.index_cast %while3A_166 : i32 to index
        %swap3A_167 = arith.constant 0 : index
        %swap3A_168 = tpu.vector_load %arg8[%swap3A, %swap3A_167] {strides = array<i32>} : memref<384x256xf32, #tpu.memory_space<vmem>>, vector<16xf32>,
        tpu.vector_store %arg8[%swap3A, %swap3A_167], %broadcast_in_dim3A_36 {strides = array<i32>} : memref<384x256xf32, #tpu.memory_space<vmem>>, vector<16xf32>,
        %swap3A_169 = arith.index_cast %while3A_166 : i32 to index
        %swap3A_170 = arith.constant 16 : index
        %swap3A_171 = tpu.vector_load %arg8[%swap3A_169, %swap3A_170] {strides = array<i32>} : memref<384x256xf32, #tpu.memory_space<vmem>>, vector<16xf32>,
        tpu.vector_store %arg8[%swap3A_169, %swap3A_170], %broadcast_in_dim3A_36 {strides = array<i32>} : memref<384x256xf32, #tpu.memory_space<vmem>>, vector<16xf32>,
        %swap3A_172 = arith.index_cast %while3A_166 : i32 to index
        %swap3A_173 = arith.constant 32 : index
        %swap3A_174 = tpu.vector_load %arg8[%swap3A_172, %swap3A_173] {strides = array<i32>} : memref<384x256xf32, #tpu.memory_space<vmem>>, vector<16xf32>,
        tpu.vector_store %arg8[%swap3A_172, %swap3A_173], %broadcast_in_dim3A_36 {strides = array<i32>} : memref<384x256xf32, #tpu.memory_space<vmem>>, vector<16xf32>,
        %swap3A_175 = arith.index_cast %while3A_166 : i32 to index
        %swap3A_176 = arith.constant 48 : index
        %swap3A_177 = tpu.vector_load %arg8[%swap3A_175, %swap3A_176] {strides = array<i32>} : memref<384x256xf32, #tpu.memory_space<vmem>>, vector<16xf32>,
        tpu.vector_store %arg8[%swap3A_175, %swap3A_176], %broadcast_in_dim3A_36 {strides = array<i32>} : memref<384x256xf32, #tpu.memory_space<vmem>>, vector<16xf32>,
        %swap3A_178 = arith.index_cast %while3A_166 : i32 to index
        %swap3A_179 = arith.constant 64 : index
        %swap3A_180 = tpu.vector_load %arg8[%swap3A_178, %swap3A_179] {strides = array<i32>} : memref<384x256xf32, #tpu.memory_space<vmem>>, vector<16xf32>,
        tpu.vector_store %arg8[%swap3A_178, %swap3A_179], %broadcast_in_dim3A_36 {strides = array<i32>} : memref<384x256xf32, #tpu.memory_space<vmem>>, vector<16xf32>,
        %swap3A_181 = arith.index_cast %while3A_166 : i32 to index
        %swap3A_182 = arith.constant 80 : index
        %swap3A_183 = tpu.vector_load %arg8[%swap3A_181, %swap3A_182] {strides = array<i32>} : memref<384x256xf32, #tpu.memory_space<vmem>>, vector<16xf32>,
        tpu.vector_store %arg8[%swap3A_181, %swap3A_182], %broadcast_in_dim3A_36 {strides = array<i32>} : memref<384x256xf32, #tpu.memory_space<vmem>>, vector<16xf32>,
        %swap3A_184 = arith.index_cast %while3A_166 : i32 to index
        %swap3A_185 = arith.constant 96 : index
        %swap3A_186 = tpu.vector_load %arg8[%swap3A_184, %swap3A_185] {strides = array<i32>} : memref<384x256xf32, #tpu.memory_space<vmem>>, vector<16xf32>,
        tpu.vector_store %arg8[%swap3A_184, %swap3A_185], %broadcast_in_dim3A_36 {strides = array<i32>} : memref<384x256xf32, #tpu.memory_space<vmem>>, vector<16xf32>,
        %swap3A_187 = arith.index_cast %while3A_166 : i32 to index
        %swap3A_188 = arith.constant 112 : index
        %swap3A_189 = tpu.vector_load %arg8[%swap3A_187, %swap3A_188] {strides = array<i32>} : memref<384x256xf32, #tpu.memory_space<vmem>>, vector<16xf32>,
        tpu.vector_store %arg8[%swap3A_187, %swap3A_188], %broadcast_in_dim3A_36 {strides = array<i32>} : memref<384x256xf32, #tpu.memory_space<vmem>>, vector<16xf32>,
        %swap3A_190 = arith.index_cast %while3A_166 : i32 to index
        %swap3A_191 = arith.constant 128 : index
        %swap3A_192 = tpu.vector_load %arg8[%swap3A_190, %swap3A_191] {strides = array<i32>} : memref<384x256xf32, #tpu.memory_space<vmem>>, vector<16xf32>,
        tpu.vector_store %arg8[%swap3A_190, %swap3A_191], %broadcast_in_dim3A_36 {strides = array<i32>} : memref<384x256xf32, #tpu.memory_space<vmem>>, vector<16xf32>,
        %swap3A_193 = arith.index_cast %while3A_166 : i32 to index
        %swap3A_194 = arith.constant 144 : index
        %swap3A_195 = tpu.vector_load %arg8[%swap3A_193, %swap3A_194] {strides = array<i32>} : memref<384x256xf32, #tpu.memory_space<vmem>>, vector<16xf32>,
        tpu.vector_store %arg8[%swap3A_193, %swap3A_194], %broadcast_in_dim3A_36 {strides = array<i32>} : memref<384x256xf32, #tpu.memory_space<vmem>>, vector<16xf32>,
        %swap3A_196 = arith.index_cast %while3A_166 : i32 to index
        %swap3A_197 = arith.constant 160 : index
        %swap3A_198 = tpu.vector_load %arg8[%swap3A_196, %swap3A_197] {strides = array<i32>} : memref<384x256xf32, #tpu.memory_space<vmem>>, vector<16xf32>,
        tpu.vector_store %arg8[%swap3A_196, %swap3A_197], %broadcast_in_dim3A_36 {strides = array<i32>} : memref<384x256xf32, #tpu.memory_space<vmem>>, vector<16xf32>,
        %swap3A_199 = arith.index_cast %while3A_166 : i32 to index
        %swap3A_200 = arith.constant 176 : index
        %swap3A_201 = tpu.vector_load %arg8[%swap3A_199, %swap3A_200] {strides = array<i32>} : memref<384x256xf32, #tpu.memory_space<vmem>>, vector<16xf32>,
        tpu.vector_store %arg8[%swap3A_199, %swap3A_200], %broadcast_in_dim3A_36 {strides = array<i32>} : memref<384x256xf32, #tpu.memory_space<vmem>>, vector<16xf32>,
        %swap3A_202 = arith.index_cast %while3A_166 : i32 to index
        %swap3A_203 = arith.constant 192 : index
        %swap3A_204 = tpu.vector_load %arg8[%swap3A_202, %swap3A_203] {strides = array<i32>} : memref<384x256xf32, #tpu.memory_space<vmem>>, vector<16xf32>,
        tpu.vector_store %arg8[%swap3A_202, %swap3A_203], %broadcast_in_dim3A_36 {strides = array<i32>} : memref<384x256xf32, #tpu.memory_space<vmem>>, vector<16xf32>,
        %swap3A_205 = arith.index_cast %while3A_166 : i32 to index
        %swap3A_206 = arith.constant 208 : index
        %swap3A_207 = tpu.vector_load %arg8[%swap3A_205, %swap3A_206] {strides = array<i32>} : memref<384x256xf32, #tpu.memory_space<vmem>>, vector<16xf32>,
        tpu.vector_store %arg8[%swap3A_205, %swap3A_206], %broadcast_in_dim3A_36 {strides = array<i32>} : memref<384x256xf32, #tpu.memory_space<vmem>>, vector<16xf32>,
        %swap3A_208 = arith.index_cast %while3A_166 : i32 to index
        %swap3A_209 = arith.constant 224 : index
        %swap3A_210 = tpu.vector_load %arg8[%swap3A_208, %swap3A_209] {strides = array<i32>} : memref<384x256xf32, #tpu.memory_space<vmem>>, vector<16xf32>,
        tpu.vector_store %arg8[%swap3A_208, %swap3A_209], %broadcast_in_dim3A_36 {strides = array<i32>} : memref<384x256xf32, #tpu.memory_space<vmem>>, vector<16xf32>,
        %swap3A_211 = arith.index_cast %while3A_166 : i32 to index
        %swap3A_212 = arith.constant 240 : index
        %swap3A_213 = tpu.vector_load %arg8[%swap3A_211, %swap3A_212] {strides = array<i32>} : memref<384x256xf32, #tpu.memory_space<vmem>>, vector<16xf32>,
        tpu.vector_store %arg8[%swap3A_211, %swap3A_212], %broadcast_in_dim3A_36 {strides = array<i32>} : memref<384x256xf32, #tpu.memory_space<vmem>>, vector<16xf32>,
      }
      %add3A_155 = arith.constant 256 : i32
      %add3A_156 = arith.addi %add3A_35, %add3A_155 : i32
      %dma_start3A = arith.constant 256 : i32
      %dma_start3A_157 = arith.constant 0 : i32
      %dma_start3A_158 = tpu.memref_slice %arg8[%dma_start3A, %dma_start3A_157] : memref<384x256xf32, #tpu.memory_space<vmem>> -> memref<128x256xf32, #tpu.memory_space<vmem>>
      %dma_start3A_159 = arith.constant 0 : i32
      %dma_start3A_160 = tpu.memref_slice %arg4[%add3A_156, %dma_start3A_159] : memref<12288x256xf32, #tpu.memory_space<hbm>> -> memref<128x256xf32, #tpu.memory_space<hbm>>
      %dma_start3A_161 = arith.constant 0 : i32
      %dma_start3A_162 = tpu.memref_slice %arg4[%add3A_156, %dma_start3A_161] : memref<12288x256xf32, #tpu.memory_space<hbm>> -> memref<128x256xf32, #tpu.memory_space<hbm>>
      %dma_start3A_163 = arith.constant 256 : i32
      %dma_start3A_164 = arith.constant 0 : i32
      %dma_start3A_165 = tpu.memref_slice %arg8[%dma_start3A_163, %dma_start3A_164] : memref<384x256xf32, #tpu.memory_space<vmem>> -> memref<128x256xf32, #tpu.memory_space<vmem>>
      tpu.enqueue_dma source(%dma_start3A_165 : memref<128x256xf32, #tpu.memory_space<vmem>>) target(%dma_start3A_162 : memref<128x256xf32, #tpu.memory_space<hbm>>) target_semaphore(%arg11 : memref<!tpu.dma_semaphore, #tpu.memory_space<semaphore_mem>>)
    } else {
    }
    %le3A_101 = arith.constant 0 : i32
    %le3A_102 = arith.cmpi sle, %min3A, %le3A_101 : i32
    %convert_element_type3A_103 = arith.extui %le3A_102 : i1 to i32
    %cond3A_104 = arith.constant 0 : i32
    %cond3A_105 = arith.cmpi ne, %convert_element_type3A_103, %cond3A_104 : i32
    scf.if %cond3A_105 {
      %add3A_131 = arith.constant 0 : i32
      %add3A_132 = arith.addi %add3A_35, %add3A_131 : i32
      %add3A_133 = arith.constant 0 : i32
      %add3A_134 = arith.addi %add3A_132, %add3A_133 : i32
      %dma_wait3A = arith.constant 0 : i32
      %dma_wait3A_135 = tpu.memref_slice %arg4[%add3A_134, %dma_wait3A] : memref<12288x256xf32, #tpu.memory_space<hbm>> -> memref<16x256xf32, #tpu.memory_space<hbm>>
      %dma_wait3A_136 = arith.constant 0 : i32
      %dma_wait3A_137 = tpu.memref_slice %arg4[%add3A_134, %dma_wait3A_136] : memref<12288x256xf32, #tpu.memory_space<hbm>> -> memref<16x256xf32, #tpu.memory_space<hbm>>
      tpu.wait_dma2 semaphore(%arg11 : memref<!tpu.dma_semaphore, #tpu.memory_space<semaphore_mem>>) src(%arg9 : memref<16x256xf32, #tpu.memory_space<vmem>>) dst(%dma_wait3A_137 : memref<16x256xf32, #tpu.memory_space<hbm>>)
      %add3A_138 = arith.constant 0 : i32
      %add3A_139 = arith.addi %add3A_35, %add3A_138 : i32
      %add3A_140 = arith.constant 16 : i32
      %add3A_141 = arith.addi %add3A_139, %add3A_140 : i32
      %dma_wait3A_142 = arith.constant 0 : i32
      %dma_wait3A_143 = tpu.memref_slice %arg4[%add3A_141, %dma_wait3A_142] : memref<12288x256xf32, #tpu.memory_space<hbm>> -> memref<16x256xf32, #tpu.memory_space<hbm>>
      %dma_wait3A_144 = arith.constant 0 : i32
      %dma_wait3A_145 = tpu.memref_slice %arg4[%add3A_141, %dma_wait3A_144] : memref<12288x256xf32, #tpu.memory_space<hbm>> -> memref<16x256xf32, #tpu.memory_space<hbm>>
      tpu.wait_dma2 semaphore(%arg11 : memref<!tpu.dma_semaphore, #tpu.memory_space<semaphore_mem>>) src(%arg9 : memref<16x256xf32, #tpu.memory_space<vmem>>) dst(%dma_wait3A_145 : memref<16x256xf32, #tpu.memory_space<hbm>>)
      %add3A_146 = arith.constant 0 : i32
      %add3A_147 = arith.addi %add3A_35, %add3A_146 : i32
      %add3A_148 = arith.constant 32 : i32
      %add3A_149 = arith.addi %add3A_147, %add3A_148 : i32
      %dma_wait3A_150 = arith.constant 0 : i32
      %dma_wait3A_151 = tpu.memref_slice %arg4[%add3A_149, %dma_wait3A_150] : memref<12288x256xf32, #tpu.memory_space<hbm>> -> memref<16x256xf32, #tpu.memory_space<hbm>>
      %dma_wait3A_152 = arith.constant 0 : i32
      %dma_wait3A_153 = tpu.memref_slice %arg4[%add3A_149, %dma_wait3A_152] : memref<12288x256xf32, #tpu.memory_space<hbm>> -> memref<16x256xf32, #tpu.memory_space<hbm>>
      tpu.wait_dma2 semaphore(%arg11 : memref<!tpu.dma_semaphore, #tpu.memory_space<semaphore_mem>>) src(%arg9 : memref<16x256xf32, #tpu.memory_space<vmem>>) dst(%dma_wait3A_153 : memref<16x256xf32, #tpu.memory_space<hbm>>)
      %add3A_154 = arith.constant 0 : i32
      %add3A_155 = arith.addi %add3A_35, %add3A_154 : i32
      %add3A_156 = arith.constant 48 : i32
      %add3A_157 = arith.addi %add3A_155, %add3A_156 : i32
      %dma_wait3A_158 = arith.constant 0 : i32
      %dma_wait3A_159 = tpu.memref_slice %arg4[%add3A_157, %dma_wait3A_158] : memref<12288x256xf32, #tpu.memory_space<hbm>> -> memref<16x256xf32, #tpu.memory_space<hbm>>
      %dma_wait3A_160 = arith.constant 0 : i32
      %dma_wait3A_161 = tpu.memref_slice %arg4[%add3A_157, %dma_wait3A_160] : memref<12288x256xf32, #tpu.memory_space<hbm>> -> memref<16x256xf32, #tpu.memory_space<hbm>>
      tpu.wait_dma2 semaphore(%arg11 : memref<!tpu.dma_semaphore, #tpu.memory_space<semaphore_mem>>) src(%arg9 : memref<16x256xf32, #tpu.memory_space<vmem>>) dst(%dma_wait3A_161 : memref<16x256xf32, #tpu.memory_space<hbm>>)
      %add3A_162 = arith.constant 0 : i32
      %add3A_163 = arith.addi %add3A_35, %add3A_162 : i32
      %add3A_164 = arith.constant 64 : i32
      %add3A_165 = arith.addi %add3A_163, %add3A_164 : i32
      %dma_wait3A_166 = arith.constant 0 : i32
      %dma_wait3A_167 = tpu.memref_slice %arg4[%add3A_165, %dma_wait3A_166] : memref<12288x256xf32, #tpu.memory_space<hbm>> -> memref<16x256xf32, #tpu.memory_space<hbm>>
      %dma_wait3A_168 = arith.constant 0 : i32
      %dma_wait3A_169 = tpu.memref_slice %arg4[%add3A_165, %dma_wait3A_168] : memref<12288x256xf32, #tpu.memory_space<hbm>> -> memref<16x256xf32, #tpu.memory_space<hbm>>
      tpu.wait_dma2 semaphore(%arg11 : memref<!tpu.dma_semaphore, #tpu.memory_space<semaphore_mem>>) src(%arg9 : memref<16x256xf32, #tpu.memory_space<vmem>>) dst(%dma_wait3A_169 : memref<16x256xf32, #tpu.memory_space<hbm>>)
      %add3A_170 = arith.constant 0 : i32
      %add3A_171 = arith.addi %add3A_35, %add3A_170 : i32
      %add3A_172 = arith.constant 80 : i32
      %add3A_173 = arith.addi %add3A_171, %add3A_172 : i32
      %dma_wait3A_174 = arith.constant 0 : i32
      %dma_wait3A_175 = tpu.memref_slice %arg4[%add3A_173, %dma_wait3A_174] : memref<12288x256xf32, #tpu.memory_space<hbm>> -> memref<16x256xf32, #tpu.memory_space<hbm>>
      %dma_wait3A_176 = arith.constant 0 : i32
      %dma_wait3A_177 = tpu.memref_slice %arg4[%add3A_173, %dma_wait3A_176] : memref<12288x256xf32, #tpu.memory_space<hbm>> -> memref<16x256xf32, #tpu.memory_space<hbm>>
      tpu.wait_dma2 semaphore(%arg11 : memref<!tpu.dma_semaphore, #tpu.memory_space<semaphore_mem>>) src(%arg9 : memref<16x256xf32, #tpu.memory_space<vmem>>) dst(%dma_wait3A_177 : memref<16x256xf32, #tpu.memory_space<hbm>>)
      %add3A_178 = arith.constant 0 : i32
      %add3A_179 = arith.addi %add3A_35, %add3A_178 : i32
      %add3A_180 = arith.constant 96 : i32
      %add3A_181 = arith.addi %add3A_179, %add3A_180 : i32
      %dma_wait3A_182 = arith.constant 0 : i32
      %dma_wait3A_183 = tpu.memref_slice %arg4[%add3A_181, %dma_wait3A_182] : memref<12288x256xf32, #tpu.memory_space<hbm>> -> memref<16x256xf32, #tpu.memory_space<hbm>>
      %dma_wait3A_184 = arith.constant 0 : i32
      %dma_wait3A_185 = tpu.memref_slice %arg4[%add3A_181, %dma_wait3A_184] : memref<12288x256xf32, #tpu.memory_space<hbm>> -> memref<16x256xf32, #tpu.memory_space<hbm>>
      tpu.wait_dma2 semaphore(%arg11 : memref<!tpu.dma_semaphore, #tpu.memory_space<semaphore_mem>>) src(%arg9 : memref<16x256xf32, #tpu.memory_space<vmem>>) dst(%dma_wait3A_185 : memref<16x256xf32, #tpu.memory_space<hbm>>)
      %add3A_186 = arith.constant 0 : i32
      %add3A_187 = arith.addi %add3A_35, %add3A_186 : i32
      %add3A_188 = arith.constant 112 : i32
      %add3A_189 = arith.addi %add3A_187, %add3A_188 : i32
      %dma_wait3A_190 = arith.constant 0 : i32
      %dma_wait3A_191 = tpu.memref_slice %arg4[%add3A_189, %dma_wait3A_190] : memref<12288x256xf32, #tpu.memory_space<hbm>> -> memref<16x256xf32, #tpu.memory_space<hbm>>
      %dma_wait3A_192 = arith.constant 0 : i32
      %dma_wait3A_193 = tpu.memref_slice %arg4[%add3A_189, %dma_wait3A_192] : memref<12288x256xf32, #tpu.memory_space<hbm>> -> memref<16x256xf32, #tpu.memory_space<hbm>>
      tpu.wait_dma2 semaphore(%arg11 : memref<!tpu.dma_semaphore, #tpu.memory_space<semaphore_mem>>) src(%arg9 : memref<16x256xf32, #tpu.memory_space<vmem>>) dst(%dma_wait3A_193 : memref<16x256xf32, #tpu.memory_space<hbm>>)
    } else {
    }
    %gt3A_106 = arith.constant 0 : i32
    %gt3A_107 = arith.cmpi sgt, %min3A, %gt3A_106 : i32
    %convert_element_type3A_108 = arith.extui %gt3A_107 : i1 to i32
    %cond3A_109 = arith.constant 0 : i32
    %cond3A_110 = arith.cmpi ne, %convert_element_type3A_108, %cond3A_109 : i32
    scf.if %cond3A_110 {
      %add3A_131 = arith.constant 0 : i32
      %add3A_132 = arith.addi %add3A_35, %add3A_131 : i32
      %dma_wait3A = arith.constant 0 : i32
      %dma_wait3A_133 = arith.constant 0 : i32
      %dma_wait3A_134 = tpu.memref_slice %arg8[%dma_wait3A, %dma_wait3A_133] : memref<384x256xf32, #tpu.memory_space<vmem>> -> memref<128x256xf32, #tpu.memory_space<vmem>>
      %dma_wait3A_135 = arith.constant 0 : i32
      %dma_wait3A_136 = tpu.memref_slice %arg4[%add3A_132, %dma_wait3A_135] : memref<12288x256xf32, #tpu.memory_space<hbm>> -> memref<128x256xf32, #tpu.memory_space<hbm>>
      %dma_wait3A_137 = arith.constant 0 : i32
      %dma_wait3A_138 = tpu.memref_slice %arg4[%add3A_132, %dma_wait3A_137] : memref<12288x256xf32, #tpu.memory_space<hbm>> -> memref<128x256xf32, #tpu.memory_space<hbm>>
      %dma_wait3A_139 = arith.constant 0 : i32
      %dma_wait3A_140 = arith.constant 0 : i32
      %dma_wait3A_141 = tpu.memref_slice %arg8[%dma_wait3A_139, %dma_wait3A_140] : memref<384x256xf32, #tpu.memory_space<vmem>> -> memref<128x256xf32, #tpu.memory_space<vmem>>
      tpu.wait_dma2 semaphore(%arg11 : memref<!tpu.dma_semaphore, #tpu.memory_space<semaphore_mem>>) src(%dma_wait3A_141 : memref<128x256xf32, #tpu.memory_space<vmem>>) dst(%dma_wait3A_138 : memref<128x256xf32, #tpu.memory_space<hbm>>)
    } else {
    }
    %le3A_111 = arith.constant 128 : i32
    %le3A_112 = arith.cmpi sle, %min3A, %le3A_111 : i32
    %convert_element_type3A_113 = arith.extui %le3A_112 : i1 to i32
    %cond3A_114 = arith.constant 0 : i32
    %cond3A_115 = arith.cmpi ne, %convert_element_type3A_113, %cond3A_114 : i32
    scf.if %cond3A_115 {
      %add3A_131 = arith.constant 128 : i32
      %add3A_132 = arith.addi %add3A_35, %add3A_131 : i32
      %add3A_133 = arith.constant 0 : i32
      %add3A_134 = arith.addi %add3A_132, %add3A_133 : i32
      %dma_wait3A = arith.constant 0 : i32
      %dma_wait3A_135 = tpu.memref_slice %arg4[%add3A_134, %dma_wait3A] : memref<12288x256xf32, #tpu.memory_space<hbm>> -> memref<16x256xf32, #tpu.memory_space<hbm>>
      %dma_wait3A_136 = arith.constant 0 : i32
      %dma_wait3A_137 = tpu.memref_slice %arg4[%add3A_134, %dma_wait3A_136] : memref<12288x256xf32, #tpu.memory_space<hbm>> -> memref<16x256xf32, #tpu.memory_space<hbm>>
      tpu.wait_dma2 semaphore(%arg11 : memref<!tpu.dma_semaphore, #tpu.memory_space<semaphore_mem>>) src(%arg9 : memref<16x256xf32, #tpu.memory_space<vmem>>) dst(%dma_wait3A_137 : memref<16x256xf32, #tpu.memory_space<hbm>>)
      %add3A_138 = arith.constant 128 : i32
      %add3A_139 = arith.addi %add3A_35, %add3A_138 : i32
      %add3A_140 = arith.constant 16 : i32
      %add3A_141 = arith.addi %add3A_139, %add3A_140 : i32
      %dma_wait3A_142 = arith.constant 0 : i32
      %dma_wait3A_143 = tpu.memref_slice %arg4[%add3A_141, %dma_wait3A_142] : memref<12288x256xf32, #tpu.memory_space<hbm>> -> memref<16x256xf32, #tpu.memory_space<hbm>>
      %dma_wait3A_144 = arith.constant 0 : i32
      %dma_wait3A_145 = tpu.memref_slice %arg4[%add3A_141, %dma_wait3A_144] : memref<12288x256xf32, #tpu.memory_space<hbm>> -> memref<16x256xf32, #tpu.memory_space<hbm>>
      tpu.wait_dma2 semaphore(%arg11 : memref<!tpu.dma_semaphore, #tpu.memory_space<semaphore_mem>>) src(%arg9 : memref<16x256xf32, #tpu.memory_space<vmem>>) dst(%dma_wait3A_145 : memref<16x256xf32, #tpu.memory_space<hbm>>)
      %add3A_146 = arith.constant 128 : i32
      %add3A_147 = arith.addi %add3A_35, %add3A_146 : i32
      %add3A_148 = arith.constant 32 : i32
      %add3A_149 = arith.addi %add3A_147, %add3A_148 : i32
      %dma_wait3A_150 = arith.constant 0 : i32
      %dma_wait3A_151 = tpu.memref_slice %arg4[%add3A_149, %dma_wait3A_150] : memref<12288x256xf32, #tpu.memory_space<hbm>> -> memref<16x256xf32, #tpu.memory_space<hbm>>
      %dma_wait3A_152 = arith.constant 0 : i32
      %dma_wait3A_153 = tpu.memref_slice %arg4[%add3A_149, %dma_wait3A_152] : memref<12288x256xf32, #tpu.memory_space<hbm>> -> memref<16x256xf32, #tpu.memory_space<hbm>>
      tpu.wait_dma2 semaphore(%arg11 : memref<!tpu.dma_semaphore, #tpu.memory_space<semaphore_mem>>) src(%arg9 : memref<16x256xf32, #tpu.memory_space<vmem>>) dst(%dma_wait3A_153 : memref<16x256xf32, #tpu.memory_space<hbm>>)
      %add3A_154 = arith.constant 128 : i32
      %add3A_155 = arith.addi %add3A_35, %add3A_154 : i32
      %add3A_156 = arith.constant 48 : i32
      %add3A_157 = arith.addi %add3A_155, %add3A_156 : i32
      %dma_wait3A_158 = arith.constant 0 : i32
      %dma_wait3A_159 = tpu.memref_slice %arg4[%add3A_157, %dma_wait3A_158] : memref<12288x256xf32, #tpu.memory_space<hbm>> -> memref<16x256xf32, #tpu.memory_space<hbm>>
      %dma_wait3A_160 = arith.constant 0 : i32
      %dma_wait3A_161 = tpu.memref_slice %arg4[%add3A_157, %dma_wait3A_160] : memref<12288x256xf32, #tpu.memory_space<hbm>> -> memref<16x256xf32, #tpu.memory_space<hbm>>
      tpu.wait_dma2 semaphore(%arg11 : memref<!tpu.dma_semaphore, #tpu.memory_space<semaphore_mem>>) src(%arg9 : memref<16x256xf32, #tpu.memory_space<vmem>>) dst(%dma_wait3A_161 : memref<16x256xf32, #tpu.memory_space<hbm>>)
      %add3A_162 = arith.constant 128 : i32
      %add3A_163 = arith.addi %add3A_35, %add3A_162 : i32
      %add3A_164 = arith.constant 64 : i32
      %add3A_165 = arith.addi %add3A_163, %add3A_164 : i32
      %dma_wait3A_166 = arith.constant 0 : i32
      %dma_wait3A_167 = tpu.memref_slice %arg4[%add3A_165, %dma_wait3A_166] : memref<12288x256xf32, #tpu.memory_space<hbm>> -> memref<16x256xf32, #tpu.memory_space<hbm>>
      %dma_wait3A_168 = arith.constant 0 : i32
      %dma_wait3A_169 = tpu.memref_slice %arg4[%add3A_165, %dma_wait3A_168] : memref<12288x256xf32, #tpu.memory_space<hbm>> -> memref<16x256xf32, #tpu.memory_space<hbm>>
      tpu.wait_dma2 semaphore(%arg11 : memref<!tpu.dma_semaphore, #tpu.memory_space<semaphore_mem>>) src(%arg9 : memref<16x256xf32, #tpu.memory_space<vmem>>) dst(%dma_wait3A_169 : memref<16x256xf32, #tpu.memory_space<hbm>>)
      %add3A_170 = arith.constant 128 : i32
      %add3A_171 = arith.addi %add3A_35, %add3A_170 : i32
      %add3A_172 = arith.constant 80 : i32
      %add3A_173 = arith.addi %add3A_171, %add3A_172 : i32
      %dma_wait3A_174 = arith.constant 0 : i32
      %dma_wait3A_175 = tpu.memref_slice %arg4[%add3A_173, %dma_wait3A_174] : memref<12288x256xf32, #tpu.memory_space<hbm>> -> memref<16x256xf32, #tpu.memory_space<hbm>>
      %dma_wait3A_176 = arith.constant 0 : i32
      %dma_wait3A_177 = tpu.memref_slice %arg4[%add3A_173, %dma_wait3A_176] : memref<12288x256xf32, #tpu.memory_space<hbm>> -> memref<16x256xf32, #tpu.memory_space<hbm>>
      tpu.wait_dma2 semaphore(%arg11 : memref<!tpu.dma_semaphore, #tpu.memory_space<semaphore_mem>>) src(%arg9 : memref<16x256xf32, #tpu.memory_space<vmem>>) dst(%dma_wait3A_177 : memref<16x256xf32, #tpu.memory_space<hbm>>)
      %add3A_178 = arith.constant 128 : i32
      %add3A_179 = arith.addi %add3A_35, %add3A_178 : i32
      %add3A_180 = arith.constant 96 : i32
      %add3A_181 = arith.addi %add3A_179, %add3A_180 : i32
      %dma_wait3A_182 = arith.constant 0 : i32
      %dma_wait3A_183 = tpu.memref_slice %arg4[%add3A_181, %dma_wait3A_182] : memref<12288x256xf32, #tpu.memory_space<hbm>> -> memref<16x256xf32, #tpu.memory_space<hbm>>
      %dma_wait3A_184 = arith.constant 0 : i32
      %dma_wait3A_185 = tpu.memref_slice %arg4[%add3A_181, %dma_wait3A_184] : memref<12288x256xf32, #tpu.memory_space<hbm>> -> memref<16x256xf32, #tpu.memory_space<hbm>>
      tpu.wait_dma2 semaphore(%arg11 : memref<!tpu.dma_semaphore, #tpu.memory_space<semaphore_mem>>) src(%arg9 : memref<16x256xf32, #tpu.memory_space<vmem>>) dst(%dma_wait3A_185 : memref<16x256xf32, #tpu.memory_space<hbm>>)
      %add3A_186 = arith.constant 128 : i32
      %add3A_187 = arith.addi %add3A_35, %add3A_186 : i32
      %add3A_188 = arith.constant 112 : i32
      %add3A_189 = arith.addi %add3A_187, %add3A_188 : i32
      %dma_wait3A_190 = arith.constant 0 : i32
      %dma_wait3A_191 = tpu.memref_slice %arg4[%add3A_189, %dma_wait3A_190] : memref<12288x256xf32, #tpu.memory_space<hbm>> -> memref<16x256xf32, #tpu.memory_space<hbm>>
      %dma_wait3A_192 = arith.constant 0 : i32
      %dma_wait3A_193 = tpu.memref_slice %arg4[%add3A_189, %dma_wait3A_192] : memref<12288x256xf32, #tpu.memory_space<hbm>> -> memref<16x256xf32, #tpu.memory_space<hbm>>
      tpu.wait_dma2 semaphore(%arg11 : memref<!tpu.dma_semaphore, #tpu.memory_space<semaphore_mem>>) src(%arg9 : memref<16x256xf32, #tpu.memory_space<vmem>>) dst(%dma_wait3A_193 : memref<16x256xf32, #tpu.memory_space<hbm>>)
    } else {
    }
    %gt3A_116 = arith.constant 128 : i32
    %gt3A_117 = arith.cmpi sgt, %min3A, %gt3A_116 : i32
    %convert_element_type3A_118 = arith.extui %gt3A_117 : i1 to i32
    %cond3A_119 = arith.constant 0 : i32
    %cond3A_120 = arith.cmpi ne, %convert_element_type3A_118, %cond3A_119 : i32
    scf.if %cond3A_120 {
      %add3A_131 = arith.constant 128 : i32
      %add3A_132 = arith.addi %add3A_35, %add3A_131 : i32
      %dma_wait3A = arith.constant 128 : i32
      %dma_wait3A_133 = arith.constant 0 : i32
      %dma_wait3A_134 = tpu.memref_slice %arg8[%dma_wait3A, %dma_wait3A_133] : memref<384x256xf32, #tpu.memory_space<vmem>> -> memref<128x256xf32, #tpu.memory_space<vmem>>
      %dma_wait3A_135 = arith.constant 0 : i32
      %dma_wait3A_136 = tpu.memref_slice %arg4[%add3A_132, %dma_wait3A_135] : memref<12288x256xf32, #tpu.memory_space<hbm>> -> memref<128x256xf32, #tpu.memory_space<hbm>>
      %dma_wait3A_137 = arith.constant 0 : i32
      %dma_wait3A_138 = tpu.memref_slice %arg4[%add3A_132, %dma_wait3A_137] : memref<12288x256xf32, #tpu.memory_space<hbm>> -> memref<128x256xf32, #tpu.memory_space<hbm>>
      %dma_wait3A_139 = arith.constant 128 : i32
      %dma_wait3A_140 = arith.constant 0 : i32
      %dma_wait3A_141 = tpu.memref_slice %arg8[%dma_wait3A_139, %dma_wait3A_140] : memref<384x256xf32, #tpu.memory_space<vmem>> -> memref<128x256xf32, #tpu.memory_space<vmem>>
      tpu.wait_dma2 semaphore(%arg11 : memref<!tpu.dma_semaphore, #tpu.memory_space<semaphore_mem>>) src(%dma_wait3A_141 : memref<128x256xf32, #tpu.memory_space<vmem>>) dst(%dma_wait3A_138 : memref<128x256xf32, #tpu.memory_space<hbm>>)
    } else {
    }
    %le3A_121 = arith.constant 256 : i32
    %le3A_122 = arith.cmpi sle, %min3A, %le3A_121 : i32
    %convert_element_type3A_123 = arith.extui %le3A_122 : i1 to i32
    %cond3A_124 = arith.constant 0 : i32
    %cond3A_125 = arith.cmpi ne, %convert_element_type3A_123, %cond3A_124 : i32
    scf.if %cond3A_125 {
      %add3A_131 = arith.constant 256 : i32
      %add3A_132 = arith.addi %add3A_35, %add3A_131 : i32
      %add3A_133 = arith.constant 0 : i32
      %add3A_134 = arith.addi %add3A_132, %add3A_133 : i32
      %dma_wait3A = arith.constant 0 : i32
      %dma_wait3A_135 = tpu.memref_slice %arg4[%add3A_134, %dma_wait3A] : memref<12288x256xf32, #tpu.memory_space<hbm>> -> memref<16x256xf32, #tpu.memory_space<hbm>>
      %dma_wait3A_136 = arith.constant 0 : i32
      %dma_wait3A_137 = tpu.memref_slice %arg4[%add3A_134, %dma_wait3A_136] : memref<12288x256xf32, #tpu.memory_space<hbm>> -> memref<16x256xf32, #tpu.memory_space<hbm>>
      tpu.wait_dma2 semaphore(%arg11 : memref<!tpu.dma_semaphore, #tpu.memory_space<semaphore_mem>>) src(%arg9 : memref<16x256xf32, #tpu.memory_space<vmem>>) dst(%dma_wait3A_137 : memref<16x256xf32, #tpu.memory_space<hbm>>)
      %add3A_138 = arith.constant 256 : i32
      %add3A_139 = arith.addi %add3A_35, %add3A_138 : i32
      %add3A_140 = arith.constant 16 : i32
      %add3A_141 = arith.addi %add3A_139, %add3A_140 : i32
      %dma_wait3A_142 = arith.constant 0 : i32
      %dma_wait3A_143 = tpu.memref_slice %arg4[%add3A_141, %dma_wait3A_142] : memref<12288x256xf32, #tpu.memory_space<hbm>> -> memref<16x256xf32, #tpu.memory_space<hbm>>
      %dma_wait3A_144 = arith.constant 0 : i32
      %dma_wait3A_145 = tpu.memref_slice %arg4[%add3A_141, %dma_wait3A_144] : memref<12288x256xf32, #tpu.memory_space<hbm>> -> memref<16x256xf32, #tpu.memory_space<hbm>>
      tpu.wait_dma2 semaphore(%arg11 : memref<!tpu.dma_semaphore, #tpu.memory_space<semaphore_mem>>) src(%arg9 : memref<16x256xf32, #tpu.memory_space<vmem>>) dst(%dma_wait3A_145 : memref<16x256xf32, #tpu.memory_space<hbm>>)
      %add3A_146 = arith.constant 256 : i32
      %add3A_147 = arith.addi %add3A_35, %add3A_146 : i32
      %add3A_148 = arith.constant 32 : i32
      %add3A_149 = arith.addi %add3A_147, %add3A_148 : i32
      %dma_wait3A_150 = arith.constant 0 : i32
      %dma_wait3A_151 = tpu.memref_slice %arg4[%add3A_149, %dma_wait3A_150] : memref<12288x256xf32, #tpu.memory_space<hbm>> -> memref<16x256xf32, #tpu.memory_space<hbm>>
      %dma_wait3A_152 = arith.constant 0 : i32
      %dma_wait3A_153 = tpu.memref_slice %arg4[%add3A_149, %dma_wait3A_152] : memref<12288x256xf32, #tpu.memory_space<hbm>> -> memref<16x256xf32, #tpu.memory_space<hbm>>
      tpu.wait_dma2 semaphore(%arg11 : memref<!tpu.dma_semaphore, #tpu.memory_space<semaphore_mem>>) src(%arg9 : memref<16x256xf32, #tpu.memory_space<vmem>>) dst(%dma_wait3A_153 : memref<16x256xf32, #tpu.memory_space<hbm>>)
      %add3A_154 = arith.constant 256 : i32
      %add3A_155 = arith.addi %add3A_35, %add3A_154 : i32
      %add3A_156 = arith.constant 48 : i32
      %add3A_157 = arith.addi %add3A_155, %add3A_156 : i32
      %dma_wait3A_158 = arith.constant 0 : i32
      %dma_wait3A_159 = tpu.memref_slice %arg4[%add3A_157, %dma_wait3A_158] : memref<12288x256xf32, #tpu.memory_space<hbm>> -> memref<16x256xf32, #tpu.memory_space<hbm>>
      %dma_wait3A_160 = arith.constant 0 : i32
      %dma_wait3A_161 = tpu.memref_slice %arg4[%add3A_157, %dma_wait3A_160] : memref<12288x256xf32, #tpu.memory_space<hbm>> -> memref<16x256xf32, #tpu.memory_space<hbm>>
      tpu.wait_dma2 semaphore(%arg11 : memref<!tpu.dma_semaphore, #tpu.memory_space<semaphore_mem>>) src(%arg9 : memref<16x256xf32, #tpu.memory_space<vmem>>) dst(%dma_wait3A_161 : memref<16x256xf32, #tpu.memory_space<hbm>>)
      %add3A_162 = arith.constant 256 : i32
      %add3A_163 = arith.addi %add3A_35, %add3A_162 : i32
      %add3A_164 = arith.constant 64 : i32
      %add3A_165 = arith.addi %add3A_163, %add3A_164 : i32
      %dma_wait3A_166 = arith.constant 0 : i32
      %dma_wait3A_167 = tpu.memref_slice %arg4[%add3A_165, %dma_wait3A_166] : memref<12288x256xf32, #tpu.memory_space<hbm>> -> memref<16x256xf32, #tpu.memory_space<hbm>>
      %dma_wait3A_168 = arith.constant 0 : i32
      %dma_wait3A_169 = tpu.memref_slice %arg4[%add3A_165, %dma_wait3A_168] : memref<12288x256xf32, #tpu.memory_space<hbm>> -> memref<16x256xf32, #tpu.memory_space<hbm>>
      tpu.wait_dma2 semaphore(%arg11 : memref<!tpu.dma_semaphore, #tpu.memory_space<semaphore_mem>>) src(%arg9 : memref<16x256xf32, #tpu.memory_space<vmem>>) dst(%dma_wait3A_169 : memref<16x256xf32, #tpu.memory_space<hbm>>)
      %add3A_170 = arith.constant 256 : i32
      %add3A_171 = arith.addi %add3A_35, %add3A_170 : i32
      %add3A_172 = arith.constant 80 : i32
      %add3A_173 = arith.addi %add3A_171, %add3A_172 : i32
      %dma_wait3A_174 = arith.constant 0 : i32
      %dma_wait3A_175 = tpu.memref_slice %arg4[%add3A_173, %dma_wait3A_174] : memref<12288x256xf32, #tpu.memory_space<hbm>> -> memref<16x256xf32, #tpu.memory_space<hbm>>
      %dma_wait3A_176 = arith.constant 0 : i32
      %dma_wait3A_177 = tpu.memref_slice %arg4[%add3A_173, %dma_wait3A_176] : memref<12288x256xf32, #tpu.memory_space<hbm>> -> memref<16x256xf32, #tpu.memory_space<hbm>>
      tpu.wait_dma2 semaphore(%arg11 : memref<!tpu.dma_semaphore, #tpu.memory_space<semaphore_mem>>) src(%arg9 : memref<16x256xf32, #tpu.memory_space<vmem>>) dst(%dma_wait3A_177 : memref<16x256xf32, #tpu.memory_space<hbm>>)
      %add3A_178 = arith.constant 256 : i32
      %add3A_179 = arith.addi %add3A_35, %add3A_178 : i32
      %add3A_180 = arith.constant 96 : i32
      %add3A_181 = arith.addi %add3A_179, %add3A_180 : i32
      %dma_wait3A_182 = arith.constant 0 : i32
      %dma_wait3A_183 = tpu.memref_slice %arg4[%add3A_181, %dma_wait3A_182] : memref<12288x256xf32, #tpu.memory_space<hbm>> -> memref<16x256xf32, #tpu.memory_space<hbm>>
      %dma_wait3A_184 = arith.constant 0 : i32
      %dma_wait3A_185 = tpu.memref_slice %arg4[%add3A_181, %dma_wait3A_184] : memref<12288x256xf32, #tpu.memory_space<hbm>> -> memref<16x256xf32, #tpu.memory_space<hbm>>
      tpu.wait_dma2 semaphore(%arg11 : memref<!tpu.dma_semaphore, #tpu.memory_space<semaphore_mem>>) src(%arg9 : memref<16x256xf32, #tpu.memory_space<vmem>>) dst(%dma_wait3A_185 : memref<16x256xf32, #tpu.memory_space<hbm>>)
      %add3A_186 = arith.constant 256 : i32
      %add3A_187 = arith.addi %add3A_35, %add3A_186 : i32
      %add3A_188 = arith.constant 112 : i32
      %add3A_189 = arith.addi %add3A_187, %add3A_188 : i32
      %dma_wait3A_190 = arith.constant 0 : i32
      %dma_wait3A_191 = tpu.memref_slice %arg4[%add3A_189, %dma_wait3A_190] : memref<12288x256xf32, #tpu.memory_space<hbm>> -> memref<16x256xf32, #tpu.memory_space<hbm>>
      %dma_wait3A_192 = arith.constant 0 : i32
      %dma_wait3A_193 = tpu.memref_slice %arg4[%add3A_189, %dma_wait3A_192] : memref<12288x256xf32, #tpu.memory_space<hbm>> -> memref<16x256xf32, #tpu.memory_space<hbm>>
      tpu.wait_dma2 semaphore(%arg11 : memref<!tpu.dma_semaphore, #tpu.memory_space<semaphore_mem>>) src(%arg9 : memref<16x256xf32, #tpu.memory_space<vmem>>) dst(%dma_wait3A_193 : memref<16x256xf32, #tpu.memory_space<hbm>>)
    } else {
    }
    %gt3A_126 = arith.constant 256 : i32
    %gt3A_127 = arith.cmpi sgt, %min3A, %gt3A_126 : i32
    %convert_element_type3A_128 = arith.extui %gt3A_127 : i1 to i32
    %cond3A_129 = arith.constant 0 : i32
    %cond3A_130 = arith.cmpi ne, %convert_element_type3A_128, %cond3A_129 : i32
    scf.if %cond3A_130 {
      %add3A_131 = arith.constant 256 : i32
      %add3A_132 = arith.addi %add3A_35, %add3A_131 : i32
      %dma_wait3A = arith.constant 256 : i32
      %dma_wait3A_133 = arith.constant 0 : i32
      %dma_wait3A_134 = tpu.memref_slice %arg8[%dma_wait3A, %dma_wait3A_133] : memref<384x256xf32, #tpu.memory_space<vmem>> -> memref<128x256xf32, #tpu.memory_space<vmem>>
      %dma_wait3A_135 = arith.constant 0 : i32
      %dma_wait3A_136 = tpu.memref_slice %arg4[%add3A_132, %dma_wait3A_135] : memref<12288x256xf32, #tpu.memory_space<hbm>> -> memref<128x256xf32, #tpu.memory_space<hbm>>
      %dma_wait3A_137 = arith.constant 0 : i32
      %dma_wait3A_138 = tpu.memref_slice %arg4[%add3A_132, %dma_wait3A_137] : memref<12288x256xf32, #tpu.memory_space<hbm>> -> memref<128x256xf32, #tpu.memory_space<hbm>>
      %dma_wait3A_139 = arith.constant 256 : i32
      %dma_wait3A_140 = arith.constant 0 : i32
      %dma_wait3A_141 = tpu.memref_slice %arg8[%dma_wait3A_139, %dma_wait3A_140] : memref<384x256xf32, #tpu.memory_space<vmem>> -> memref<128x256xf32, #tpu.memory_space<vmem>>
      tpu.wait_dma2 semaphore(%arg11 : memref<!tpu.dma_semaphore, #tpu.memory_space<semaphore_mem>>) src(%dma_wait3A_141 : memref<128x256xf32, #tpu.memory_space<vmem>>) dst(%dma_wait3A_138 : memref<128x256xf32, #tpu.memory_space<hbm>>)
    } else {
    }
    return
  }
}

module attributes {stable_mosaic.version = 14 : i64} {
  func.func @_dp_body(%arg0: i32, %arg1: memref<1x512x256xf32, #tpu.memory_space<vmem>>, %arg2: memref<768x256xf32, #tpu.memory_space<vmem>>, %arg3: memref<1x256xf32, #tpu.memory_space<vmem>>, %arg4: memref<1x256xf32, #tpu.memory_space<vmem>>, %arg5: memref<1x256xf32, #tpu.memory_space<vmem>>, %arg6: memref<768x256xf32, #tpu.memory_space<vmem>>, %arg7: memref<1x256xf32, #tpu.memory_space<vmem>>, %arg8: memref<1x256xf32, #tpu.memory_space<vmem>>, %arg9: memref<1x256xf32, #tpu.memory_space<vmem>>, %arg10: memref<1x256xf32, #tpu.memory_space<vmem>>, %arg11: memref<1x1xf32, #tpu.memory_space<vmem>>, %arg12: memref<1x1x512xf32, #tpu.memory_space<vmem>>) attributes {dimension_semantics = [#tpu.dimension_semantics<arbitrary>], iteration_bounds = array<i64: 8>, scalar_prefetch = 0 : i64, scratch_operands = 0 : i64, tpu.core_type = #tpu.core_type<tc>, window_params = [{transform_indices = @transform_0, window_bounds = array<i64: 1, 512, 256>}, {pipeline_mode = #tpu.pipeline_mode<synchronous>, transform_indices = @transform_1, window_bounds = array<i64: 768, 256>}, {pipeline_mode = #tpu.pipeline_mode<synchronous>, transform_indices = @transform_2, window_bounds = array<i64: 1, 256>}, {pipeline_mode = #tpu.pipeline_mode<synchronous>, transform_indices = @transform_3, window_bounds = array<i64: 1, 256>}, {pipeline_mode = #tpu.pipeline_mode<synchronous>, transform_indices = @transform_4, window_bounds = array<i64: 1, 256>}, {pipeline_mode = #tpu.pipeline_mode<synchronous>, transform_indices = @transform_5, window_bounds = array<i64: 768, 256>}, {pipeline_mode = #tpu.pipeline_mode<synchronous>, transform_indices = @transform_6, window_bounds = array<i64: 1, 256>}, {pipeline_mode = #tpu.pipeline_mode<synchronous>, transform_indices = @transform_7, window_bounds = array<i64: 1, 256>}, {pipeline_mode = #tpu.pipeline_mode<synchronous>, transform_indices = @transform_8, window_bounds = array<i64: 1, 256>}, {pipeline_mode = #tpu.pipeline_mode<synchronous>, transform_indices = @transform_9, window_bounds = array<i64: 1, 256>}, {pipeline_mode = #tpu.pipeline_mode<synchronous>, transform_indices = @transform_10, window_bounds = array<i64: 1, 1>}, {transform_indices = @transform_11, window_bounds = array<i64: 1, 1, 512>}]} {
    %get3A = arith.constant 0 : index
    %get3A_0 = arith.constant 0 : index
    %get3A_1 = arith.constant 0 : index
    %get3A_2 = vector.load %arg1[%get3A, %get3A_0, %get3A_1] : memref<1x512x256xf32, #tpu.memory_space<vmem>>, vector<1x512x256xf32>
    %get3A_3 = vector.shape_cast %get3A_2 : vector<1x512x256xf32> to vector<512x256xf32>
    %broadcast_in_dim3A = arith.constant 0.000000e+00 : f32
    %broadcast_in_dim3A_4 = vector.broadcast %broadcast_in_dim3A : f32 to vector<1x256xf32>
    %slice3A = vector.extract_strided_slice %get3A_3 {offsets = [0, 0], sizes = [511, 256], strides = [1, 1]} : vector<512x256xf32> to vector<511x256xf32>
    %concatenate3A = tpu.concatenate %broadcast_in_dim3A_4, %slice3A in 0 : vector<1x256xf32>, vector<511x256xf32> -> vector<512x256xf32>
    %slice3A_5 = vector.extract_strided_slice %get3A_3 {offsets = [1, 0], sizes = [511, 256], strides = [1, 1]} : vector<512x256xf32> to vector<511x256xf32>
    %concatenate3A_6 = tpu.concatenate %slice3A_5, %broadcast_in_dim3A_4 in 0 : vector<511x256xf32>, vector<1x256xf32> -> vector<512x256xf32>
    %concatenate3A_7 = tpu.concatenate %concatenate3A, %get3A_3, %concatenate3A_6 in 1 : vector<512x256xf32>, vector<512x256xf32>, vector<512x256xf32> -> vector<512x768xf32>
    %get3A_8 = arith.constant 0 : index
    %get3A_9 = arith.constant 0 : index
    %get3A_10 = vector.load %arg2[%get3A_8, %get3A_9] : memref<768x256xf32, #tpu.memory_space<vmem>>, vector<768x256xf32>
    %dot_general3A = arith.constant dense<0.000000e+00> : vector<512x256xf32>
    %dot_general3A_11 = tpu.matmul %concatenate3A_7, %get3A_10, %dot_general3A {dimension_numbers = #tpu.dot_dimension_numbers<[1], [0], [0], [1], [0, 0, 1, 1], [], []>, transpose_lhs_hint = false} : vector<512x768xf32>, vector<768x256xf32>, vector<512x256xf32> -> vector<512x256xf32>
    %get3A_12 = arith.constant 0 : index
    %get3A_13 = arith.constant 0 : index
    %get3A_14 = vector.load %arg3[%get3A_12, %get3A_13] : memref<1x256xf32, #tpu.memory_space<vmem>>, vector<1x256xf32>
    %add3A = vector.broadcast %get3A_14 : vector<1x256xf32> to vector<512x256xf32>
    %add3A_15 = arith.addf %dot_general3A_11, %add3A : vector<512x256xf32>
    %get3A_16 = arith.constant 0 : index
    %get3A_17 = arith.constant 0 : index
    %get3A_18 = vector.load %arg4[%get3A_16, %get3A_17] : memref<1x256xf32, #tpu.memory_space<vmem>>, vector<1x256xf32>
    %get3A_19 = arith.constant 0 : index
    %get3A_20 = arith.constant 0 : index
    %get3A_21 = vector.load %arg5[%get3A_19, %get3A_20] : memref<1x256xf32, #tpu.memory_space<vmem>>, vector<1x256xf32>
    %reduce_sum3A = arith.constant dense<0.000000e+00> : vector<512xf32>
    %reduce_sum3A_22 = vector.multi_reduction <add>, %add3A_15, %reduce_sum3A [1] : vector<512x256xf32> to vector<512xf32>
    %broadcast_in_dim3A_23 = vector.shape_cast %reduce_sum3A_22 : vector<512xf32> to vector<512x1xf32>
    %div3A = arith.constant 2.560000e+02 : f32
    %div3A_24 = vector.broadcast %div3A : f32 to vector<512x1xf32>
    %div3A_25 = arith.divf %broadcast_in_dim3A_23, %div3A_24 : vector<512x1xf32>
    %sub3A = vector.broadcast %div3A_25 : vector<512x1xf32> to vector<512x256xf32>
    %sub3A_26 = arith.subf %add3A_15, %sub3A : vector<512x256xf32>
    %integer_pow3A = arith.mulf %sub3A_26, %sub3A_26 : vector<512x256xf32>
    %reduce_sum3A_27 = arith.constant dense<0.000000e+00> : vector<512xf32>
    %reduce_sum3A_28 = vector.multi_reduction <add>, %integer_pow3A, %reduce_sum3A_27 [1] : vector<512x256xf32> to vector<512xf32>
    %broadcast_in_dim3A_29 = vector.shape_cast %reduce_sum3A_28 : vector<512xf32> to vector<512x1xf32>
    %div3A_30 = arith.constant 2.560000e+02 : f32
    %div3A_31 = vector.broadcast %div3A_30 : f32 to vector<512x1xf32>
    %div3A_32 = arith.divf %broadcast_in_dim3A_29, %div3A_31 : vector<512x1xf32>
    %sub3A_33 = vector.broadcast %div3A_25 : vector<512x1xf32> to vector<512x256xf32>
    %sub3A_34 = arith.subf %add3A_15, %sub3A_33 : vector<512x256xf32>
    %add3A_35 = arith.constant 9.99999974E-6 : f32
    %add3A_36 = vector.broadcast %add3A_35 : f32 to vector<512x1xf32>
    %add3A_37 = arith.addf %div3A_32, %add3A_36 : vector<512x1xf32>
    %rsqrt3A = math.rsqrt %add3A_37 : vector<512x1xf32>
    %mul3A = vector.broadcast %rsqrt3A : vector<512x1xf32> to vector<512x256xf32>
    %mul3A_38 = vector.broadcast %get3A_18 : vector<1x256xf32> to vector<512x256xf32>
    %mul3A_39 = arith.mulf %mul3A, %mul3A_38 : vector<512x256xf32>
    %mul3A_40 = arith.mulf %sub3A_34, %mul3A_39 : vector<512x256xf32>
    %add3A_41 = vector.broadcast %get3A_21 : vector<1x256xf32> to vector<512x256xf32>
    %add3A_42 = arith.addf %mul3A_40, %add3A_41 : vector<512x256xf32>
    %max3A = arith.constant 0.000000e+00 : f32
    %max3A_43 = vector.broadcast %max3A : f32 to vector<512x256xf32>
    %max3A_44 = arith.maximumf %add3A_42, %max3A_43 : vector<512x256xf32>
    %slice3A_45 = vector.extract_strided_slice %max3A_44 {offsets = [0, 0], sizes = [511, 256], strides = [1, 1]} : vector<512x256xf32> to vector<511x256xf32>
    %concatenate3A_46 = tpu.concatenate %broadcast_in_dim3A_4, %slice3A_45 in 0 : vector<1x256xf32>, vector<511x256xf32> -> vector<512x256xf32>
    %slice3A_47 = vector.extract_strided_slice %max3A_44 {offsets = [1, 0], sizes = [511, 256], strides = [1, 1]} : vector<512x256xf32> to vector<511x256xf32>
    %concatenate3A_48 = tpu.concatenate %slice3A_47, %broadcast_in_dim3A_4 in 0 : vector<511x256xf32>, vector<1x256xf32> -> vector<512x256xf32>
    %concatenate3A_49 = tpu.concatenate %concatenate3A_46, %max3A_44, %concatenate3A_48 in 1 : vector<512x256xf32>, vector<512x256xf32>, vector<512x256xf32> -> vector<512x768xf32>
    %get3A_50 = arith.constant 0 : index
    %get3A_51 = arith.constant 0 : index
    %get3A_52 = vector.load %arg6[%get3A_50, %get3A_51] : memref<768x256xf32, #tpu.memory_space<vmem>>, vector<768x256xf32>
    %dot_general3A_53 = arith.constant dense<0.000000e+00> : vector<512x256xf32>
    %dot_general3A_54 = tpu.matmul %concatenate3A_49, %get3A_52, %dot_general3A_53 {dimension_numbers = #tpu.dot_dimension_numbers<[1], [0], [0], [1], [0, 0, 1, 1], [], []>, transpose_lhs_hint = false} : vector<512x768xf32>, vector<768x256xf32>, vector<512x256xf32> -> vector<512x256xf32>
    %get3A_55 = arith.constant 0 : index
    %get3A_56 = arith.constant 0 : index
    %get3A_57 = vector.load %arg7[%get3A_55, %get3A_56] : memref<1x256xf32, #tpu.memory_space<vmem>>, vector<1x256xf32>
    %add3A_58 = vector.broadcast %get3A_57 : vector<1x256xf32> to vector<512x256xf32>
    %add3A_59 = arith.addf %dot_general3A_54, %add3A_58 : vector<512x256xf32>
    %get3A_60 = arith.constant 0 : index
    %get3A_61 = arith.constant 0 : index
    %get3A_62 = vector.load %arg8[%get3A_60, %get3A_61] : memref<1x256xf32, #tpu.memory_space<vmem>>, vector<1x256xf32>
    %get3A_63 = arith.constant 0 : index
    %get3A_64 = arith.constant 0 : index
    %get3A_65 = vector.load %arg9[%get3A_63, %get3A_64] : memref<1x256xf32, #tpu.memory_space<vmem>>, vector<1x256xf32>
    %reduce_sum3A_66 = arith.constant dense<0.000000e+00> : vector<512xf32>
    %reduce_sum3A_67 = vector.multi_reduction <add>, %add3A_59, %reduce_sum3A_66 [1] : vector<512x256xf32> to vector<512xf32>
    %broadcast_in_dim3A_68 = vector.shape_cast %reduce_sum3A_67 : vector<512xf32> to vector<512x1xf32>
    %div3A_69 = arith.constant 2.560000e+02 : f32
    %div3A_70 = vector.broadcast %div3A_69 : f32 to vector<512x1xf32>
    %div3A_71 = arith.divf %broadcast_in_dim3A_68, %div3A_70 : vector<512x1xf32>
    %sub3A_72 = vector.broadcast %div3A_71 : vector<512x1xf32> to vector<512x256xf32>
    %sub3A_73 = arith.subf %add3A_59, %sub3A_72 : vector<512x256xf32>
    %integer_pow3A_74 = arith.mulf %sub3A_73, %sub3A_73 : vector<512x256xf32>
    %reduce_sum3A_75 = arith.constant dense<0.000000e+00> : vector<512xf32>
    %reduce_sum3A_76 = vector.multi_reduction <add>, %integer_pow3A_74, %reduce_sum3A_75 [1] : vector<512x256xf32> to vector<512xf32>
    %broadcast_in_dim3A_77 = vector.shape_cast %reduce_sum3A_76 : vector<512xf32> to vector<512x1xf32>
    %div3A_78 = arith.constant 2.560000e+02 : f32
    %div3A_79 = vector.broadcast %div3A_78 : f32 to vector<512x1xf32>
    %div3A_80 = arith.divf %broadcast_in_dim3A_77, %div3A_79 : vector<512x1xf32>
    %sub3A_81 = vector.broadcast %div3A_71 : vector<512x1xf32> to vector<512x256xf32>
    %sub3A_82 = arith.subf %add3A_59, %sub3A_81 : vector<512x256xf32>
    %add3A_83 = arith.constant 9.99999974E-6 : f32
    %add3A_84 = vector.broadcast %add3A_83 : f32 to vector<512x1xf32>
    %add3A_85 = arith.addf %div3A_80, %add3A_84 : vector<512x1xf32>
    %rsqrt3A_86 = math.rsqrt %add3A_85 : vector<512x1xf32>
    %mul3A_87 = vector.broadcast %rsqrt3A_86 : vector<512x1xf32> to vector<512x256xf32>
    %mul3A_88 = vector.broadcast %get3A_62 : vector<1x256xf32> to vector<512x256xf32>
    %mul3A_89 = arith.mulf %mul3A_87, %mul3A_88 : vector<512x256xf32>
    %mul3A_90 = arith.mulf %sub3A_82, %mul3A_89 : vector<512x256xf32>
    %add3A_91 = vector.broadcast %get3A_65 : vector<1x256xf32> to vector<512x256xf32>
    %add3A_92 = arith.addf %mul3A_90, %add3A_91 : vector<512x256xf32>
    %max3A_93 = arith.constant 0.000000e+00 : f32
    %max3A_94 = vector.broadcast %max3A_93 : f32 to vector<512x256xf32>
    %max3A_95 = arith.maximumf %add3A_92, %max3A_94 : vector<512x256xf32>
    %get3A_96 = arith.constant 0 : index
    %get3A_97 = arith.constant 0 : index
    %get3A_98 = vector.load %arg10[%get3A_96, %get3A_97] : memref<1x256xf32, #tpu.memory_space<vmem>>, vector<1x256xf32>
    %mul3A_99 = vector.broadcast %get3A_98 : vector<1x256xf32> to vector<512x256xf32>
    %mul3A_100 = arith.mulf %max3A_95, %mul3A_99 : vector<512x256xf32>
    %reduce_sum3A_101 = arith.constant dense<0.000000e+00> : vector<512xf32>
    %reduce_sum3A_102 = vector.multi_reduction <add>, %mul3A_100, %reduce_sum3A_101 [1] : vector<512x256xf32> to vector<512xf32>
    %get3A_103 = arith.constant 0 : index
    %get3A_104 = arith.constant 0 : index
    %get3A_105 = vector.load %arg11[%get3A_103, %get3A_104] : memref<1x1xf32, #tpu.memory_space<vmem>>, vector<1x1xf32>
    %get3A_106 = vector.extract %get3A_105[0, 0] : f32 from vector<1x1xf32>
    %add3A_107 = vector.broadcast %get3A_106 : f32 to vector<512xf32>
    %add3A_108 = arith.addf %reduce_sum3A_102, %add3A_107 : vector<512xf32>
    %max3A_109 = arith.constant 0.000000e+00 : f32
    %max3A_110 = vector.broadcast %max3A_109 : f32 to vector<512xf32>
    %max3A_111 = arith.maximumf %add3A_108, %max3A_110 : vector<512xf32>
    %swap3A = arith.constant 0 : index
    %swap3A_112 = arith.constant 0 : index
    %swap3A_113 = arith.constant 0 : index
    %swap3A_114 = vector.load %arg12[%swap3A, %swap3A_112, %swap3A_113] : memref<1x1x512xf32, #tpu.memory_space<vmem>>, vector<1x1x512xf32>
    %swap3A_115 = vector.shape_cast %swap3A_114 : vector<1x1x512xf32> to vector<512xf32>
    %swap3A_116 = vector.shape_cast %max3A_111 : vector<512xf32> to vector<1x1x512xf32>
    tpu.vector_store %arg12[%swap3A, %swap3A_112, %swap3A_113], %swap3A_116 {strides = array<i32>} : memref<1x1x512xf32, #tpu.memory_space<vmem>>, vector<1x1x512xf32>,
    return
  }
  func.func @transform_0(%arg0: i32) -> (i32, i32, i32) {
    %c0_i32 = arith.constant 0 : i32
    %c0_i32_0 = arith.constant 0 : i32
    %c0_i32_1 = arith.constant 0 : i32
    return %arg0, %c0_i32, %c0_i32_0 : i32, i32, i32
  }
  func.func @transform_1(%arg0: i32) -> (i32, i32) {
    %c0_i32 = arith.constant 0 : i32
    %c0_i32_0 = arith.constant 0 : i32
    %c0_i32_1 = arith.constant 0 : i32
    return %c0_i32, %c0_i32_0 : i32, i32
  }
  func.func @transform_2(%arg0: i32) -> (i32, i32) {
    %c0_i32 = arith.constant 0 : i32
    %c0_i32_0 = arith.constant 0 : i32
    %c0_i32_1 = arith.constant 0 : i32
    return %c0_i32, %c0_i32_0 : i32, i32
  }
  func.func @transform_3(%arg0: i32) -> (i32, i32) {
    %c0_i32 = arith.constant 0 : i32
    %c0_i32_0 = arith.constant 0 : i32
    %c0_i32_1 = arith.constant 0 : i32
    return %c0_i32, %c0_i32_0 : i32, i32
  }
  func.func @transform_4(%arg0: i32) -> (i32, i32) {
    %c0_i32 = arith.constant 0 : i32
    %c0_i32_0 = arith.constant 0 : i32
    %c0_i32_1 = arith.constant 0 : i32
    return %c0_i32, %c0_i32_0 : i32, i32
  }
  func.func @transform_5(%arg0: i32) -> (i32, i32) {
    %c0_i32 = arith.constant 0 : i32
    %c0_i32_0 = arith.constant 0 : i32
    %c0_i32_1 = arith.constant 0 : i32
    return %c0_i32, %c0_i32_0 : i32, i32
  }
  func.func @transform_6(%arg0: i32) -> (i32, i32) {
    %c0_i32 = arith.constant 0 : i32
    %c0_i32_0 = arith.constant 0 : i32
    %c0_i32_1 = arith.constant 0 : i32
    return %c0_i32, %c0_i32_0 : i32, i32
  }
  func.func @transform_7(%arg0: i32) -> (i32, i32) {
    %c0_i32 = arith.constant 0 : i32
    %c0_i32_0 = arith.constant 0 : i32
    %c0_i32_1 = arith.constant 0 : i32
    return %c0_i32, %c0_i32_0 : i32, i32
  }
  func.func @transform_8(%arg0: i32) -> (i32, i32) {
    %c0_i32 = arith.constant 0 : i32
    %c0_i32_0 = arith.constant 0 : i32
    %c0_i32_1 = arith.constant 0 : i32
    return %c0_i32, %c0_i32_0 : i32, i32
  }
  func.func @transform_9(%arg0: i32) -> (i32, i32) {
    %c0_i32 = arith.constant 0 : i32
    %c0_i32_0 = arith.constant 0 : i32
    %c0_i32_1 = arith.constant 0 : i32
    return %c0_i32, %c0_i32_0 : i32, i32
  }
  func.func @transform_10(%arg0: i32) -> (i32, i32) {
    %c0_i32 = arith.constant 0 : i32
    %c0_i32_0 = arith.constant 0 : i32
    %c0_i32_1 = arith.constant 0 : i32
    return %c0_i32, %c0_i32_0 : i32, i32
  }
  func.func @transform_11(%arg0: i32) -> (i32, i32, i32) {
    %c0_i32 = arith.constant 0 : i32
    %c0_i32_0 = arith.constant 0 : i32
    %c0_i32_1 = arith.constant 0 : i32
    return %arg0, %c0_i32, %c0_i32_0 : i32, i32, i32
  }
}

</mosaic_0001>

<sc_bundles>
// kernel: kernel.4.cloned.1.call-start
scs
__scs_entry_jumppad:
0x0: {  	(pc) =	sbr.rel $0x88, $3  }
0x1: {  	(tag) =	ssettag $0x0;
	lr =	simm.s32 $0x1  }
0x2: {  	[smem:$0x3F95] =	sst lr;
	_ =	strace $0xD0000000  }
0x3: {  	_ = 	snop  }
0x4: {  	_ = 	snop  }
0x5: {  	_ = 	snop  }
0x6: {  	_ = 	snop  }
0x7: {  	_ = 	snop  }
__scs_overlays_trampoline_lowered:
0x8: {  	[smem:$0x3FA4] =	sst s0  }
0x9: {  	[smem:$0x3FA5] =	sst s1  }
0xa: {  	[smem:$0x3FA6] =	sst s2  }
0xb: {  	[smem:$0x3FA7] =	sst s3  }
0xc: {  	[smem:$0x3FA8] =	sst s4  }
0xd: {  	[smem:$0x3FA9] =	sst s5  }
0xe: {  	[smem:$0x3FAA] =	sst s6  }
0xf: {  	[smem:$0x3FAB] =	sst s7  }
0x10: {  	[smem:$0x3FAC] =	sst s8  }
0x11: {  	[smem:$0x3FAD] =	sst s9;
	s0 =	simm.s32 @!p0 $0x0  }
0x12: {  	s1 =	sld [smem:$0x3F93];
	s0 =	simm.s32 @p0 $0x1  }
0x13: {  	[smem:$0x3FAE] =	sst s0;
	s0 =	simm.s32 @!p1 $0x0  }
0x14: {  	s2 =	sld [smem:$0x3F92];
	s0 =	simm.s32 @p1 $0x1  }
0x15: {  	[smem:$0x3FAF] =	sst s0;
	s0 =	simm.s32 @!p2 $0x0  }
0x16: {  	s3 =	sld [smem:$0x3FDB];
	s0 =	simm.s32 @p2 $0x1  }
0x17: {  	s4 =	simm.s32 $0x1BF5;
	[smem:$0x3FB1] =	sst s0  }
0x18: {  	s0 =	sld [smem:$0x3F94];
	_ =	swait.ge [sflag:s4], $0x0  }
0x19: {  	s7 =	sld [smem:$0x3F95]  }
0x1a: {  	s8 =	sadd.s32 $0xFFFFE003, lr  }
0x1b: {  	s9 =	sadd.s32 $0xFFFFFEF7, lr;
	s5 =	simm.s32 $0xFFFFFFFF;
	p2 =	slt.u32 s8, $0xFFFFF086  }
0x1c: {  	p1 =	slt.u32 s9, $0xF7A;
	s5 =	simm.s32 @!p2 $0x0  }
0x1d: {  	s5 =	simm.s32 @p1 $0x1;
	p0 =	seq.s32 s7, s2  }
0x1e: {  	s7 =	smul.u32 @!p0 $0xF7A, s2;
	p2 =	seq.s32 @!p0 s5, $0x0  }
0x1f: {  	s9 =	smul.u32 $0xF7A, s1;
	s8 =	simm.s32 @!p0 $0x1BF5;
	p2 =	por !p2, p0  }
0x20: {  	[sflag:s8] =	ssyncset.s32 @!p0 $0xFFFFF086;
	s6 =	sadd.s32 @!p0 s3, s7;
	s7 =	simm.s32 @!p0 $0x108  }
0x21: {  	s3 =	sadd.s32 s3, s9;
	s6 =	sadd.s32 @!p0 $0x88, s6;
	s7 =	simm.s32 @p2 $0x1082  }
0x22: {  	[simem:s7], [sflag:s8] =	dma.local @!p0 [hbm:s6], $0xF7A  }
0x23: {  	s9 =	sor.u32 $0xD0000000, s2;
	s6 =	simm.s32 $0x108;
	_ =	swait.ge @!p0 [sflag:s8], $0x0  }
0x24: {  	s3 =	sadd.s32 $0x88, s3;
	s6 =	simm.s32 @!p1 $0x1082;
	[sflag:s4] =	ssyncset.s32 $0xFFFFF086  }
0x25: {  	[simem:s6], [sflag:s4] =	dma.local [hbm:s3], $0xF7A  }
0x26: {  	[smem:$0x3F95] =	sst s1;
	(tag) =	ssettag s2;
	_ =	strace s9  }
0x27: {  	s1 =	sld [smem:$0x3FA5]  }
0x28: {  	s2 =	sld [smem:$0x3FA6]  }
0x29: {  	s4 =	sld [smem:$0x3FA8]  }
0x2a: {  	p0 =	seq.s32 s5, $0x0;
	s5 =	sld [smem:$0x3FA9]  }
0x2b: {  	s6 =	sld [smem:$0x3FAA]  }
0x2c: {  	s7 =	sld [smem:$0x3FAB]  }
0x2d: {  	s3 =	simm.s32 $0x108;
	s8 =	sld [smem:$0x3FAC]  }
0x2e: {  	s3 =	simm.s32 @!p0 $0x1082;
	s9 =	sld [smem:$0x3FAD]  }
0x2f: {  	lr =	sadd.s32 s0, s3;
	s0 =	sld [smem:$0x3FA4]  }
0x30: {  	s3 =	sld [smem:$0x3FA7]  }
0x31: {  	[smem:$0x3FB0] =	sst s10  }
0x32: {  	s10 =	sld [smem:$0x3FAE];
	_ =	sdelay $0x3  }
0x33: {  	p0 =	seq.s32 s10, $0x1;
	s10 =	sld [smem:$0x3FB0];
	_ =	sdelay $0x3  }
0x34: {  	[smem:$0x3FB0] =	sst s10  }
0x35: {  	s10 =	sld [smem:$0x3FAF];
	_ =	sdelay $0x3  }
0x36: {  	p1 =	seq.s32 s10, $0x1;
	s10 =	sld [smem:$0x3FB0];
	_ =	sdelay $0x3  }
0x37: {  	[smem:$0x3FB0] =	sst s10  }
0x38: {  	s10 =	sld [smem:$0x3FB1]  }
0x39: {  	_ = 	snop;
	(pc) =	sbr.ind lr, $3  }
0x3a: {  	_ = 	snop  }
0x3b: {  	_ = 	snop  }
0x3c: {  	p2 =	seq.s32 s10, $0x1;
	s10 =	sld [smem:$0x3FB0]  }
0x3d: {  	_ =	shalt  }
0x3e: {  	_ =	shalt  }
0x3f: {  	_ =	shalt  }
0x40: {  	_ =	shalt  }
0x41: {  	_ =	shalt  }
0x42: {  	_ =	shalt  }
0x43: {  	_ =	shalt  }
0x44: {  	_ =	shalt  }
0x45: {  	_ =	shalt  }
0x46: {  	_ =	shalt  }
0x47: {  	_ =	shalt  }
0x48: {  	_ =	shalt  }
0x49: {  	_ =	shalt  }
0x4a: {  	_ =	shalt  }
0x4b: {  	_ =	shalt  }
0x4c: {  	_ =	shalt  }
0x4d: {  	_ =	shalt  }
0x4e: {  	_ =	shalt  }
0x4f: {  	_ =	shalt  }
0x50: {  	_ =	shalt  }
0x51: {  	_ =	shalt  }
0x52: {  	_ =	shalt  }
0x53: {  	_ =	shalt  }
0x54: {  	_ =	shalt  }
0x55: {  	_ =	shalt  }
0x56: {  	_ =	shalt  }
0x57: {  	_ =	shalt  }
0x58: {  	_ =	shalt  }
0x59: {  	_ =	shalt  }
0x5a: {  	_ =	shalt  }
0x5b: {  	_ =	shalt  }
0x5c: {  	_ =	shalt  }
0x5d: {  	_ =	shalt  }
0x5e: {  	_ =	shalt  }
0x5f: {  	_ =	shalt  }
0x60: {  	_ =	shalt  }
0x61: {  	_ =	shalt  }
0x62: {  	_ =	shalt  }
0x63: {  	_ =	shalt  }
0x64: {  	_ =	shalt  }
0x65: {  	_ =	shalt  }
0x66: {  	_ =	shalt  }
0x67: {  	_ =	shalt  }
0x68: {  	_ =	shalt  }
0x69: {  	_ =	shalt  }
0x6a: {  	_ =	shalt  }
0x6b: {  	_ =	shalt  }
0x6c: {  	_ =	shalt  }
0x6d: {  	_ =	shalt  }
0x6e: {  	_ =	shalt  }
0x6f: {  	_ =	shalt  }
0x70: {  	_ =	shalt  }
0x71: {  	_ =	shalt  }
0x72: {  	_ =	shalt  }
0x73: {  	_ =	shalt  }
0x74: {  	_ =	shalt  }
0x75: {  	_ =	shalt  }
0x76: {  	_ =	shalt  }
0x77: {  	_ =	shalt  }
0x78: {  	_ =	shalt  }
0x79: {  	_ =	shalt  }
0x7a: {  	_ =	shalt  }
0x7b: {  	_ =	shalt  }
0x7c: {  	_ =	shalt  }
0x7d: {  	_ =	shalt  }
0x7e: {  	_ =	shalt  }
0x7f: {  	_ =	shalt  }
0x80: {  	_ =	shalt  }
0x81: {  	_ =	shalt  }
0x82: {  	_ =	shalt  }
0x83: {  	_ =	shalt  }
0x84: {  	_ =	shalt  }
0x85: {  	_ =	shalt  }
0x86: {  	_ =	shalt  }
0x87: {  	_ =	shalt  }
.Lfunc_end0:
.L_simem_size_0:
called_computation_lowered:
.L_overlay_start_0:
0x88: {  	s2 =	sld [smem:$0x3FD9]  }
0x89: {  	s3 =	sld [smem:$0x3FFE];
	_ =	sdelay $0x1  }
0x8a: {  	s1 =	srdreg.scid  }
0x8b: {  	s0 =	sand.u32 $0x1, s1  }
0x8c: {  	s14 =	sshll.u32 s0, $0xA;
	s2 =	sadd.s32 s3, s2  }
0x8d: {  	s2 =	sadd.s32 s2, s14  }
0x8e: {  	[smem:$0x3FBC] =	sst s2  }
0x8f: {  	_ = 	snop  }
0x90: {  	s2 =	sld [smem:$0x3FD0];
	_ =	sdelay $0x2  }
0x91: {  	s4 =	simm.s32 $0xA;
	s5 =	simm.s32 $0x10;
	s15 =	sld [smem:$0x3FC9]  }
0x92: {  	[smem:s5], [sflag:s4] =	dma.local [hbm:s2], $0x1  }
0x93: {  	_ =	swait.eq [sflag:s4], $0x1  }
0x94: {  	[sflag:s4] =	ssyncset.done $0x0  }
0x95: {  	[sflag:s4] =	ssyncadd.s32 $0xFFFFFFFF  }
0x96: {  	s16 =	sld [smem:$0x10];
	(tm) =	ssettm $0x1  }
0x97: {  	s17 =	sld [smem:$0x3FFB];
	_ =	sdelay $0x3  }
0x98: {  	_ =	strace s17  }
0x99: {  	s4 =	sld [smem:$0x3FFC];
	_ =	sdelay $0x3  }
0x9a: {  	_ =	strace s4  }
0x9b: {  	s4 =	sld [smem:$0x3FFD];
	_ =	sdelay $0x3  }
0x9c: {  	_ =	strace s4  }
0x9d: {  	_ =	strace $0x8FFFFFFF  }
0x9e: {  	s18 =	sld [smem:$0x3FDB];
	_ =	sdelay $0x1  }
0x9f: {  	s19 =	simm.s32 $_scs_section_size  }
0xa0: {  	s6 =	simm.s32 $_size__tile_overlayer_lowered;
	s7 =	simm.s32 $_tile_overlayer_lowered  }
0xa1: {  	s22 =	simm.s32 $0x1BFF;
	s21 =	sshll.u32 s7, $0x1;
	s4 =	sadd.s32 s19, s18  }
0xa2: {  	s8 =	simm.s32 $0x0;
	s20 =	sshll.u32 s6, $0x1;
	s6 =	sadd.s32 s21, s4  }
0xa3: {  	[timem:s8], [sflag:s22] =	dma.local [hbm:s6], s20  }
0xa4: {  	_ =	swait.ge [sflag:s22], s20  }
0xa5: {  	s5 =	ssub.s32 $0x0, s20;
	[sflag:s22] =	ssyncset.done $0x0  }
0xa6: {  	[sflag:s22] =	ssyncadd.s32 s5;
	_ =	sdelay $0x1  }
0xa7: {  	s23 =	simm.s32 $0x1B8B  }
0xa8: {  	_ =	swait.ge [sflag:s23], $0x1  }
0xa9: {  	[sflag:s23] =	ssyncset.done $0x0  }
0xaa: {  	s25 =	simm.s32 $0x1B8E;
	s24 =	sld [smem:$0x3FFE];
	[sflag:s23] =	ssyncadd.s32 $0xFFFFFFFF  }
0xab: {  	s26 =	simm.s32 $execute0_lowered;
	[smem:$0x3FD2] =	sst s25  }
0xac: {  	s6 =	sshll.u32 s26, $0x1;
	_ =	strace $0x80000046;
	[dreg:$0x1] =	wrdreg $0xFFFFFFFF  }
0xad: {  	s28 =	simm.s32 $_size_execute0_lowered;
	s4 =	sadd.s32 s4, s6;
	[dreg:$0x0] =	wrdreg $0x0  }
0xae: {  	s6 =	sshll.u32 s28, $0x1;
	[dreg:$0x2] =	wrdreg s4  }
0xaf: {  	[dreg:$0x3] =	wrdreg s6  }
0xb0: {  	[dreg:$0x4] =	wrdreg $0xC0  }
0xb1: {  	_ =	task [dreg:s8], $0x5FFFF  }
0xb2: {  	[dreg:$0x1] =	wrdreg $0xFFFFFFFF  }
0xb3: {  	[dreg:$0x0] =	wrdreg $0x60  }
0xb4: {  	[dreg:$0x2] =	wrdreg s24  }
0xb5: {  	[dreg:$0x3] =	wrdreg s15  }
0xb6: {  	[dreg:$0x4] =	wrdreg s16  }
0xb7: {  	[dreg:$0x5] =	wrdreg $0x9  }
0xb8: {  	_ =	task.clear_ibuf [dreg:s8], $0x6FFFF;
	_ =	strace $0x90000046  }
0xb9: {  	s29 =	simm.s32 $0x9;
	_ =	strace $0x80000048  }
0xba: {  	_ =	swait.ge [sflag:s29], $0x1  }
0xbb: {  	[sflag:s29] =	ssyncadd.s32 $0xFFFFFFFF  }
0xbc: {  	_ =	strace $0x90000048  }
0xbd: {  	_ =	sfence  }
0xbe: {  	s30 =	sld [smem:$0x0];
	_ =	sdelay $0x2  }
0xbf: {  	s31 =	sshll.u32 s1, $0xD;
	s1 =	sshrl.u32 s1, $0x2  }
0xc0: {  	s3 =	sand.u32 $0x4000, s31;
	s1 =	sadd.s32 s1, s30  }
0xc1: {  	s0 =	sor.u32 s3, s0;
	s1 =	sshll.u32 s1, $0x11  }
0xc2: {  	s0 =	sor.u32 s1, s0  }
0xc3: {  	s0 =	sadd.s32 $0x8F2B, s0  }
0xc4: {  	[sflag:s0] =	ssyncadd.remote.s32 $0x1  }
0xc5: {  	_ =	sfence.sel $0xFFFF  }
0xc6: {  	[dreg:$0x0] =	wrdreg $0xFFFFFFFF;
	(pc) =	sbr.abs _section_cstart, $3  }
0xc7: {  	[dreg:$0x1] =	wrdreg $0xFFFFFFFF  }
0xc8: {  	_ =	task.clear_ibuf [dreg:s8], $0x2FFFF;
	_ =	strace $0x9FFFFFFF  }
0xc9: {  	(tm) =	ssettm $0x7FFFFFFF  }
tec
execute0_lowered:
.L_overlay_start_1:
0x0: {  	(tag) =	ssettag $0x1  }
0x1: {  	s0 =	rddreg [dreg:$0x0];
	s11 =	stileid.u32  }
0x2: {  	s2 =	rddreg [dreg:$0x1];
	s1 =	srdreg.scid;
	s3 =	sshll.u32 s11, $0x1  }
0x3: {  	s1 =	sand.u32 $0x1, s1;
	s5 =	sshrl.u32 s11, $0x1;
	s3 =	sand.u32 $0x2, s3  }
0x4: {  	s6 =	rddreg [dreg:$0x2];
	s7 =	smul.u32 $0x600, s5;
	s4 =	sor.u32 s1, s3  }
0x5: {  	s22 =	sand.u32 $0x1, s11;
	s11 =	simm.s32 $0x0;
	s4 =	smul.u32 $0x180, s4  }
0x6: {  	s8 =	ssub.s32 $0x2, s1;
	s9 =	sshll.u32 s5, $0x6;
	s13 =	sshll.u32 s5, $0x9  }
0x7: {  	s3 =	simm.s32 $0x0;
	s10 =	sshrl.u32 s8, $0x1;
	s7 =	sadd.s32 s7, s4  }
0x8: {  	s0 =	sadd.s32 s9, s0;
	s1 =	smul.u32 $0x180, s1;
	s7 =	sshll.u32 s7, $0x5  }
0x9: {  	s9 =	simm.s32 $0x18580;
	[smem:$0x7FF] =	sst s3;
	s6 =	sadd.s32 s6, s7  }
0xa: {  	s8 =	ssub.s32 s8, s10;
	s5 =	sadd.s32 $0x1800, s0;
	s15 =	sadd.s32 $0x200, s6  }
0xb: {  	_ =	strace $0x80000047;
	s16 =	sadd.s32 $0x400, s6;
	[dreg:$0x4] =	wrdreg s15  }
0xc: {  	s0 =	smul.u32 $0x300, s22;
	s17 =	sadd.s32 $0x600, s6;
	[dreg:$0x5] =	wrdreg s16  }
0xd: {  	s10 =	simm.s32 $0x1;
	s18 =	sadd.s32 $0x800, s6;
	[dreg:$0x6] =	wrdreg s17  }
0xe: {  	s22 =	sadd.s32 s1, s0;
	s19 =	sadd.s32 $0xA00, s6;
	[dreg:$0x7] =	wrdreg s18  }
0xf: {  	s0 =	simm.s32 $0x3;
	s20 =	sadd.s32 $0xC00, s6;
	[dreg:$0x8] =	wrdreg s19  }
0x10: {  	s21 =	sadd.s32 $0xE00, s6;
	s14 =	sadd.s32 $0x1000, s6;
	[dreg:$0x9] =	wrdreg s20  }
0x11: {  	s7 =	sadd.s32 $0x1200, s6;
	s23 =	sadd.s32 $0x1400, s6;
	[dreg:$0xa] =	wrdreg s21  }
0x12: {  	s24 =	sadd.s32 $0x1600, s6;
	s25 =	sadd.s32 $0x1800, s6;
	[dreg:$0xb] =	wrdreg s7  }
0x13: {  	s26 =	sadd.s32 $0x1A00, s6;
	s28 =	sadd.s32 $0x2600, s6;
	[dreg:$0xc] =	wrdreg s23  }
.Ltmp0:
0x14: {  	v2 =	vimm.s32 $0xFF;
	s29 =	sadd.s32 $0x2800, s6;
	[dreg:$0xd] =	wrdreg s24;
	(pc) =	sbr.rel .LBB2_1-.Ltmp0, $4  }
0x15: {  	v1 =	vlaneseq.u32;
	s30 =	sadd.s32 $0x2A00, s6;
	s31 =	sadd.s32 $0x2C00, s6;
	[dreg:$0xe] =	wrdreg s25  }
0x16: {  	v3 =	vimm.s32 $0x100;
	v4 =	vimm.s32 $0x0;
	vm0 =	vmmov $0xffff;
	s1 =	sadd.s32 $0x2E00, s6;
	[dreg:$0xf] =	wrdreg s26;
	s20 =	sadd.s32 $0x1C00, s6  }
0x17: {  	v8 =	vimm.f32 $0.0e+00;
	v6 =	vshrl.u32 v1, $0x3;
	v5 =	vand.u32 $0x7, v1;
	s21 =	sadd.s32 $0x1E00, s6;
	s23 =	sadd.s32 $0x2000, s6;
	s24 =	smax.u32 s8, $0x1  }
0x18: {  	v7 =	vor.u32 $0x8, v1;
	v6 =	vmul.u32 $0x8, v6;
	v0 =	vmov s13;
	s25 =	sadd.s32 $0x2200, s6;
	s26 =	sadd.s32 $0x2400, s6;
	s7 =	simm.s32 $0x200  }
.LBB2_34:
0x19: {  	_ = 	snop  }
.LBB2_37:
0x1a: {  	s12 =	sor.u32 s17, s16;
	[tilespmem:s8+$0x9E0] =	vst @p3 v8  }
0x1b: {  	[tilespmem:s12+$0x9F0] =	vst v8  }
0x1c: {  	[tilespmem:s12+$0x580] =	vst v8  }
0x1d: {  	[tilespmem:s12+$0x590] =	vst v8  }
0x1e: {  	[tilespmem:s12+$0x5A0] =	vst v8  }
0x1f: {  	[tilespmem:s12+$0x5B0] =	vst v8  }
0x20: {  	[tilespmem:s12+$0x5C0] =	vst v8  }
0x21: {  	[tilespmem:s12+$0x5D0] =	vst v8  }
0x22: {  	[tilespmem:s12+$0x5E0] =	vst v8  }
0x23: {  	[tilespmem:s12+$0x5F0] =	vst v8  }
0x24: {  	[tilespmem:s12+$0x980] =	vst v8  }
0x25: {  	[tilespmem:s12+$0x990] =	vst v8  }
0x26: {  	[tilespmem:s12+$0x9A0] =	vst v8  }
0x27: {  	[tilespmem:s12+$0x9B0] =	vst v8  }
0x28: {  	[tilespmem:s12+$0x9C0] =	vst v8  }
0x29: {  	[tilespmem:s12+$0x9D0] =	vst v8  }
0x2a: {  	[tilespmem:s12+$0x9E0] =	vst v8  }
.LBB2_38:
0x2b: {  	s8 =	simm.s32 $0x10580  }
0x2c: {  	[hbm4b:s23+s3] =	stream.linear.scatter [tilespmem:s8], [sflag:$0x2], $0x8000, $0x38;
	[tilespmem:$0x19580] =	vst v63  }
.LBB2_39:
0x2d: {  	s8 =	simm.s32 @p2 $0x2  }
0x2e: {  	_ =	swait.ge @p2 [sflag:s8], $0x8000  }
0x2f: {  	[sflag:s8] =	ssyncset.done @p2 $0x0  }
0x30: {  	[sflag:s8] =	ssyncadd.s32 @p2 $0xFFFF8000;
	s8 =	simm.s32 @!p2 $0x2  }
0x31: {  	_ =	swait.ge @!p2 [sflag:s8], $0x1000  }
0x32: {  	[sflag:s8] =	ssyncset.done @!p2 $0x0  }
0x33: {  	[sflag:s8] =	ssyncadd.s32 @!p2 $0xFFFFF000  }
0x34: {  	_ =	swait.ge @!p2 [sflag:s8], $0x1000  }
0x35: {  	[sflag:s8] =	ssyncset.done @!p2 $0x0  }
0x36: {  	[sflag:s8] =	ssyncadd.s32 @!p2 $0xFFFFF000  }
0x37: {  	_ =	swait.ge @!p2 [sflag:s8], $0x1000  }
0x38: {  	[sflag:s8] =	ssyncset.done @!p2 $0x0  }
0x39: {  	[sflag:s8] =	ssyncadd.s32 @!p2 $0xFFFFF000  }
0x3a: {  	_ =	swait.ge @!p2 [sflag:s8], $0x1000  }
0x3b: {  	[sflag:s8] =	ssyncset.done @!p2 $0x0  }
0x3c: {  	[sflag:s8] =	ssyncadd.s32 @!p2 $0xFFFFF000  }
0x3d: {  	_ =	swait.ge @!p2 [sflag:s8], $0x1000  }
0x3e: {  	[sflag:s8] =	ssyncset.done @!p2 $0x0  }
0x3f: {  	[sflag:s8] =	ssyncadd.s32 @!p2 $0xFFFFF000  }
0x40: {  	_ =	swait.ge @!p2 [sflag:s8], $0x1000  }
0x41: {  	[sflag:s8] =	ssyncset.done @!p2 $0x0  }
0x42: {  	[sflag:s8] =	ssyncadd.s32 @!p2 $0xFFFFF000  }
0x43: {  	_ =	swait.ge @!p2 [sflag:s8], $0x1000  }
0x44: {  	[sflag:s8] =	ssyncset.done @!p2 $0x0  }
0x45: {  	[sflag:s8] =	ssyncadd.s32 @!p2 $0xFFFFF000  }
0x46: {  	_ =	swait.ge @!p2 [sflag:s8], $0x1000  }
0x47: {  	[sflag:s8] =	ssyncset.done @!p2 $0x0  }
0x48: {  	[sflag:s8] =	ssyncadd.s32 @!p2 $0xFFFFF000;
	s8 =	simm.s32 @p5 $0x2  }
0x49: {  	_ =	swait.ge @p5 [sflag:s8], $0x1000  }
0x4a: {  	[sflag:s8] =	ssyncset.done @p5 $0x0  }
0x4b: {  	[sflag:s8] =	ssyncadd.s32 @p5 $0xFFFFF000  }
0x4c: {  	_ =	swait.ge @p5 [sflag:s8], $0x1000  }
0x4d: {  	[sflag:s8] =	ssyncset.done @p5 $0x0  }
0x4e: {  	[sflag:s8] =	ssyncadd.s32 @p5 $0xFFFFF000  }
0x4f: {  	_ =	swait.ge @p5 [sflag:s8], $0x1000  }
0x50: {  	[sflag:s8] =	ssyncset.done @p5 $0x0  }
0x51: {  	[sflag:s8] =	ssyncadd.s32 @p5 $0xFFFFF000  }
0x52: {  	_ =	swait.ge @p5 [sflag:s8], $0x1000  }
0x53: {  	[sflag:s8] =	ssyncset.done @p5 $0x0  }
0x54: {  	[sflag:s8] =	ssyncadd.s32 @p5 $0xFFFFF000  }
0x55: {  	_ =	swait.ge @p5 [sflag:s8], $0x1000  }
0x56: {  	[sflag:s8] =	ssyncset.done @p5 $0x0  }
0x57: {  	[sflag:s8] =	ssyncadd.s32 @p5 $0xFFFFF000  }
0x58: {  	_ =	swait.ge @p5 [sflag:s8], $0x1000  }
0x59: {  	[sflag:s8] =	ssyncset.done @p5 $0x0  }
0x5a: {  	[sflag:s8] =	ssyncadd.s32 @p5 $0xFFFFF000  }
0x5b: {  	_ =	swait.ge @p5 [sflag:s8], $0x1000  }
0x5c: {  	[sflag:s8] =	ssyncset.done @p5 $0x0  }
0x5d: {  	[sflag:s8] =	ssyncadd.s32 @p5 $0xFFFFF000  }
0x5e: {  	_ =	swait.ge @p5 [sflag:s8], $0x1000  }
0x5f: {  	[sflag:s8] =	ssyncset.done @p5 $0x0  }
0x60: {  	[sflag:s8] =	ssyncadd.s32 @p5 $0xFFFFF000;
	s8 =	simm.s32 @p1 $0x2  }
0x61: {  	_ =	swait.ge @p1 [sflag:s8], $0x8000  }
0x62: {  	[sflag:s8] =	ssyncset.done @p1 $0x0  }
0x63: {  	[sflag:s8] =	ssyncadd.s32 @p1 $0xFFFF8000;
	s8 =	simm.s32 @p4 $0x2  }
0x64: {  	_ =	swait.ge @p4 [sflag:s8], $0x1000  }
0x65: {  	[sflag:s8] =	ssyncset.done @p4 $0x0  }
0x66: {  	[sflag:s8] =	ssyncadd.s32 @p4 $0xFFFFF000  }
0x67: {  	_ =	swait.ge @p4 [sflag:s8], $0x1000  }
0x68: {  	[sflag:s8] =	ssyncset.done @p4 $0x0  }
0x69: {  	[sflag:s8] =	ssyncadd.s32 @p4 $0xFFFFF000  }
0x6a: {  	_ =	swait.ge @p4 [sflag:s8], $0x1000  }
0x6b: {  	[sflag:s8] =	ssyncset.done @p4 $0x0  }
0x6c: {  	[sflag:s8] =	ssyncadd.s32 @p4 $0xFFFFF000  }
0x6d: {  	_ =	swait.ge @p4 [sflag:s8], $0x1000  }
0x6e: {  	[sflag:s8] =	ssyncset.done @p4 $0x0  }
0x6f: {  	[sflag:s8] =	ssyncadd.s32 @p4 $0xFFFFF000  }
0x70: {  	_ =	swait.ge @p4 [sflag:s8], $0x1000  }
0x71: {  	[sflag:s8] =	ssyncset.done @p4 $0x0  }
0x72: {  	[sflag:s8] =	ssyncadd.s32 @p4 $0xFFFFF000  }
0x73: {  	_ =	swait.ge @p4 [sflag:s8], $0x1000  }
0x74: {  	[sflag:s8] =	ssyncset.done @p4 $0x0  }
0x75: {  	[sflag:s8] =	ssyncadd.s32 @p4 $0xFFFFF000  }
0x76: {  	_ =	swait.ge @p4 [sflag:s8], $0x1000  }
0x77: {  	[sflag:s8] =	ssyncset.done @p4 $0x0  }
0x78: {  	s11 =	sadd.s32 $0x1, s11;
	[sflag:s8] =	ssyncadd.s32 @p4 $0xFFFFF000  }
0x79: {  	p1 =	sne.s32 s11, s24;
	_ =	swait.ge @p4 [sflag:s8], $0x1000  }
.Ltmp1:
0x7a: {  	[sflag:s8] =	ssyncset.done @p4 $0x0;
	(pc) =	sbr.rel @!p1 .LBB2_40-.Ltmp1, $4  }
0x7b: {  	[sflag:s8] =	ssyncadd.s32 @p4 $0xFFFFF000;
	s8 =	simm.s32 @p0 $0x2  }
0x7c: {  	_ =	swait.ge @p0 [sflag:s8], $0x8000  }
0x7d: {  	[sflag:s8] =	ssyncset.done @p0 $0x0  }
0x7e: {  	[sflag:s8] =	ssyncadd.s32 @p0 $0xFFFF8000  }
.LBB2_1:
0x7f: {  	[tilespmem:s3], [sflag:$0x3] =	stream.linear.gather [hbm4b:s5+s3], $0x200, $0x38;
	[tilespmem:$0x19580] =	vst v63  }
0x80: {  	_ =	swait.ge [sflag:s0], $0x200  }
0x81: {  	[sflag:s0] =	ssyncset.done $0x0  }
0x82: {  	s15 =	simm.s32 $0x0;
	[sflag:s0] =	ssyncadd.s32 $0xFFFFFE00  }
0x83: {  	s8 =	simm.s32 $0x10;
	v9 =	vld [tilespmem:s15+$0x0]  }
0x84: {  	v10 =	vld [tilespmem:s8+$0x0];
	_ =	sdelay $0x3  }
0x85: {  	(xrf0) =	vadd.scan.msk.s32 $0xffff, v9  }
0x86: {  	(xrf0) =	vadd.scan.msk.s32 $0xffff, v10;
	_ =	sdelay $0x4  }
0x87: {  	s12 =	simm.s32 $0x20;
	v10, _, _ =	vpop (xrf0)  }
0x88: {  	v11 =	vld [tilespmem:s12+$0x0];
	(v2sf) =	vpush v10, $0xF;
	v9, _, _ =	vpop (xrf0)  }
0x89: {  	(v2sf) =	vpush v9, $0xF;
	_ =	sdelay $0x3  }
0x8a: {  	s13 =	simm.s32 $0x30;
	(xrf0) =	vadd.scan.msk.s32 $0xffff, v11  }
0x8b: {  	v11 =	vld [tilespmem:s13+$0x0];
	_ =	sdelay $0x3  }
0x8c: {  	s17 =	simm.s32 $0x100;
	s16 =	simm.s32 $0x0  }
.LBB2_2:
0x8d: {  	s18 =	sshra.s32 s17, $0x2;
	p0 =	sne.s32 s17, $0x7C0;
	s17 =	sadd.s32 $0x40, s17;
	(xrf0) =	vadd.scan.msk.s32 $0xffff, v11;
	v12 =	vadd.s32 s16, v10;
	v10 =	vmov v9;
	v9, _, _ =	vpop (xrf0)  }
.Ltmp2:
0x8e: {  	v11 =	vld [tilespmem:s18+$0x0];
	(v2sf) =	vpush v9, $0xF;
	[tilespmem:s15+$0x200] =	vst v12;
	s15 =	smov.u32 s8;
	s8 =	smov.u32 s12;
	(pc) =	sbr.rel @p0 .LBB2_2-.Ltmp2, $3  }
0x8f: {  	s12 =	smov.u32 s13;
	s13 =	smov.u32 s18;
	_ =	sdelay $0x1  }
0x90: {  	s18 =	spop (v2sf)  }
0x91: {  	s16 =	sadd.s32 s16, s18  }
0x92: {  	(xrf0) =	vadd.scan.msk.s32 $0xffff, v11;
	_ =	sdelay $0x4  }
0x93: {  	v11, _, _ =	vpop (xrf0)  }
0x94: {  	(v2sf) =	vpush v11, $0xF;
	v12, _, _ =	vpop (xrf0)  }
0x95: {  	(v2sf) =	vpush v12, $0xF;
	_ =	sdelay $0xb  }
0x96: {  	s17 =	spop (v2sf)  }
0x97: {  	v10 =	vadd.s32 s16, v10;
	s18 =	sadd.s32 s16, s17;
	s19 =	spop (v2sf)  }
0x98: {  	[tilespmem:s15+$0x200] =	vst v10;
	v9 =	vadd.s32 s18, v9;
	s16 =	sadd.s32 s18, s19;
	s17 =	spop (v2sf)  }
0x99: {  	[tilespmem:s8+$0x200] =	vst v9;
	v9 =	vadd.s32 s16, v11;
	s18 =	sadd.s32 s16, s17;
	s19 =	spop (v2sf)  }
0x9a: {  	[tilespmem:s12+$0x200] =	vst v9;
	v9 =	vadd.s32 s18, v12;
	s8 =	sadd.s32 s18, s19  }
0x9b: {  	s12 =	simm.s32 $0x0;
	[tilespmem:s13+$0x200] =	vst v9;
	s13 =	smov.u32 s22;
	v9 =	vmov s8  }
.LBB2_4:
0x9c: {  	v10 =	vld.idx.msk [tilespmem:v2+s7+$0x0], $0xffff;
	_ =	sdelay $0x3  }
0x9d: {  	v11 =	vor.u32 s13, v1  }
0x9e: {  	vm1 =	vgt.s32 v10, v11  }
0x9f: {  	v10 =	vsel vm1, $0x0, v3  }
0xa0: {  	v12 =	vor.u32 $0x7F, v10;
	_ =	sdelay $0x4  }
0xa1: {  	v12 =	vld.idx.msk [tilespmem:v12+s7+$0x0], $0xffff;
	_ =	sdelay $0x4  }
0xa2: {  	v57 =	vor.u32 $0x80, v10;
	vm1 =	vgt.s32 v12, v11  }
0xa3: {  	v10 =	vsel vm1, v10, v57  }
0xa4: {  	v12 =	vor.u32 $0x3F, v10;
	_ =	sdelay $0x4  }
0xa5: {  	v12 =	vld.idx.msk [tilespmem:v12+s7+$0x0], $0xffff;
	_ =	sdelay $0x4  }
0xa6: {  	v58 =	vor.u32 $0x40, v10;
	vm1 =	vgt.s32 v12, v11  }
0xa7: {  	v10 =	vsel vm1, v10, v58  }
0xa8: {  	v12 =	vor.u32 $0x1F, v10;
	_ =	sdelay $0x4  }
0xa9: {  	v12 =	vld.idx.msk [tilespmem:v12+s7+$0x0], $0xffff;
	_ =	sdelay $0x4  }
0xaa: {  	v59 =	vor.u32 $0x20, v10;
	vm1 =	vgt.s32 v12, v11  }
0xab: {  	v10 =	vsel vm1, v10, v59  }
0xac: {  	v12 =	vadd.s32 $0xF, v10;
	_ =	sdelay $0x4  }
0xad: {  	v12 =	vld.idx.msk [tilespmem:v12+s7+$0x0], $0xffff;
	_ =	sdelay $0x4  }
0xae: {  	v60 =	vadd.s32 $0x10, v10;
	vm1 =	vgt.s32 v12, v11  }
0xaf: {  	v10 =	vsel vm1, v10, v60  }
0xb0: {  	v12 =	vadd.s32 $0x7, v10;
	_ =	sdelay $0x4  }
0xb1: {  	v12 =	vld.idx.msk [tilespmem:v12+s7+$0x0], $0xffff;
	_ =	sdelay $0x4  }
0xb2: {  	v61 =	vadd.s32 $0x8, v10;
	vm1 =	vgt.s32 v12, v11  }
0xb3: {  	v10 =	vsel vm1, v10, v61  }
0xb4: {  	v12 =	vadd.s32 $0x3, v10;
	_ =	sdelay $0x4  }
0xb5: {  	v12 =	vld.idx.msk [tilespmem:v12+s7+$0x0], $0xffff;
	_ =	sdelay $0x4  }
0xb6: {  	v62 =	vadd.s32 $0x4, v10;
	vm1 =	vgt.s32 v12, v11  }
0xb7: {  	v10 =	vsel vm1, v10, v62  }
0xb8: {  	v12 =	vadd.s32 $0x1, v10;
	_ =	sdelay $0x4  }
0xb9: {  	v12 =	vld.idx.msk [tilespmem:v12+s7+$0x0], $0xffff;
	_ =	sdelay $0x4  }
0xba: {  	v63 =	vadd.s32 $0x2, v10;
	vm1 =	vgt.s32 v12, v11  }
0xbb: {  	v10 =	vsel vm1, v10, v63;
	_ =	sdelay $0x4  }
0xbc: {  	v12 =	vld.idx.msk [tilespmem:v10+s7+$0x0], $0xffff;
	_ =	sdelay $0x4  }
0xbd: {  	p0 =	sne.s32 s12, $0x5C0;
	vm1 =	vle.s32 v12, v11  }
.Ltmp3:
0xbe: {  	v12 =	vsel vm1, $0x1, v4;
	(pc) =	sbr.rel @p0 .LBB2_4-.Ltmp3, $4  }
0xbf: {  	vm1 =	vlt.s32 v11, v9;
	v10 =	vadd.s32 v12, v10  }
0xc0: {  	v10 =	vnsel vm1, $0x0, v10  }
0xc1: {  	s15 =	sshra.s32 s12, $0x2;
	v10 =	vadd.s32 v0, v10  }
0xc2: {  	s13 =	sadd.s32 $0x10, s13;
	s12 =	sadd.s32 $0x40, s12;
	[tilespmem:s15+$0x400] =	vst v10  }
0xc3: {  	s8 =	ssub.s32 s8, s4  }
0xc4: {  	p3 =	slt.s32 s8, $0x1  }
0xc5: {  	v9 =	vld @!p3 [tilespmem:$0x400];
	_ =	sdelay $0x4  }
0xc6: {  	v10 =	vshll.u32 @!p3 v9, $0x1  }
0xc7: {  	v11 =	vlaneseq.u32 @!p3;
	v9 =	vand.u32 @!p3 $0x7, v9;
	v10 =	vand.u32 @!p3 $0xFFFFFFF0, v10  }
0xc8: {  	v12 =	vshrl.u32 @!p3 v11, $0x3;
	v9 =	vor.u32 @!p3 v9, v10;
	v10 =	vand.u32 @!p3 $0x7, v11  }
0xc9: {  	v12 =	vmul.u32 @!p3 $0x8, v12;
	v13 =	vperm.xlane @!p3 v9, v10  }
0xca: {  	v11 =	vor.u32 @!p3 $0x8, v11  }
0xcb: {  	v9 =	vperm.xlane @!p3 v9, v11;
	v13 =	vadd.s32 @!p3 v12, v13;
	_ =	sdelay $0x1  }
0xcc: {  	v9 =	vadd.s32 @!p3 v12, v9;
	_ =	sdelay $0x1  }
0xcd: {  	vm1 =	vmmov @!p3 $0xffff;
	s12 =	simm.s32 @!p3 $0x0;
	s13 =	simm.s32 @!p3 $0x580  }
0xce: {  	[tilespmem:s13], [sflag:$0x1] =	stream.indirect_vreg.gather @!p3 [hbm4b:s2+s12], $0x80, v13, vm1, $0xb8;
	[tilespmem:$0x19580] =	vst v63  }
0xcf: {  	s13 =	simm.s32 @!p3 $0xD80  }
0xd0: {  	[tilespmem:s13], [sflag:$0x1] =	stream.indirect_vreg.gather @!p3 [hbm4b:s2+s12], $0x80, v9, vm1, $0xb8;
	[tilespmem:$0x19580] =	vst v63  }
0xd1: {  	v9 =	vld @!p3 [tilespmem:$0x410];
	_ =	sdelay $0x4  }
0xd2: {  	v13 =	vshll.u32 @!p3 v9, $0x1  }
0xd3: {  	v9 =	vand.u32 @!p3 $0x7, v9;
	v13 =	vand.u32 @!p3 $0xFFFFFFF0, v13  }
0xd4: {  	v9 =	vor.u32 @!p3 v9, v13  }
0xd5: {  	v13 =	vperm.xlane @!p3 v9, v10;
	_ =	sdelay $0x1  }
0xd6: {  	v9 =	vperm.xlane @!p3 v9, v11;
	v13 =	vadd.s32 @!p3 v12, v13;
	_ =	sdelay $0x1  }
0xd7: {  	v9 =	vadd.s32 @!p3 v12, v9;
	_ =	sdelay $0x1  }
0xd8: {  	s13 =	simm.s32 @!p3 $0x1580  }
0xd9: {  	[tilespmem:s13], [sflag:$0x1] =	stream.indirect_vreg.gather @!p3 [hbm4b:s2+s12], $0x80, v13, vm1, $0xb8;
	[tilespmem:$0x19580] =	vst v63  }
0xda: {  	s13 =	simm.s32 @!p3 $0x1D80  }
0xdb: {  	[tilespmem:s13], [sflag:$0x1] =	stream.indirect_vreg.gather @!p3 [hbm4b:s2+s12], $0x80, v9, vm1, $0xb8;
	[tilespmem:$0x19580] =	vst v63  }
0xdc: {  	v9 =	vld @!p3 [tilespmem:$0x420];
	_ =	sdelay $0x4  }
0xdd: {  	v13 =	vshll.u32 @!p3 v9, $0x1  }
0xde: {  	v9 =	vand.u32 @!p3 $0x7, v9;
	v13 =	vand.u32 @!p3 $0xFFFFFFF0, v13  }
0xdf: {  	v9 =	vor.u32 @!p3 v9, v13  }
0xe0: {  	v13 =	vperm.xlane @!p3 v9, v10;
	_ =	sdelay $0x1  }
0xe1: {  	v9 =	vperm.xlane @!p3 v9, v11;
	v13 =	vadd.s32 @!p3 v12, v13;
	_ =	sdelay $0x1  }
0xe2: {  	v9 =	vadd.s32 @!p3 v12, v9;
	_ =	sdelay $0x1  }
0xe3: {  	s13 =	simm.s32 @!p3 $0x2580  }
0xe4: {  	[tilespmem:s13], [sflag:$0x1] =	stream.indirect_vreg.gather @!p3 [hbm4b:s2+s12], $0x80, v13, vm1, $0xb8;
	[tilespmem:$0x19580] =	vst v63  }
0xe5: {  	s13 =	simm.s32 @!p3 $0x2D80  }
0xe6: {  	[tilespmem:s13], [sflag:$0x1] =	stream.indirect_vreg.gather @!p3 [hbm4b:s2+s12], $0x80, v9, vm1, $0xb8;
	[tilespmem:$0x19580] =	vst v63  }
0xe7: {  	v9 =	vld @!p3 [tilespmem:$0x430];
	_ =	sdelay $0x4  }
0xe8: {  	v13 =	vshll.u32 @!p3 v9, $0x1  }
0xe9: {  	v9 =	vand.u32 @!p3 $0x7, v9;
	v13 =	vand.u32 @!p3 $0xFFFFFFF0, v13  }
0xea: {  	v9 =	vor.u32 @!p3 v9, v13  }
0xeb: {  	v13 =	vperm.xlane @!p3 v9, v10;
	_ =	sdelay $0x1  }
0xec: {  	v9 =	vperm.xlane @!p3 v9, v11;
	v13 =	vadd.s32 @!p3 v12, v13;
	_ =	sdelay $0x1  }
0xed: {  	v9 =	vadd.s32 @!p3 v12, v9;
	_ =	sdelay $0x1  }
0xee: {  	s13 =	simm.s32 @!p3 $0x3580  }
0xef: {  	[tilespmem:s13], [sflag:$0x1] =	stream.indirect_vreg.gather @!p3 [hbm4b:s2+s12], $0x80, v13, vm1, $0xb8;
	[tilespmem:$0x19580] =	vst v63  }
0xf0: {  	s13 =	simm.s32 @!p3 $0x3D80  }
0xf1: {  	[tilespmem:s13], [sflag:$0x1] =	stream.indirect_vreg.gather @!p3 [hbm4b:s2+s12], $0x80, v9, vm1, $0xb8;
	[tilespmem:$0x19580] =	vst v63  }
0xf2: {  	v9 =	vld @!p3 [tilespmem:$0x440];
	_ =	sdelay $0x4  }
0xf3: {  	v13 =	vshll.u32 @!p3 v9, $0x1  }
0xf4: {  	v9 =	vand.u32 @!p3 $0x7, v9;
	v13 =	vand.u32 @!p3 $0xFFFFFFF0, v13  }
0xf5: {  	v9 =	vor.u32 @!p3 v9, v13  }
0xf6: {  	v13 =	vperm.xlane @!p3 v9, v10;
	_ =	sdelay $0x1  }
0xf7: {  	v9 =	vperm.xlane @!p3 v9, v11;
	v13 =	vadd.s32 @!p3 v12, v13;
	_ =	sdelay $0x1  }
0xf8: {  	v9 =	vadd.s32 @!p3 v12, v9;
	_ =	sdelay $0x1  }
0xf9: {  	s13 =	simm.s32 @!p3 $0x4580  }
0xfa: {  	[tilespmem:s13], [sflag:$0x1] =	stream.indirect_vreg.gather @!p3 [hbm4b:s2+s12], $0x80, v13, vm1, $0xb8;
	[tilespmem:$0x19580] =	vst v63  }
0xfb: {  	s13 =	simm.s32 @!p3 $0x4D80  }
0xfc: {  	[tilespmem:s13], [sflag:$0x1] =	stream.indirect_vreg.gather @!p3 [hbm4b:s2+s12], $0x80, v9, vm1, $0xb8;
	[tilespmem:$0x19580] =	vst v63  }
0xfd: {  	v9 =	vld @!p3 [tilespmem:$0x450];
	_ =	sdelay $0x4  }
0xfe: {  	v13 =	vshll.u32 @!p3 v9, $0x1  }
0xff: {  	v9 =	vand.u32 @!p3 $0x7, v9;
	v13 =	vand.u32 @!p3 $0xFFFFFFF0, v13  }
0x100: {  	v9 =	vor.u32 @!p3 v9, v13  }
0x101: {  	v13 =	vperm.xlane @!p3 v9, v10;
	_ =	sdelay $0x1  }
0x102: {  	v9 =	vperm.xlane @!p3 v9, v11;
	v13 =	vadd.s32 @!p3 v12, v13;
	_ =	sdelay $0x1  }
0x103: {  	v9 =	vadd.s32 @!p3 v12, v9;
	_ =	sdelay $0x1  }
0x104: {  	s13 =	simm.s32 @!p3 $0x5580  }
0x105: {  	[tilespmem:s13], [sflag:$0x1] =	stream.indirect_vreg.gather @!p3 [hbm4b:s2+s12], $0x80, v13, vm1, $0xb8;
	[tilespmem:$0x19580] =	vst v63  }
0x106: {  	s13 =	simm.s32 @!p3 $0x5D80  }
0x107: {  	[tilespmem:s13], [sflag:$0x1] =	stream.indirect_vreg.gather @!p3 [hbm4b:s2+s12], $0x80, v9, vm1, $0xb8;
	[tilespmem:$0x19580] =	vst v63  }
0x108: {  	v9 =	vld @!p3 [tilespmem:$0x460];
	_ =	sdelay $0x4  }
0x109: {  	v13 =	vshll.u32 @!p3 v9, $0x1  }
0x10a: {  	v9 =	vand.u32 @!p3 $0x7, v9;
	v13 =	vand.u32 @!p3 $0xFFFFFFF0, v13  }
0x10b: {  	v9 =	vor.u32 @!p3 v9, v13  }
0x10c: {  	v13 =	vperm.xlane @!p3 v9, v10;
	_ =	sdelay $0x1  }
0x10d: {  	v9 =	vperm.xlane @!p3 v9, v11;
	v13 =	vadd.s32 @!p3 v12, v13;
	_ =	sdelay $0x1  }
0x10e: {  	v9 =	vadd.s32 @!p3 v12, v9;
	_ =	sdelay $0x1  }
0x10f: {  	s13 =	simm.s32 @!p3 $0x6580  }
0x110: {  	[tilespmem:s13], [sflag:$0x1] =	stream.indirect_vreg.gather @!p3 [hbm4b:s2+s12], $0x80, v13, vm1, $0xb8;
	[tilespmem:$0x19580] =	vst v63  }
0x111: {  	s13 =	simm.s32 @!p3 $0x6D80  }
0x112: {  	[tilespmem:s13], [sflag:$0x1] =	stream.indirect_vreg.gather @!p3 [hbm4b:s2+s12], $0x80, v9, vm1, $0xb8;
	[tilespmem:$0x19580] =	vst v63  }
0x113: {  	v9 =	vld @!p3 [tilespmem:$0x470];
	_ =	sdelay $0x4  }
0x114: {  	v13 =	vshll.u32 @!p3 v9, $0x1  }
0x115: {  	v9 =	vand.u32 @!p3 $0x7, v9;
	v13 =	vand.u32 @!p3 $0xFFFFFFF0, v13  }
0x116: {  	v9 =	vor.u32 @!p3 v9, v13  }
0x117: {  	v10 =	vperm.xlane @!p3 v9, v10;
	_ =	sdelay $0x1  }
0x118: {  	v9 =	vperm.xlane @!p3 v9, v11;
	v10 =	vadd.s32 @!p3 v12, v10;
	_ =	sdelay $0x1  }
0x119: {  	v9 =	vadd.s32 @!p3 v12, v9;
	_ =	sdelay $0x1  }
0x11a: {  	p0 =	slt.u32 @!p3 s8, $0x81;
	s13 =	simm.s32 @!p3 $0x7580  }
0x11b: {  	[tilespmem:s13], [sflag:$0x1] =	stream.indirect_vreg.gather @!p3 [hbm4b:s2+s12], $0x80, v10, vm1, $0xb8;
	[tilespmem:$0x19580] =	vst v63  }
0x11c: {  	p2 =	por p3, p0;
	s13 =	simm.s32 @!p3 $0x7D80  }
0x11d: {  	[tilespmem:s13], [sflag:$0x1] =	stream.indirect_vreg.gather @!p3 [hbm4b:s2+s12], $0x80, v9, vm1, $0xb8;
	[tilespmem:$0x19580] =	vst v63  }
0x11e: {  	v9 =	vld @!p2 [tilespmem:$0x480];
	_ =	sdelay $0x4  }
0x11f: {  	v10 =	vshll.u32 @!p2 v9, $0x1  }
0x120: {  	v11 =	vlaneseq.u32 @!p2;
	v9 =	vand.u32 @!p2 $0x7, v9;
	v10 =	vand.u32 @!p2 $0xFFFFFFF0, v10  }
0x121: {  	v12 =	vshrl.u32 @!p2 v11, $0x3;
	v9 =	vor.u32 @!p2 v9, v10;
	v10 =	vand.u32 @!p2 $0x7, v11  }
0x122: {  	v12 =	vmul.u32 @!p2 $0x8, v12;
	v13 =	vperm.xlane @!p2 v9, v10  }
0x123: {  	v11 =	vor.u32 @!p2 $0x8, v11  }
0x124: {  	v9 =	vperm.xlane @!p2 v9, v11;
	v13 =	vadd.s32 @!p2 v12, v13;
	_ =	sdelay $0x1  }
0x125: {  	v9 =	vadd.s32 @!p2 v12, v9;
	_ =	sdelay $0x1  }
0x126: {  	vm1 =	vmmov @!p2 $0xffff;
	s12 =	simm.s32 @!p2 $0x0;
	s13 =	simm.s32 @!p2 $0x8580  }
0x127: {  	[tilespmem:s13], [sflag:$0x1] =	stream.indirect_vreg.gather @!p2 [hbm4b:s2+s12], $0x80, v13, vm1, $0xb8;
	[tilespmem:$0x19580] =	vst v63  }
0x128: {  	s13 =	simm.s32 @!p2 $0x8D80  }
0x129: {  	[tilespmem:s13], [sflag:$0x1] =	stream.indirect_vreg.gather @!p2 [hbm4b:s2+s12], $0x80, v9, vm1, $0xb8;
	[tilespmem:$0x19580] =	vst v63  }
0x12a: {  	v9 =	vld @!p2 [tilespmem:$0x490];
	_ =	sdelay $0x4  }
0x12b: {  	v13 =	vshll.u32 @!p2 v9, $0x1  }
0x12c: {  	v9 =	vand.u32 @!p2 $0x7, v9;
	v13 =	vand.u32 @!p2 $0xFFFFFFF0, v13  }
0x12d: {  	v9 =	vor.u32 @!p2 v9, v13  }
0x12e: {  	v13 =	vperm.xlane @!p2 v9, v10;
	_ =	sdelay $0x1  }
0x12f: {  	v9 =	vperm.xlane @!p2 v9, v11;
	v13 =	vadd.s32 @!p2 v12, v13;
	_ =	sdelay $0x1  }
0x130: {  	v9 =	vadd.s32 @!p2 v12, v9;
	_ =	sdelay $0x1  }
0x131: {  	s13 =	simm.s32 @!p2 $0x9580  }
0x132: {  	[tilespmem:s13], [sflag:$0x1] =	stream.indirect_vreg.gather @!p2 [hbm4b:s2+s12], $0x80, v13, vm1, $0xb8;
	[tilespmem:$0x19580] =	vst v63  }
0x133: {  	s13 =	simm.s32 @!p2 $0x9D80  }
0x134: {  	[tilespmem:s13], [sflag:$0x1] =	stream.indirect_vreg.gather @!p2 [hbm4b:s2+s12], $0x80, v9, vm1, $0xb8;
	[tilespmem:$0x19580] =	vst v63  }
0x135: {  	v9 =	vld @!p2 [tilespmem:$0x4A0];
	_ =	sdelay $0x4  }
0x136: {  	v13 =	vshll.u32 @!p2 v9, $0x1  }
0x137: {  	v9 =	vand.u32 @!p2 $0x7, v9;
	v13 =	vand.u32 @!p2 $0xFFFFFFF0, v13  }
0x138: {  	v9 =	vor.u32 @!p2 v9, v13  }
0x139: {  	v13 =	vperm.xlane @!p2 v9, v10;
	_ =	sdelay $0x1  }
0x13a: {  	v9 =	vperm.xlane @!p2 v9, v11;
	v13 =	vadd.s32 @!p2 v12, v13;
	_ =	sdelay $0x1  }
0x13b: {  	v9 =	vadd.s32 @!p2 v12, v9;
	_ =	sdelay $0x1  }
0x13c: {  	s13 =	simm.s32 @!p2 $0xA580  }
0x13d: {  	[tilespmem:s13], [sflag:$0x1] =	stream.indirect_vreg.gather @!p2 [hbm4b:s2+s12], $0x80, v13, vm1, $0xb8;
	[tilespmem:$0x19580] =	vst v63  }
0x13e: {  	s13 =	simm.s32 @!p2 $0xAD80  }
0x13f: {  	[tilespmem:s13], [sflag:$0x1] =	stream.indirect_vreg.gather @!p2 [hbm4b:s2+s12], $0x80, v9, vm1, $0xb8;
	[tilespmem:$0x19580] =	vst v63  }
0x140: {  	v9 =	vld @!p2 [tilespmem:$0x4B0];
	_ =	sdelay $0x4  }
0x141: {  	v13 =	vshll.u32 @!p2 v9, $0x1  }
0x142: {  	v9 =	vand.u32 @!p2 $0x7, v9;
	v13 =	vand.u32 @!p2 $0xFFFFFFF0, v13  }
0x143: {  	v9 =	vor.u32 @!p2 v9, v13  }
0x144: {  	v13 =	vperm.xlane @!p2 v9, v10;
	_ =	sdelay $0x1  }
0x145: {  	v9 =	vperm.xlane @!p2 v9, v11;
	v13 =	vadd.s32 @!p2 v12, v13;
	_ =	sdelay $0x1  }
0x146: {  	v9 =	vadd.s32 @!p2 v12, v9;
	_ =	sdelay $0x1  }
0x147: {  	s13 =	simm.s32 @!p2 $0xB580  }
0x148: {  	[tilespmem:s13], [sflag:$0x1] =	stream.indirect_vreg.gather @!p2 [hbm4b:s2+s12], $0x80, v13, vm1, $0xb8;
	[tilespmem:$0x19580] =	vst v63  }
0x149: {  	s13 =	simm.s32 @!p2 $0xBD80  }
0x14a: {  	[tilespmem:s13], [sflag:$0x1] =	stream.indirect_vreg.gather @!p2 [hbm4b:s2+s12], $0x80, v9, vm1, $0xb8;
	[tilespmem:$0x19580] =	vst v63  }
0x14b: {  	v9 =	vld @!p2 [tilespmem:$0x4C0];
	_ =	sdelay $0x4  }
0x14c: {  	v13 =	vshll.u32 @!p2 v9, $0x1  }
0x14d: {  	v9 =	vand.u32 @!p2 $0x7, v9;
	v13 =	vand.u32 @!p2 $0xFFFFFFF0, v13  }
0x14e: {  	v9 =	vor.u32 @!p2 v9, v13  }
0x14f: {  	v13 =	vperm.xlane @!p2 v9, v10;
	_ =	sdelay $0x1  }
0x150: {  	v9 =	vperm.xlane @!p2 v9, v11;
	v13 =	vadd.s32 @!p2 v12, v13;
	_ =	sdelay $0x1  }
0x151: {  	v9 =	vadd.s32 @!p2 v12, v9;
	_ =	sdelay $0x1  }
0x152: {  	s13 =	simm.s32 @!p2 $0xC580  }
0x153: {  	[tilespmem:s13], [sflag:$0x1] =	stream.indirect_vreg.gather @!p2 [hbm4b:s2+s12], $0x80, v13, vm1, $0xb8;
	[tilespmem:$0x19580] =	vst v63  }
0x154: {  	s13 =	simm.s32 @!p2 $0xCD80  }
0x155: {  	[tilespmem:s13], [sflag:$0x1] =	stream.indirect_vreg.gather @!p2 [hbm4b:s2+s12], $0x80, v9, vm1, $0xb8;
	[tilespmem:$0x19580] =	vst v63  }
0x156: {  	v9 =	vld @!p2 [tilespmem:$0x4D0];
	_ =	sdelay $0x4  }
0x157: {  	v13 =	vshll.u32 @!p2 v9, $0x1  }
0x158: {  	v9 =	vand.u32 @!p2 $0x7, v9;
	v13 =	vand.u32 @!p2 $0xFFFFFFF0, v13  }
0x159: {  	v9 =	vor.u32 @!p2 v9, v13  }
0x15a: {  	v13 =	vperm.xlane @!p2 v9, v10;
	_ =	sdelay $0x1  }
0x15b: {  	v9 =	vperm.xlane @!p2 v9, v11;
	v13 =	vadd.s32 @!p2 v12, v13;
	_ =	sdelay $0x1  }
0x15c: {  	v9 =	vadd.s32 @!p2 v12, v9;
	_ =	sdelay $0x1  }
0x15d: {  	s13 =	simm.s32 @!p2 $0xD580  }
0x15e: {  	[tilespmem:s13], [sflag:$0x1] =	stream.indirect_vreg.gather @!p2 [hbm4b:s2+s12], $0x80, v13, vm1, $0xb8;
	[tilespmem:$0x19580] =	vst v63  }
0x15f: {  	s13 =	simm.s32 @!p2 $0xDD80  }
0x160: {  	[tilespmem:s13], [sflag:$0x1] =	stream.indirect_vreg.gather @!p2 [hbm4b:s2+s12], $0x80, v9, vm1, $0xb8;
	[tilespmem:$0x19580] =	vst v63  }
0x161: {  	v9 =	vld @!p2 [tilespmem:$0x4E0];
	_ =	sdelay $0x4  }
0x162: {  	v13 =	vshll.u32 @!p2 v9, $0x1  }
0x163: {  	v9 =	vand.u32 @!p2 $0x7, v9;
	v13 =	vand.u32 @!p2 $0xFFFFFFF0, v13  }
0x164: {  	v9 =	vor.u32 @!p2 v9, v13  }
0x165: {  	v13 =	vperm.xlane @!p2 v9, v10;
	_ =	sdelay $0x1  }
0x166: {  	v9 =	vperm.xlane @!p2 v9, v11;
	v13 =	vadd.s32 @!p2 v12, v13;
	_ =	sdelay $0x1  }
0x167: {  	v9 =	vadd.s32 @!p2 v12, v9;
	_ =	sdelay $0x1  }
0x168: {  	s13 =	simm.s32 @!p2 $0xE580  }
0x169: {  	[tilespmem:s13], [sflag:$0x1] =	stream.indirect_vreg.gather @!p2 [hbm4b:s2+s12], $0x80, v13, vm1, $0xb8;
	[tilespmem:$0x19580] =	vst v63  }
0x16a: {  	s13 =	simm.s32 @!p2 $0xED80  }
0x16b: {  	[tilespmem:s13], [sflag:$0x1] =	stream.indirect_vreg.gather @!p2 [hbm4b:s2+s12], $0x80, v9, vm1, $0xb8;
	[tilespmem:$0x19580] =	vst v63  }
0x16c: {  	v9 =	vld @!p2 [tilespmem:$0x4F0];
	_ =	sdelay $0x4  }
0x16d: {  	v13 =	vshll.u32 @!p2 v9, $0x1  }
0x16e: {  	v9 =	vand.u32 @!p2 $0x7, v9;
	v13 =	vand.u32 @!p2 $0xFFFFFFF0, v13  }
0x16f: {  	v9 =	vor.u32 @!p2 v9, v13  }
0x170: {  	v10 =	vperm.xlane @!p2 v9, v10;
	_ =	sdelay $0x1  }
0x171: {  	v9 =	vperm.xlane @!p2 v9, v11;
	v10 =	vadd.s32 @!p2 v12, v10  }
0x172: {  	p0 =	slt.u32 @!p2 s8, $0x101  }
0x173: {  	p0 =	por p2, p0;
	v9 =	vadd.s32 @!p2 v12, v9  }
.Ltmp4:
0x174: {  	_ = 	snop;
	(pc) =	sbr.rel @p0 .LBB2_6-.Ltmp4, $4  }
0x175: {  	s13 =	simm.s32 @!p2 $0xF580  }
0x176: {  	[tilespmem:s13], [sflag:$0x1] =	stream.indirect_vreg.gather @!p2 [hbm4b:s2+s12], $0x80, v10, vm1, $0xb8;
	[tilespmem:$0x19580] =	vst v63  }
0x177: {  	s13 =	simm.s32 @!p2 $0xFD80  }
0x178: {  	[tilespmem:s13], [sflag:$0x1] =	stream.indirect_vreg.gather @!p2 [hbm4b:s2+s12], $0x80, v9, vm1, $0xb8;
	[tilespmem:$0x19580] =	vst v63  }
0x179: {  	v9 =	vld [tilespmem:$0x500];
	_ =	sdelay $0x4  }
0x17a: {  	v10 =	vshll.u32 v9, $0x1  }
0x17b: {  	v9 =	vand.u32 $0x7, v9;
	v10 =	vand.u32 $0xFFFFFFF0, v10  }
0x17c: {  	v9 =	vor.u32 v9, v10  }
0x17d: {  	v10 =	vperm.xlane v9, v5;
	_ =	sdelay $0x1  }
0x17e: {  	v9 =	vperm.xlane v9, v7;
	v10 =	vadd.s32 v6, v10;
	_ =	sdelay $0x1  }
0x17f: {  	v9 =	vadd.s32 v6, v9;
	_ =	sdelay $0x1  }
0x180: {  	s12 =	simm.s32 $0x10580  }
0x181: {  	[tilespmem:s12], [sflag:$0x1] =	stream.indirect_vreg.gather [hbm4b:s2+s3], $0x80, v10, vm0, $0xb8;
	[tilespmem:$0x19580] =	vst v63  }
0x182: {  	s17 =	simm.s32 $0x10D80  }
0x183: {  	[tilespmem:s17], [sflag:$0x1] =	stream.indirect_vreg.gather [hbm4b:s2+s3], $0x80, v9, vm0, $0xb8;
	[tilespmem:$0x19580] =	vst v63  }
0x184: {  	v9 =	vld [tilespmem:$0x510];
	_ =	sdelay $0x4  }
0x185: {  	v10 =	vshll.u32 v9, $0x1  }
0x186: {  	v9 =	vand.u32 $0x7, v9;
	v10 =	vand.u32 $0xFFFFFFF0, v10  }
0x187: {  	v9 =	vor.u32 v9, v10  }
0x188: {  	v10 =	vperm.xlane v9, v5;
	_ =	sdelay $0x1  }
0x189: {  	v9 =	vperm.xlane v9, v7;
	v10 =	vadd.s32 v6, v10;
	_ =	sdelay $0x1  }
0x18a: {  	v9 =	vadd.s32 v6, v9;
	_ =	sdelay $0x1  }
0x18b: {  	s18 =	simm.s32 $0x11580  }
0x18c: {  	[tilespmem:s18], [sflag:$0x1] =	stream.indirect_vreg.gather [hbm4b:s2+s3], $0x80, v10, vm0, $0xb8;
	[tilespmem:$0x19580] =	vst v63  }
0x18d: {  	s19 =	simm.s32 $0x11D80  }
0x18e: {  	[tilespmem:s19], [sflag:$0x1] =	stream.indirect_vreg.gather [hbm4b:s2+s3], $0x80, v9, vm0, $0xb8;
	[tilespmem:$0x19580] =	vst v63  }
0x18f: {  	v9 =	vld [tilespmem:$0x520];
	_ =	sdelay $0x4  }
0x190: {  	v10 =	vshll.u32 v9, $0x1  }
0x191: {  	v9 =	vand.u32 $0x7, v9;
	v10 =	vand.u32 $0xFFFFFFF0, v10  }
0x192: {  	v9 =	vor.u32 v9, v10  }
0x193: {  	v10 =	vperm.xlane v9, v5;
	_ =	sdelay $0x1  }
0x194: {  	v9 =	vperm.xlane v9, v7;
	v10 =	vadd.s32 v6, v10;
	_ =	sdelay $0x1  }
0x195: {  	v9 =	vadd.s32 v6, v9;
	_ =	sdelay $0x1  }
0x196: {  	s13 =	simm.s32 $0x12580  }
0x197: {  	[tilespmem:s13], [sflag:$0x1] =	stream.indirect_vreg.gather [hbm4b:s2+s3], $0x80, v10, vm0, $0xb8;
	[tilespmem:$0x19580] =	vst v63  }
0x198: {  	s15 =	simm.s32 $0x12D80  }
0x199: {  	[tilespmem:s15], [sflag:$0x1] =	stream.indirect_vreg.gather [hbm4b:s2+s3], $0x80, v9, vm0, $0xb8;
	[tilespmem:$0x19580] =	vst v63  }
0x19a: {  	v9 =	vld [tilespmem:$0x530];
	_ =	sdelay $0x4  }
0x19b: {  	v10 =	vshll.u32 v9, $0x1  }
0x19c: {  	v9 =	vand.u32 $0x7, v9;
	v10 =	vand.u32 $0xFFFFFFF0, v10  }
0x19d: {  	v9 =	vor.u32 v9, v10  }
0x19e: {  	v10 =	vperm.xlane v9, v5;
	_ =	sdelay $0x1  }
0x19f: {  	v9 =	vperm.xlane v9, v7;
	v10 =	vadd.s32 v6, v10;
	_ =	sdelay $0x1  }
0x1a0: {  	v9 =	vadd.s32 v6, v9;
	_ =	sdelay $0x1  }
0x1a1: {  	s16 =	simm.s32 $0x13580  }
0x1a2: {  	[tilespmem:s16], [sflag:$0x1] =	stream.indirect_vreg.gather [hbm4b:s2+s3], $0x80, v10, vm0, $0xb8;
	[tilespmem:$0x19580] =	vst v63  }
0x1a3: {  	s17 =	simm.s32 $0x13D80  }
0x1a4: {  	[tilespmem:s17], [sflag:$0x1] =	stream.indirect_vreg.gather [hbm4b:s2+s3], $0x80, v9, vm0, $0xb8;
	[tilespmem:$0x19580] =	vst v63  }
0x1a5: {  	v9 =	vld [tilespmem:$0x540];
	_ =	sdelay $0x4  }
0x1a6: {  	v10 =	vshll.u32 v9, $0x1  }
0x1a7: {  	v9 =	vand.u32 $0x7, v9;
	v10 =	vand.u32 $0xFFFFFFF0, v10  }
0x1a8: {  	v9 =	vor.u32 v9, v10  }
0x1a9: {  	v10 =	vperm.xlane v9, v5;
	_ =	sdelay $0x1  }
0x1aa: {  	v9 =	vperm.xlane v9, v7;
	v10 =	vadd.s32 v6, v10;
	_ =	sdelay $0x1  }
0x1ab: {  	v9 =	vadd.s32 v6, v9;
	_ =	sdelay $0x1  }
0x1ac: {  	s18 =	simm.s32 $0x14580  }
0x1ad: {  	[tilespmem:s18], [sflag:$0x1] =	stream.indirect_vreg.gather [hbm4b:s2+s3], $0x80, v10, vm0, $0xb8;
	[tilespmem:$0x19580] =	vst v63  }
0x1ae: {  	s19 =	simm.s32 $0x14D80  }
0x1af: {  	[tilespmem:s19], [sflag:$0x1] =	stream.indirect_vreg.gather [hbm4b:s2+s3], $0x80, v9, vm0, $0xb8;
	[tilespmem:$0x19580] =	vst v63  }
0x1b0: {  	v9 =	vld [tilespmem:$0x550];
	_ =	sdelay $0x4  }
0x1b1: {  	v10 =	vshll.u32 v9, $0x1  }
0x1b2: {  	v9 =	vand.u32 $0x7, v9;
	v10 =	vand.u32 $0xFFFFFFF0, v10  }
0x1b3: {  	v9 =	vor.u32 v9, v10  }
0x1b4: {  	v10 =	vperm.xlane v9, v5;
	_ =	sdelay $0x1  }
0x1b5: {  	v9 =	vperm.xlane v9, v7;
	v10 =	vadd.s32 v6, v10;
	_ =	sdelay $0x1  }
0x1b6: {  	v9 =	vadd.s32 v6, v9;
	_ =	sdelay $0x1  }
0x1b7: {  	s13 =	simm.s32 $0x15580  }
0x1b8: {  	[tilespmem:s13], [sflag:$0x1] =	stream.indirect_vreg.gather [hbm4b:s2+s3], $0x80, v10, vm0, $0xb8;
	[tilespmem:$0x19580] =	vst v63  }
0x1b9: {  	s15 =	simm.s32 $0x15D80  }
0x1ba: {  	[tilespmem:s15], [sflag:$0x1] =	stream.indirect_vreg.gather [hbm4b:s2+s3], $0x80, v9, vm0, $0xb8;
	[tilespmem:$0x19580] =	vst v63  }
0x1bb: {  	v9 =	vld [tilespmem:$0x560];
	_ =	sdelay $0x4  }
0x1bc: {  	v10 =	vshll.u32 v9, $0x1  }
0x1bd: {  	v9 =	vand.u32 $0x7, v9;
	v10 =	vand.u32 $0xFFFFFFF0, v10  }
0x1be: {  	v9 =	vor.u32 v9, v10  }
0x1bf: {  	v10 =	vperm.xlane v9, v5;
	_ =	sdelay $0x1  }
0x1c0: {  	v9 =	vperm.xlane v9, v7;
	v10 =	vadd.s32 v6, v10;
	_ =	sdelay $0x1  }
0x1c1: {  	v9 =	vadd.s32 v6, v9;
	_ =	sdelay $0x1  }
0x1c2: {  	s16 =	simm.s32 $0x16580  }
0x1c3: {  	[tilespmem:s16], [sflag:$0x1] =	stream.indirect_vreg.gather [hbm4b:s2+s3], $0x80, v10, vm0, $0xb8;
	[tilespmem:$0x19580] =	vst v63  }
0x1c4: {  	s17 =	simm.s32 $0x16D80  }
0x1c5: {  	[tilespmem:s17], [sflag:$0x1] =	stream.indirect_vreg.gather [hbm4b:s2+s3], $0x80, v9, vm0, $0xb8;
	[tilespmem:$0x19580] =	vst v63  }
0x1c6: {  	v9 =	vld [tilespmem:$0x570];
	_ =	sdelay $0x4  }
0x1c7: {  	v10 =	vshll.u32 v9, $0x1  }
0x1c8: {  	v9 =	vand.u32 $0x7, v9;
	v10 =	vand.u32 $0xFFFFFFF0, v10  }
0x1c9: {  	v9 =	vor.u32 v9, v10  }
0x1ca: {  	v10 =	vperm.xlane v9, v5;
	_ =	sdelay $0x1  }
0x1cb: {  	v9 =	vperm.xlane v9, v7;
	v10 =	vadd.s32 v6, v10;
	_ =	sdelay $0x1  }
0x1cc: {  	v9 =	vadd.s32 v6, v9  }
.Ltmp5:
0x1cd: {  	_ = 	snop;
	(pc) =	sbr.rel .LBB2_8-.Ltmp5, $4  }
0x1ce: {  	s18 =	simm.s32 $0x17580  }
0x1cf: {  	[tilespmem:s18], [sflag:$0x1] =	stream.indirect_vreg.gather [hbm4b:s2+s3], $0x80, v10, vm0, $0xb8;
	[tilespmem:$0x19580] =	vst v63  }
0x1d0: {  	p0 =	por $0x1, $0x1;
	p1 =	por $0x1, $0x1;
	s19 =	simm.s32 $0x17D80  }
0x1d1: {  	[tilespmem:s19], [sflag:$0x1] =	stream.indirect_vreg.gather [hbm4b:s2+s3], $0x80, v9, vm0, $0xb8;
	[tilespmem:$0x19580] =	vst v63  }
.LBB2_6:
0x1d2: {  	p0 =	por @!p3 $0x0, $0x0;
	p1 =	por $0x0, $0x0  }
0x1d3: {  	p1 =	por @!p3 p0, p0  }
0x1d4: {  	p4 =	por @!p2 $0x1, $0x1;
	p5 =	por @!p2 $0x0, $0x0;
	p0 =	por p1, p1  }
0x1d5: {  	p1 =	por @!p2 p4, p4;
	p0 =	por @!p2 p5, p5  }
.LBB2_8:
0x1d6: {  	s12 =	simm.s32 $0x0  }
0x1d7: {  	s13 =	sand.u32 $0x800, s12;
	s12 =	sand.u32 $0x380, s12  }
0x1d8: {  	s12 =	sor.u32 s12, s13  }
0x1d9: {  	s15 =	sadd.s32 $0x18580, s12;
	[tilespmem:s12+$0x18580] =	vst v8  }
0x1da: {  	[tilespmem:s15+$0x10] =	vst v8  }
0x1db: {  	[tilespmem:s15+$0x20] =	vst v8  }
0x1dc: {  	[tilespmem:s15+$0x30] =	vst v8  }
0x1dd: {  	[tilespmem:s15+$0x40] =	vst v8  }
0x1de: {  	[tilespmem:s15+$0x50] =	vst v8  }
0x1df: {  	[tilespmem:s15+$0x60] =	vst v8  }
0x1e0: {  	[tilespmem:s15+$0x70] =	vst v8  }
0x1e1: {  	[tilespmem:s15+$0x400] =	vst v8  }
0x1e2: {  	[tilespmem:s15+$0x410] =	vst v8  }
0x1e3: {  	[tilespmem:s15+$0x420] =	vst v8  }
0x1e4: {  	[tilespmem:s15+$0x430] =	vst v8  }
0x1e5: {  	p2 =	sgt.s32 s8, $0x0;
	s17 =	simm.s32 $0x100;
	s12 =	smov.u32 s8;
	[tilespmem:s15+$0x440] =	vst v8  }
0x1e6: {  	s16 =	simm.s32 $0x80;
	s18 =	sand.u32 $0x800, s17;
	s12 =	simm.s32 @!p2 $0x0;
	[tilespmem:s15+$0x450] =	vst v8  }
0x1e7: {  	s19 =	sand.u32 $0x380, s16;
	s17 =	simm.s32 $0x200;
	[tilespmem:s15+$0x460] =	vst v8;
	s13 =	smin.u32 s12, $0x180  }
.LBB2_9:
0x1e8: {  	p4 =	sne.s32 s17, $0xF00;
	s18 =	sor.u32 s19, s18;
	[tilespmem:s15+$0x470] =	vst v8  }
0x1e9: {  	s15 =	sadd.s32 $0x18580, s18;
	[tilespmem:s18+$0x18580] =	vst v8  }
0x1ea: {  	[tilespmem:s15+$0x10] =	vst v8  }
0x1eb: {  	[tilespmem:s15+$0x20] =	vst v8  }
0x1ec: {  	[tilespmem:s15+$0x30] =	vst v8  }
0x1ed: {  	[tilespmem:s15+$0x40] =	vst v8  }
0x1ee: {  	[tilespmem:s15+$0x50] =	vst v8  }
0x1ef: {  	[tilespmem:s15+$0x60] =	vst v8  }
0x1f0: {  	[tilespmem:s15+$0x70] =	vst v8  }
0x1f1: {  	[tilespmem:s15+$0x400] =	vst v8  }
0x1f2: {  	[tilespmem:s15+$0x410] =	vst v8  }
.Ltmp6:
0x1f3: {  	[tilespmem:s15+$0x420] =	vst v8;
	(pc) =	sbr.rel @p4 .LBB2_9-.Ltmp6, $4  }
0x1f4: {  	[tilespmem:s15+$0x430] =	vst v8  }
0x1f5: {  	[tilespmem:s15+$0x440] =	vst v8  }
0x1f6: {  	s16 =	sadd.s32 $0x80, s16;
	[tilespmem:s15+$0x450] =	vst v8  }
0x1f7: {  	s18 =	sand.u32 $0x800, s17;
	s19 =	sand.u32 $0x380, s16;
	s17 =	sadd.s32 $0x100, s17;
	[tilespmem:s15+$0x460] =	vst v8  }
0x1f8: {  	s16 =	sor.u32 s19, s18;
	[tilespmem:s15+$0x470] =	vst v8  }
0x1f9: {  	s19 =	sadd.s32 $0x18580, s16;
	[tilespmem:s16+$0x18580] =	vst v8  }
0x1fa: {  	[tilespmem:s19+$0x10] =	vst v8  }
0x1fb: {  	[tilespmem:s19+$0x20] =	vst v8  }
0x1fc: {  	[tilespmem:s19+$0x30] =	vst v8  }
0x1fd: {  	[tilespmem:s19+$0x40] =	vst v8  }
0x1fe: {  	[tilespmem:s19+$0x50] =	vst v8  }
0x1ff: {  	[tilespmem:s19+$0x60] =	vst v8  }
0x200: {  	[tilespmem:s19+$0x70] =	vst v8  }
0x201: {  	[tilespmem:s19+$0x400] =	vst v8  }
0x202: {  	[tilespmem:s19+$0x410] =	vst v8  }
0x203: {  	[tilespmem:s19+$0x420] =	vst v8  }
.Ltmp7:
0x204: {  	[tilespmem:s19+$0x430] =	vst v8;
	(pc) =	sbr.rel @!p2 .LBB2_11-.Ltmp7, $4  }
0x205: {  	[tilespmem:s19+$0x440] =	vst v8  }
0x206: {  	[tilespmem:s19+$0x450] =	vst v8  }
0x207: {  	[tilespmem:s19+$0x460] =	vst v8  }
0x208: {  	[tilespmem:s19+$0x470] =	vst v8  }
0x209: {  	p4 =	sgt.u32 s8, $0x80  }
.Ltmp8:
0x20a: {  	_ = 	snop;
	(pc) =	sbr.rel @!p4 .LBB2_13-.Ltmp8, $1  }
0x20b: {  	_ =	sdelay $0x3  }
0x20c: {  	p6 =	sgt.u32 s8, $0x100  }
.Ltmp9:
0x20d: {  	_ = 	snop;
	(pc) =	sbr.rel @p6 .LBB2_16-.Ltmp9, $4  }
.Ltmp10:
0x20e: {  	_ = 	snop;
	(pc) =	sbr.rel @!p6 .LBB2_15-.Ltmp10, $4  }
0x20f: {  	_ = 	snop  }
0x210: {  	_ = 	snop  }
0x211: {  	p5 =	por $0x0, $0x0;
	p4 =	por $0x0, $0x0  }
0x212: {  	_ = 	snop  }
.LBB2_11:
0x213: {  	[hbm4b:s6+s3] =	stream.linear.scatter [tilespmem:s9], [sflag:$0x2], $0x1000, $0x38;
	[tilespmem:$0x19580] =	vst v63  }
0x214: {  	s15 =	rddreg [dreg:$0x4]  }
0x215: {  	[hbm4b:s15+s3] =	stream.linear.scatter [tilespmem:s9], [sflag:$0x2], $0x1000, $0x38;
	[tilespmem:$0x19580] =	vst v63  }
0x216: {  	s18 =	rddreg [dreg:$0x5]  }
0x217: {  	[hbm4b:s18+s3] =	stream.linear.scatter [tilespmem:s9], [sflag:$0x2], $0x1000, $0x38;
	[tilespmem:$0x19580] =	vst v63  }
0x218: {  	s19 =	rddreg [dreg:$0x6]  }
0x219: {  	[hbm4b:s19+s3] =	stream.linear.scatter [tilespmem:s9], [sflag:$0x2], $0x1000, $0x38;
	[tilespmem:$0x19580] =	vst v63  }
0x21a: {  	s16 =	rddreg [dreg:$0x7]  }
0x21b: {  	[hbm4b:s16+s3] =	stream.linear.scatter [tilespmem:s9], [sflag:$0x2], $0x1000, $0x38;
	[tilespmem:$0x19580] =	vst v63  }
0x21c: {  	s17 =	rddreg [dreg:$0x8]  }
0x21d: {  	[hbm4b:s17+s3] =	stream.linear.scatter [tilespmem:s9], [sflag:$0x2], $0x1000, $0x38;
	[tilespmem:$0x19580] =	vst v63  }
0x21e: {  	s18 =	rddreg [dreg:$0x9]  }
0x21f: {  	[hbm4b:s18+s3] =	stream.linear.scatter [tilespmem:s9], [sflag:$0x2], $0x1000, $0x38;
	[tilespmem:$0x19580] =	vst v63  }
0x220: {  	s19 =	rddreg [dreg:$0xa]  }
0x221: {  	[hbm4b:s19+s3] =	stream.linear.scatter [tilespmem:s9], [sflag:$0x2], $0x1000, $0x38;
	[tilespmem:$0x19580] =	vst v63  }
.LBB2_13:
0x222: {  	[hbm4b:s14+s3] =	stream.linear.scatter [tilespmem:s9], [sflag:$0x2], $0x1000, $0x38;
	[tilespmem:$0x19580] =	vst v63  }
0x223: {  	s15 =	rddreg [dreg:$0xb]  }
0x224: {  	[hbm4b:s15+s3] =	stream.linear.scatter [tilespmem:s9], [sflag:$0x2], $0x1000, $0x38;
	[tilespmem:$0x19580] =	vst v63  }
0x225: {  	s16 =	rddreg [dreg:$0xc]  }
0x226: {  	[hbm4b:s16+s3] =	stream.linear.scatter [tilespmem:s9], [sflag:$0x2], $0x1000, $0x38;
	[tilespmem:$0x19580] =	vst v63  }
0x227: {  	s17 =	rddreg [dreg:$0xd]  }
0x228: {  	[hbm4b:s17+s3] =	stream.linear.scatter [tilespmem:s9], [sflag:$0x2], $0x1000, $0x38;
	[tilespmem:$0x19580] =	vst v63  }
0x229: {  	s18 =	rddreg [dreg:$0xe]  }
0x22a: {  	[hbm4b:s18+s3] =	stream.linear.scatter [tilespmem:s9], [sflag:$0x2], $0x1000, $0x38;
	[tilespmem:$0x19580] =	vst v63  }
0x22b: {  	s19 =	rddreg [dreg:$0xf]  }
0x22c: {  	[hbm4b:s19+s3] =	stream.linear.scatter [tilespmem:s9], [sflag:$0x2], $0x1000, $0x38;
	[tilespmem:$0x19580] =	vst v63  }
0x22d: {  	_ = 	snop  }
0x22e: {  	[hbm4b:s20+s3] =	stream.linear.scatter [tilespmem:s9], [sflag:$0x2], $0x1000, $0x38;
	[tilespmem:$0x19580] =	vst v63  }
0x22f: {  	p5 =	por $0x1, $0x1  }
0x230: {  	[hbm4b:s21+s3] =	stream.linear.scatter [tilespmem:s9], [sflag:$0x2], $0x1000, $0x38;
	[tilespmem:$0x19580] =	vst v63  }
.LBB2_15:
0x231: {  	[hbm4b:s23+s3] =	stream.linear.scatter [tilespmem:s9], [sflag:$0x2], $0x1000, $0x38;
	[tilespmem:$0x19580] =	vst v63  }
0x232: {  	_ = 	snop  }
0x233: {  	[hbm4b:s25+s3] =	stream.linear.scatter [tilespmem:s9], [sflag:$0x2], $0x1000, $0x38;
	[tilespmem:$0x19580] =	vst v63  }
0x234: {  	_ = 	snop  }
0x235: {  	[hbm4b:s26+s3] =	stream.linear.scatter [tilespmem:s9], [sflag:$0x2], $0x1000, $0x38;
	[tilespmem:$0x19580] =	vst v63  }
0x236: {  	_ = 	snop  }
0x237: {  	[hbm4b:s28+s3] =	stream.linear.scatter [tilespmem:s9], [sflag:$0x2], $0x1000, $0x38;
	[tilespmem:$0x19580] =	vst v63  }
0x238: {  	_ = 	snop  }
0x239: {  	[hbm4b:s29+s3] =	stream.linear.scatter [tilespmem:s9], [sflag:$0x2], $0x1000, $0x38;
	[tilespmem:$0x19580] =	vst v63  }
0x23a: {  	_ = 	snop  }
0x23b: {  	[hbm4b:s30+s3] =	stream.linear.scatter [tilespmem:s9], [sflag:$0x2], $0x1000, $0x38;
	[tilespmem:$0x19580] =	vst v63  }
.Ltmp11:
0x23c: {  	_ = 	snop;
	(pc) =	sbr.rel @p3 .LBB2_23-.Ltmp11, $4  }
0x23d: {  	_ = 	snop  }
0x23e: {  	[hbm4b:s31+s3] =	stream.linear.scatter [tilespmem:s9], [sflag:$0x2], $0x1000, $0x38;
	[tilespmem:$0x19580] =	vst v63  }
0x23f: {  	p4 =	por $0x1, $0x1  }
0x240: {  	[hbm4b:s1+s3] =	stream.linear.scatter [tilespmem:s9], [sflag:$0x2], $0x1000, $0x38;
	[tilespmem:$0x19580] =	vst v63  }
.LBB2_16:
0x241: {  	p3 =	sgt.u32 s8, $0x7F  }
.Ltmp12:
0x242: {  	_ = 	snop;
	(pc) =	sbr.rel @p3 .LBB2_22-.Ltmp12, $4  }
0x243: {  	_ = 	snop  }
0x244: {  	_ =	swait.ge [sflag:s10], $0x8000  }
0x245: {  	[sflag:s10] =	ssyncset.done $0x0  }
0x246: {  	[sflag:s10] =	ssyncadd.s32 $0xFFFF8000  }
0x247: {  	s17 =	ssub.s32 $0x80, s12  }
0x248: {  	p6 =	sne.s32 s17, $0x1  }
.Ltmp13:
0x249: {  	_ = 	snop;
	(pc) =	sbr.rel @!p6 .LBB2_18-.Ltmp13, $3  }
0x24a: {  	_ =	sdelay $0x1  }
0x24b: {  	s15 =	sshll.u32 s12, $0x8;
	s16 =	sshll.u32 s12, $0x7;
	p3 =	por $0x0, $0x0  }
0x24c: {  	s18 =	sand.u32 $0x7800, s15;
	s19 =	sand.u32 $0x380, s16;
	s17 =	sadd.s32 $0xFFFFFFFF, s17  }
0x24d: {  	s12 =	sor.u32 s19, s18  }
0x24e: {  	[tilespmem:s12+$0x9F0] =	vst v8  }
0x24f: {  	[tilespmem:s12+$0x580] =	vst v8  }
0x250: {  	[tilespmem:s12+$0x590] =	vst v8  }
0x251: {  	[tilespmem:s12+$0x5A0] =	vst v8  }
0x252: {  	[tilespmem:s12+$0x5B0] =	vst v8  }
0x253: {  	[tilespmem:s12+$0x5C0] =	vst v8  }
0x254: {  	[tilespmem:s12+$0x5D0] =	vst v8  }
0x255: {  	[tilespmem:s12+$0x5E0] =	vst v8  }
0x256: {  	[tilespmem:s12+$0x5F0] =	vst v8  }
0x257: {  	p6 =	sne.s32 s17, $0x1;
	[tilespmem:s12+$0x980] =	vst v8  }
.Ltmp14:
0x258: {  	[tilespmem:s12+$0x990] =	vst v8;
	(pc) =	sbr.rel @!p6 .LBB2_21-.Ltmp14, $4  }
0x259: {  	[tilespmem:s12+$0x9A0] =	vst v8  }
0x25a: {  	[tilespmem:s12+$0x9B0] =	vst v8  }
0x25b: {  	s15 =	sadd.s32 $0x100, s15;
	s16 =	sadd.s32 $0x80, s16;
	s17 =	sadd.s32 $0xFFFFFFFF, s17;
	[tilespmem:s12+$0x9C0] =	vst v8  }
0x25c: {  	p3 =	por $0x1, $0x1;
	s18 =	sand.u32 $0x7800, s15;
	s19 =	sand.u32 $0x380, s16;
	[tilespmem:s12+$0x9D0] =	vst v8  }
.LBB2_20:
0x25d: {  	p6 =	sne.s32 s17, $0x1;
	[tilespmem:s12+$0x9E0] =	vst v8;
	s12 =	sor.u32 s19, s18  }
0x25e: {  	[tilespmem:s12+$0x9F0] =	vst v8  }
0x25f: {  	[tilespmem:s12+$0x580] =	vst v8  }
0x260: {  	[tilespmem:s12+$0x590] =	vst v8  }
0x261: {  	[tilespmem:s12+$0x5A0] =	vst v8  }
0x262: {  	[tilespmem:s12+$0x5B0] =	vst v8  }
0x263: {  	[tilespmem:s12+$0x5C0] =	vst v8  }
0x264: {  	[tilespmem:s12+$0x5D0] =	vst v8  }
0x265: {  	[tilespmem:s12+$0x5E0] =	vst v8  }
0x266: {  	[tilespmem:s12+$0x5F0] =	vst v8  }
0x267: {  	[tilespmem:s12+$0x980] =	vst v8  }
.Ltmp15:
0x268: {  	[tilespmem:s12+$0x990] =	vst v8;
	(pc) =	sbr.rel @p6 .LBB2_20-.Ltmp15, $4  }
0x269: {  	[tilespmem:s12+$0x9A0] =	vst v8  }
0x26a: {  	[tilespmem:s12+$0x9B0] =	vst v8  }
0x26b: {  	s16 =	sadd.s32 $0x80, s16;
	s15 =	sadd.s32 $0x100, s15;
	[tilespmem:s12+$0x9C0] =	vst v8  }
0x26c: {  	s17 =	sadd.s32 $0xFFFFFFFF, s17;
	s18 =	sand.u32 $0x7800, s15;
	s19 =	sand.u32 $0x380, s16;
	[tilespmem:s12+$0x9D0] =	vst v8  }
.LBB2_21:
0x26d: {  	s15 =	sor.u32 s19, s18;
	[tilespmem:s12+$0x9E0] =	vst @p3 v8  }
0x26e: {  	[tilespmem:s15+$0x9F0] =	vst v8  }
0x26f: {  	[tilespmem:s15+$0x580] =	vst v8  }
0x270: {  	[tilespmem:s15+$0x590] =	vst v8  }
0x271: {  	[tilespmem:s15+$0x5A0] =	vst v8  }
0x272: {  	[tilespmem:s15+$0x5B0] =	vst v8  }
0x273: {  	[tilespmem:s15+$0x5C0] =	vst v8  }
0x274: {  	[tilespmem:s15+$0x5D0] =	vst v8  }
0x275: {  	[tilespmem:s15+$0x5E0] =	vst v8  }
0x276: {  	[tilespmem:s15+$0x5F0] =	vst v8  }
0x277: {  	[tilespmem:s15+$0x980] =	vst v8  }
0x278: {  	[tilespmem:s15+$0x990] =	vst v8  }
0x279: {  	[tilespmem:s15+$0x9A0] =	vst v8  }
0x27a: {  	[tilespmem:s15+$0x9B0] =	vst v8  }
0x27b: {  	[tilespmem:s15+$0x9C0] =	vst v8  }
0x27c: {  	[tilespmem:s15+$0x9D0] =	vst v8  }
0x27d: {  	[tilespmem:s15+$0x9E0] =	vst v8  }
.LBB2_22:
0x27e: {  	s12 =	simm.s32 $0x580  }
0x27f: {  	[hbm4b:s6+s3] =	stream.linear.scatter [tilespmem:s12], [sflag:$0x2], $0x8000, $0x38;
	[tilespmem:$0x19580] =	vst v63  }
.LBB2_23:
.Ltmp16:
0x280: {  	(pc) =	sbr.rel @!p1 .LBB2_31-.Ltmp16, $1  }
0x281: {  	_ =	sdelay $0x3  }
0x282: {  	p3 =	sgt.s32 s8, $0xFF  }
.Ltmp17:
0x283: {  	_ = 	snop;
	(pc) =	sbr.rel @p3 .LBB2_30-.Ltmp17, $4  }
0x284: {  	_ = 	snop  }
0x285: {  	_ =	swait.ge [sflag:s10], $0x8000  }
0x286: {  	[sflag:s10] =	ssyncset.done $0x0  }
0x287: {  	[sflag:s10] =	ssyncadd.s32 $0xFFFF8000  }
0x288: {  	s12 =	smax.u32 s13, $0x80  }
0x289: {  	s12 =	smin.u32 s12, $0x100  }
0x28a: {  	s15 =	smax.u32 s12, $0xFF  }
0x28b: {  	s15 =	ssub.s32 s15, s12  }
0x28c: {  	s17 =	sadd.s32 $0x1, s15  }
0x28d: {  	p6 =	sne.s32 s17, $0x1  }
.Ltmp18:
0x28e: {  	_ = 	snop;
	(pc) =	sbr.rel @!p6 .LBB2_26-.Ltmp18, $3  }
0x28f: {  	_ =	sdelay $0x1  }
0x290: {  	p3 =	por $0x0, $0x0;
	s16 =	sshll.u32 s12, $0x7;
	s15 =	sshll.u32 s12, $0x8  }
0x291: {  	s19 =	sand.u32 $0x380, s16;
	s18 =	sand.u32 $0xF800, s15;
	s17 =	sadd.s32 $0xFFFFFFFF, s17  }
0x292: {  	s12 =	sor.u32 s19, s18  }
0x293: {  	[tilespmem:s12+$0x9F0] =	vst v8  }
0x294: {  	[tilespmem:s12+$0x580] =	vst v8  }
0x295: {  	[tilespmem:s12+$0x590] =	vst v8  }
0x296: {  	[tilespmem:s12+$0x5A0] =	vst v8  }
0x297: {  	[tilespmem:s12+$0x5B0] =	vst v8  }
0x298: {  	[tilespmem:s12+$0x5C0] =	vst v8  }
0x299: {  	[tilespmem:s12+$0x5D0] =	vst v8  }
0x29a: {  	[tilespmem:s12+$0x5E0] =	vst v8  }
0x29b: {  	[tilespmem:s12+$0x5F0] =	vst v8  }
0x29c: {  	p6 =	sne.s32 s17, $0x1;
	[tilespmem:s12+$0x980] =	vst v8  }
.Ltmp19:
0x29d: {  	[tilespmem:s12+$0x990] =	vst v8;
	(pc) =	sbr.rel @!p6 .LBB2_29-.Ltmp19, $4  }
0x29e: {  	[tilespmem:s12+$0x9A0] =	vst v8  }
0x29f: {  	[tilespmem:s12+$0x9B0] =	vst v8  }
0x2a0: {  	s15 =	sadd.s32 $0x100, s15;
	s16 =	sadd.s32 $0x80, s16;
	s17 =	sadd.s32 $0xFFFFFFFF, s17;
	[tilespmem:s12+$0x9C0] =	vst v8  }
0x2a1: {  	p3 =	por $0x1, $0x1;
	s18 =	sand.u32 $0xF800, s15;
	s19 =	sand.u32 $0x380, s16;
	[tilespmem:s12+$0x9D0] =	vst v8  }
.LBB2_28:
0x2a2: {  	p6 =	sne.s32 s17, $0x1;
	[tilespmem:s12+$0x9E0] =	vst v8;
	s12 =	sor.u32 s19, s18  }
0x2a3: {  	[tilespmem:s12+$0x9F0] =	vst v8  }
0x2a4: {  	[tilespmem:s12+$0x580] =	vst v8  }
0x2a5: {  	[tilespmem:s12+$0x590] =	vst v8  }
0x2a6: {  	[tilespmem:s12+$0x5A0] =	vst v8  }
0x2a7: {  	[tilespmem:s12+$0x5B0] =	vst v8  }
0x2a8: {  	[tilespmem:s12+$0x5C0] =	vst v8  }
0x2a9: {  	[tilespmem:s12+$0x5D0] =	vst v8  }
0x2aa: {  	[tilespmem:s12+$0x5E0] =	vst v8  }
0x2ab: {  	[tilespmem:s12+$0x5F0] =	vst v8  }
0x2ac: {  	[tilespmem:s12+$0x980] =	vst v8  }
.Ltmp20:
0x2ad: {  	[tilespmem:s12+$0x990] =	vst v8;
	(pc) =	sbr.rel @p6 .LBB2_28-.Ltmp20, $4  }
0x2ae: {  	[tilespmem:s12+$0x9A0] =	vst v8  }
0x2af: {  	[tilespmem:s12+$0x9B0] =	vst v8  }
0x2b0: {  	s16 =	sadd.s32 $0x80, s16;
	s15 =	sadd.s32 $0x100, s15;
	[tilespmem:s12+$0x9C0] =	vst v8  }
0x2b1: {  	s17 =	sadd.s32 $0xFFFFFFFF, s17;
	s18 =	sand.u32 $0xF800, s15;
	s19 =	sand.u32 $0x380, s16;
	[tilespmem:s12+$0x9D0] =	vst v8  }
.LBB2_29:
0x2b2: {  	s15 =	sor.u32 s19, s18;
	[tilespmem:s12+$0x9E0] =	vst @p3 v8  }
0x2b3: {  	[tilespmem:s15+$0x9F0] =	vst v8  }
0x2b4: {  	[tilespmem:s15+$0x580] =	vst v8  }
0x2b5: {  	[tilespmem:s15+$0x590] =	vst v8  }
0x2b6: {  	[tilespmem:s15+$0x5A0] =	vst v8  }
0x2b7: {  	[tilespmem:s15+$0x5B0] =	vst v8  }
0x2b8: {  	[tilespmem:s15+$0x5C0] =	vst v8  }
0x2b9: {  	[tilespmem:s15+$0x5D0] =	vst v8  }
0x2ba: {  	[tilespmem:s15+$0x5E0] =	vst v8  }
0x2bb: {  	[tilespmem:s15+$0x5F0] =	vst v8  }
0x2bc: {  	[tilespmem:s15+$0x980] =	vst v8  }
0x2bd: {  	[tilespmem:s15+$0x990] =	vst v8  }
0x2be: {  	[tilespmem:s15+$0x9A0] =	vst v8  }
0x2bf: {  	[tilespmem:s15+$0x9B0] =	vst v8  }
0x2c0: {  	[tilespmem:s15+$0x9C0] =	vst v8  }
0x2c1: {  	[tilespmem:s15+$0x9D0] =	vst v8  }
0x2c2: {  	[tilespmem:s15+$0x9E0] =	vst v8  }
.LBB2_30:
0x2c3: {  	s12 =	simm.s32 $0x8580  }
0x2c4: {  	[hbm4b:s14+s3] =	stream.linear.scatter [tilespmem:s12], [sflag:$0x2], $0x8000, $0x38;
	[tilespmem:$0x19580] =	vst v63  }
.LBB2_31:
.Ltmp21:
0x2c5: {  	(pc) =	sbr.rel @!p0 .LBB2_39-.Ltmp21, $1  }
0x2c6: {  	_ =	sdelay $0x3  }
0x2c7: {  	p3 =	sgt.s32 s8, $0x17F  }
.Ltmp22:
0x2c8: {  	_ = 	snop;
	(pc) =	sbr.rel @p3 .LBB2_38-.Ltmp22, $4  }
0x2c9: {  	_ = 	snop  }
0x2ca: {  	_ =	swait.ge [sflag:s10], $0x8000  }
0x2cb: {  	[sflag:s10] =	ssyncset.done $0x0  }
0x2cc: {  	[sflag:s10] =	ssyncadd.s32 $0xFFFF8000  }
0x2cd: {  	s8 =	smax.u32 s13, $0x100;
	s12 =	smax.u32 s13, $0x17F  }
0x2ce: {  	s12 =	ssub.s32 s12, s8  }
0x2cf: {  	s15 =	sadd.s32 $0x1, s12  }
0x2d0: {  	p6 =	sne.s32 s15, $0x1  }
.Ltmp23:
0x2d1: {  	_ = 	snop;
	(pc) =	sbr.rel @!p6 .LBB2_34-.Ltmp23, $3  }
0x2d2: {  	_ =	sdelay $0x1  }
0x2d3: {  	p3 =	por $0x0, $0x0;
	s13 =	sshll.u32 s8, $0x7;
	s12 =	sshll.u32 s8, $0x8  }
0x2d4: {  	s17 =	sand.u32 $0x380, s13;
	s16 =	sand.u32 $0x1F800, s12;
	s15 =	sadd.s32 $0xFFFFFFFF, s15  }
0x2d5: {  	s8 =	sor.u32 s17, s16  }
0x2d6: {  	[tilespmem:s8+$0x9F0] =	vst v8  }
0x2d7: {  	[tilespmem:s8+$0x580] =	vst v8  }
0x2d8: {  	[tilespmem:s8+$0x590] =	vst v8  }
0x2d9: {  	[tilespmem:s8+$0x5A0] =	vst v8  }
0x2da: {  	[tilespmem:s8+$0x5B0] =	vst v8  }
0x2db: {  	[tilespmem:s8+$0x5C0] =	vst v8  }
0x2dc: {  	[tilespmem:s8+$0x5D0] =	vst v8  }
0x2dd: {  	[tilespmem:s8+$0x5E0] =	vst v8  }
0x2de: {  	[tilespmem:s8+$0x5F0] =	vst v8  }
0x2df: {  	p6 =	sne.s32 s15, $0x1;
	[tilespmem:s8+$0x980] =	vst v8  }
.Ltmp24:
0x2e0: {  	[tilespmem:s8+$0x990] =	vst v8;
	(pc) =	sbr.rel @!p6 .LBB2_37-.Ltmp24, $4  }
0x2e1: {  	[tilespmem:s8+$0x9A0] =	vst v8  }
0x2e2: {  	[tilespmem:s8+$0x9B0] =	vst v8  }
0x2e3: {  	s12 =	sadd.s32 $0x100, s12;
	s13 =	sadd.s32 $0x80, s13;
	s15 =	sadd.s32 $0xFFFFFFFF, s15;
	[tilespmem:s8+$0x9C0] =	vst v8  }
0x2e4: {  	p3 =	por $0x1, $0x1;
	s16 =	sand.u32 $0x1F800, s12;
	s17 =	sand.u32 $0x380, s13;
	[tilespmem:s8+$0x9D0] =	vst v8  }
.LBB2_36:
0x2e5: {  	p6 =	sne.s32 s15, $0x1;
	[tilespmem:s8+$0x9E0] =	vst v8;
	s8 =	sor.u32 s17, s16  }
0x2e6: {  	[tilespmem:s8+$0x9F0] =	vst v8  }
0x2e7: {  	[tilespmem:s8+$0x580] =	vst v8  }
0x2e8: {  	[tilespmem:s8+$0x590] =	vst v8  }
0x2e9: {  	[tilespmem:s8+$0x5A0] =	vst v8  }
0x2ea: {  	[tilespmem:s8+$0x5B0] =	vst v8  }
0x2eb: {  	[tilespmem:s8+$0x5C0] =	vst v8  }
0x2ec: {  	[tilespmem:s8+$0x5D0] =	vst v8  }
0x2ed: {  	[tilespmem:s8+$0x5E0] =	vst v8  }
0x2ee: {  	[tilespmem:s8+$0x5F0] =	vst v8  }
0x2ef: {  	[tilespmem:s8+$0x980] =	vst v8  }
.Ltmp25:
0x2f0: {  	[tilespmem:s8+$0x990] =	vst v8;
	(pc) =	sbr.rel @p6 .LBB2_36-.Ltmp25, $4  }
0x2f1: {  	[tilespmem:s8+$0x9A0] =	vst v8  }
0x2f2: {  	[tilespmem:s8+$0x9B0] =	vst v8  }
0x2f3: {  	s13 =	sadd.s32 $0x80, s13;
	s12 =	sadd.s32 $0x100, s12;
	[tilespmem:s8+$0x9C0] =	vst v8  }
0x2f4: {  	s15 =	sadd.s32 $0xFFFFFFFF, s15;
	s16 =	sand.u32 $0x1F800, s12;
	s17 =	sand.u32 $0x380, s13;
	[tilespmem:s8+$0x9D0] =	vst v8  }
.Ltmp26:
0x2f5: {  	_ = 	snop;
	(pc) =	sbr.rel .LBB2_37-.Ltmp26, $1  }
0x2f6: {  	_ =	sdelay $0x3  }
.LBB2_18:
.Ltmp27:
0x2f7: {  	(pc) =	sbr.rel .LBB2_21-.Ltmp27, $2  }
0x2f8: {  	_ =	sdelay $0x2  }
0x2f9: {  	_ = 	snop  }
.LBB2_26:
.Ltmp28:
0x2fa: {  	(pc) =	sbr.rel .LBB2_29-.Ltmp28, $2  }
0x2fb: {  	_ =	sdelay $0x2  }
0x2fc: {  	_ = 	snop  }
.LBB2_40:
0x2fd: {  	_ =	sfence.sel $0x180000  }
0x2fe: {  	[bflag:$0x0] =	sbarrier.arrive $0xFFFF  }
0x2ff: {  	_ =	strace $0x90000047  }
0x300: {  	s0 =	stileid.u32;
	[bflag:$0x2] =	sbarrier.arrive $0xFFFF  }
0x301: {  	p0 =	sne.s32 s0, $0x0;
	s0 =	rddreg [dreg:$0x3]  }
0x302: {  	s0 =	sadd.s32 @!p0 $0x100000, s0  }
0x303: {  	[sflag:s0] =	ssyncadd.tile.s32 @!p0 $0x1;
	_ =	shalt  }
.Lfunc_end2:
_tile_overlayer_lowered:
.L_overlay_start_2:
0x304: {  	(tag) =	ssettag $0x2  }
0x305: {  	s0 =	rddreg [dreg:$0x0];
	s2 =	stileid.u32  }
0x306: {  	s1 =	rddreg [dreg:$0x1];
	p0 =	sne.s32 s2, $0x0  }
0x307: {  	s3 =	rddreg [dreg:$0x2];
	[bflag:$0x3] =	sbarrier.arrive $0xFFFF;
	s2 =	simm.s32 @!p0 $0x1C03  }
0x308: {  	[timem:s3], [sflag:s2] =	dma.local @!p0 [hbm:s0], s1  }
0x309: {  	s0 =	simm.s32 @!p0 $0x3  }
0x30a: {  	_ =	swait.ge @!p0 [sflag:s0], s1  }
0x30b: {  	s1 =	ssub.s32 @!p0 $0x0, s1;
	[sflag:s0] =	ssyncset.done @!p0 $0x0  }
0x30c: {  	[sflag:s0] =	ssyncadd.s32 @!p0 s1  }
0x30d: {  	[bflag:$0x3] =	sbarrier.arrive $0xFFFF  }
0x30e: {  	_ =	shalt  }

</sc_bundles>
